<compile_context>
chip_gen: v7x
topology: tpu7x:2x2x1
jax: 0.10.2.dev20260603
libtpu: 0.0.44.dev20260713+nightly
codegen_flags: <defaults>
</compile_context>

<pallas_src>
import functools

import jax
import jax.numpy as jnp
from jax import lax
from jax.experimental import pallas as pl
from jax.experimental.pallas import tpu as pltpu
from jax.experimental.pallas import tpu_sc as plsc

_N = 10000
_NP = 10240
_E = 160000
_EP = 163840
_NG = 64
_EB = 2048
_R = 512
_EBK = 128
_NBLK = _EP // _EBK
_RPT = _NP // 16
_BPT = _NBLK // 32

_f32 = jnp.float32



def _pre_body(eat, wem1, bem1, wem2, bem2, we1, be1, we2, be2, we3, be3,
              e1o, e2o, e3o):
    i = pl.program_id(0)
    a = jnp.maximum(jnp.dot(eat[...], wem1[...],
                            preferred_element_type=_f32) + bem1[...], 0.0)
    ea = jnp.dot(a, wem2[...], preferred_element_type=_f32) + bem2[...]
    rows = lax.broadcasted_iota(jnp.int32, (_EB, 1), 0) + i * _EB
    valid = rows < _E
    e1 = jnp.dot(ea, we1[...], preferred_element_type=_f32) + be1[...]
    e1o[...] = jnp.where(valid, e1, -1e9)
    e2 = jnp.dot(ea, we2[...], preferred_element_type=_f32) + be2[...]
    e2 = jnp.where(valid, e2, -1e9)
    for c in range(4):
        e2o[c] = e2[:, c * 128:(c + 1) * 128]
    e3 = jnp.dot(ea, we3[...], preferred_element_type=_f32) + be3[...]
    e3 = jnp.where(valid, e3, -1e9)
    for c in range(8):
        e3o[c] = e3[:, c * 128:(c + 1) * 128]


def _full_spec(arr):
    nd = arr.ndim
    return pl.BlockSpec(arr.shape, lambda i, _nd=nd: (0,) * _nd)


def _pre_kernel(eap, wem1, bem1, wem2, bem2, we1, be1, we2, be2, we3, be3):
    weights = (wem1, bem1, wem2, bem2, we1, be1, we2, be2, we3, be3)
    return pl.pallas_call(
        _pre_body,
        grid=(_EP // _EB,),
        in_specs=[pl.BlockSpec((_EB, 8), lambda i: (i, 0))] +
                 [_full_spec(w) for w in weights],
        out_specs=[pl.BlockSpec((_EB, 128), lambda i: (i, 0)),
                   pl.BlockSpec((4, _EB, 128), lambda i: (0, i, 0)),
                   pl.BlockSpec((8, _EB, 128), lambda i: (0, i, 0))],
        out_shape=[jax.ShapeDtypeStruct((_EP, 128), _f32),
                   jax.ShapeDtypeStruct((4, _EP, 128), _f32),
                   jax.ShapeDtypeStruct((8, _EP, 128), _f32)],
    )(eap, *weights)


def _k1_body(C, h, a0, wn, nb, t_ref, s1_ref, s2_ref):
    i = pl.program_id(0)
    acc = None
    for c in range(C):
        m = jnp.dot(h[c] + a0[c], wn[c],
                    preferred_element_type=_f32)
        acc = m if acc is None else acc + m
    t = jnp.maximum(acc + nb[...], 0.0)
    rows = lax.broadcasted_iota(jnp.int32, (_R, 1), 0) + i * _R
    t = jnp.where(rows < _N, t, 0.0)
    t_ref[...] = t
    ps = jnp.sum(t, axis=0, keepdims=True)
    psq = jnp.sum(t * t, axis=0, keepdims=True)

    @pl.when(i == 0)
    def _():
        s1_ref[...] = ps
        s2_ref[...] = psq

    @pl.when(i > 0)
    def _():
        s1_ref[...] = s1_ref[...] + ps
        s2_ref[...] = s2_ref[...] + psq


def _k1_kernel(h3d, a03d, wn, nb, dout):
    C, _, w = h3d.shape
    return pl.pallas_call(
        functools.partial(_k1_body, C),
        grid=(_NP // _R,),
        in_specs=[pl.BlockSpec((C, _R, w), lambda i: (0, i, 0))] * 2 +
                 [_full_spec(wn), _full_spec(nb)],
        out_specs=[pl.BlockSpec((_R, dout), lambda i: (i, 0)),
                   pl.BlockSpec((1, dout), lambda i: (0, 0)),
                   pl.BlockSpec((1, dout), lambda i: (0, 0))],
        out_shape=[jax.ShapeDtypeStruct((_NP, dout), _f32),
                   jax.ShapeDtypeStruct((1, dout), _f32),
                   jax.ShapeDtypeStruct((1, dout), _f32)],
    )(h3d, a03d, wn, nb)


def _k2_body(n_chunks, t, s1, s2, g, b, out):
    m = s1[...] / float(_N)
    v = s2[...] / float(_N) - m * m
    scale = lax.rsqrt(v + 1e-5) * g[...]
    y = (t[...] - m) * scale + b[...]
    if n_chunks == 0:
        out[...] = y
    else:
        for c in range(n_chunks):
            out[c] = y[:, c * 128:(c + 1) * 128]


def _k2_kernel(t, s1, s2, g, b, n_chunks):
    dout = t.shape[1]
    if n_chunks == 0:
        out_specs = pl.BlockSpec((_R, dout), lambda i: (i, 0))
        out_shape = jax.ShapeDtypeStruct((_NP, dout), _f32)
    else:
        out_specs = pl.BlockSpec((n_chunks, _R, 128), lambda i: (0, i, 0))
        out_shape = jax.ShapeDtypeStruct((n_chunks, _NP, 128), _f32)
    return pl.pallas_call(
        functools.partial(_k2_body, n_chunks),
        grid=(_NP // _R,),
        in_specs=[pl.BlockSpec((_R, dout), lambda i: (i, 0)),
                  _full_spec(s1), _full_spec(s2),
                  _full_spec(g), _full_spec(b)],
        out_specs=out_specs,
        out_shape=out_shape,
    )(t, s1, s2, g, b)


def _pool_body(h3, bt, wf1, bf1, wf2, bf2, wf3, bf3, out_ref, psum, pcnt):
    i = pl.program_id(0)

    @pl.when(i == 0)
    def _():
        psum[...] = jnp.zeros_like(psum)
        pcnt[...] = jnp.zeros_like(pcnt)

    gid = lax.broadcasted_iota(jnp.int32, (_NG, _R), 0)
    oh = jnp.where(gid == bt[0], 1.0, 0.0)
    psum[...] = psum[...] + jnp.dot(oh, h3[...], preferred_element_type=_f32)
    cnt = jnp.sum(oh, axis=1, keepdims=True)
    pcnt[...] = pcnt[...] + lax.broadcast_in_dim(cnt, (_NG, 128), (0, 1))

    @pl.when(i == _NP // _R - 1)
    def _():
        den = jnp.maximum(pcnt[:, 0:1], 1.0)
        pooled = psum[...] / den
        r = jnp.maximum(jnp.dot(pooled, wf1[...],
                                preferred_element_type=_f32) + bf1[...], 0.0)
        r = jnp.maximum(jnp.dot(r, wf2[...],
                                preferred_element_type=_f32) + bf2[...], 0.0)
        out_ref[...] = jnp.dot(r, wf3[...],
                               preferred_element_type=_f32) + bf3[...]


def _pool_kernel(h3, batchp, wf1, bf1, wf2, bf2, wf3, bf3):
    weights = (wf1, bf1, wf2, bf2, wf3, bf3)
    return pl.pallas_call(
        _pool_body,
        grid=(_NP // _R,),
        in_specs=[pl.BlockSpec((_R, 2048), lambda i: (i, 0)),
                  pl.BlockSpec((1, 1, _R), lambda i: (i, 0, 0))] +
                 [_full_spec(w) for w in weights],
        out_specs=pl.BlockSpec((_NG, 128), lambda i: (0, 0)),
        out_shape=jax.ShapeDtypeStruct((_NG, 128), _f32),
        scratch_shapes=[pltpu.VMEM((_NG, 2048), _f32),
                        pltpu.VMEM((_NG, 128), _f32)],
    )(h3, batchp, *weights)



def _make_sc(C, W):
    mesh = plsc.VectorSubcoreMesh(core_axis_name="c", subcore_axis_name="s",
                                  num_cores=2, num_subcores=16)
    out_type = [jax.ShapeDtypeStruct((C * _NP, W), _f32) for _ in range(2)]
    IPT = _BPT * _EBK
    scratch = [pltpu.VMEM((IPT,), jnp.int32),
               pltpu.VMEM((_BPT, _EBK), jnp.int32),
               pltpu.VMEM((_EBK, W), _f32),
               pltpu.VMEM((_EBK, W), _f32),
               pltpu.VMEM_SHARED((_NP, W), _f32),
               pltpu.SemaphoreType.DMA,
               pltpu.SemaphoreType.DMA]

    def body(table, e, srcb, dstb, zz, out0, out1, *sc):
        srcv, dstv, gbuf, ebuf, acc, gsem, esem = sc

        cid = lax.axis_index("c")
        sid = lax.axis_index("s")
        wid = cid * 16 + sid
        r0 = pl.multiple_of(sid * _RPT, 8)
        ibase = pl.multiple_of(wid * IPT, 128)
        blk0 = wid * _BPT

        def chunk_body(c, carry):
            coff = c * _NP
            ceoff = c * _EP
            pltpu.sync_copy(srcb.at[pl.ds(ibase, IPT)], srcv)
            pltpu.sync_copy(dstb.at[pl.ds(blk0, _BPT)], dstv)

            def adj(q, cc):
                sl = pl.ds(pl.multiple_of(q * 16, 16), 16)
                srcv[sl] = srcv[sl] + coff
                return cc

            lax.fori_loop(0, IPT // 16, adj, 0)
            pltpu.sync_copy(zz.at[pl.ds(r0, _RPT)], acc.at[pl.ds(r0, _RPT)])
            plsc.subcore_barrier()

            def step(jj, cc):
                io = pl.multiple_of(jj * _EBK, _EBK)
                eo = pl.multiple_of(ceoff + (blk0 + jj) * _EBK, _EBK)
                gd = pltpu.async_copy(table.at[srcv.at[pl.ds(io, _EBK)]],
                                      gbuf, gsem)
                ed = pltpu.async_copy(e.at[pl.ds(eo, _EBK)], ebuf, esem)
                gd.wait()
                ed.wait()

                def rowf(r, c2):
                    for k in range(W // 16):
                        sl = pl.ds(k * 16, 16)
                        gbuf[r, sl] = jnp.maximum(gbuf[r, sl] + ebuf[r, sl],
                                                  0.0)
                    return c2

                lax.fori_loop(0, _EBK, rowf, 0)
                pltpu.sync_copy(gbuf, acc.at[dstv.at[jj]], add=True)
                return cc

            lax.fori_loop(0, _BPT, step, 0)
            plsc.subcore_barrier()
            o0 = pl.multiple_of(coff + r0, 8)

            @pl.when(cid == 0)
            def _():
                pltpu.sync_copy(acc.at[pl.ds(r0, _RPT)],
                                out0.at[pl.ds(o0, _RPT)])

            @pl.when(cid == 1)
            def _():
                pltpu.sync_copy(acc.at[pl.ds(r0, _RPT)],
                                out1.at[pl.ds(o0, _RPT)])

            plsc.subcore_barrier()
            return carry

        lax.fori_loop(0, C, chunk_body, 0)

    return pl.kernel(body, out_type=out_type, mesh=mesh,
                     scratch_types=scratch)



def kernel(x, edge_index, edge_attr, batch, Wem1, bem1, Wem2, bem2, We1, be1,
           Wn1, nb1, g1, b1, We2, be2, Wn2, nb2, g2, b2, We3, be3, Wn3, nb3,
           g3, b3, Wf1, bf1, Wf2, bf2, Wf3, bf3):
    i32 = jnp.int32
    xp = jnp.zeros((_NP, 128), _f32).at[:_N, :6].set(x)
    eap = jnp.zeros((_EP, 8), _f32).at[:_E, :6].set(edge_attr)
    src = jnp.zeros((_EP,), i32).at[:_E].set(edge_index[0])
    dst = jnp.zeros((_EP,), i32).at[:_E].set(edge_index[1]).reshape(_NBLK, _EBK)
    batchp = jnp.full((_NP,), _NG, i32).at[:_N].set(batch).reshape(
        _NP // _R, 1, _R)
    z128 = jnp.zeros((_NP, 128), _f32)

    wem1p = jnp.zeros((8, 64), _f32).at[:6].set(Wem1)
    we1p = jnp.zeros((64, 128), _f32).at[:, :6].set(We1)
    be1p = jnp.zeros((1, 128), _f32).at[0, :6].set(be1)
    wn1p = jnp.zeros((1, 128, 512), _f32).at[0, :6].set(Wn1)
    wn2r = Wn2.reshape(4, 128, 1024)
    wn3r = Wn3.reshape(8, 128, 2048)
    wf3p = jnp.zeros((512, 128), _f32).at[:, :86].set(Wf3)
    bf3p = jnp.zeros((1, 128), _f32).at[0, :86].set(bf3)
    r1 = lambda a: a.reshape(1, -1)

    e1, e2c, e3c = _pre_kernel(eap, wem1p, r1(bem1), Wem2, r1(bem2),
                               we1p, be1p, We2, r1(be2), We3, r1(be3))

    a1 = _make_sc(1, 128)(xp, e1, src, dst, z128)
    a1s = a1[0] + a1[1]
    t1, s11, s12 = _k1_kernel(xp.reshape(1, _NP, 128),
                              a1s.reshape(1, _NP, 128), wn1p, r1(nb1), 512)
    h1c = _k2_kernel(t1, s11, s12, r1(g1), r1(b1), 4)

    a2 = _make_sc(4, 128)(h1c.reshape(4 * _NP, 128),
                          e2c.reshape(4 * _EP, 128), src, dst, z128)
    t2, s21, s22 = _k1_kernel(h1c, (a2[0] + a2[1]).reshape(4, _NP, 128),
                              wn2r, r1(nb2), 1024)
    h2c = _k2_kernel(t2, s21, s22, r1(g2), r1(b2), 8)

    a3 = _make_sc(8, 128)(h2c.reshape(8 * _NP, 128),
                          e3c.reshape(8 * _EP, 128), src, dst, z128)
    t3, s31, s32 = _k1_kernel(h2c, (a3[0] + a3[1]).reshape(8, _NP, 128),
                              wn3r, r1(nb3), 2048)
    h3 = _k2_kernel(t3, s31, s32, r1(g3), r1(b3), 0)

    outp = _pool_kernel(h3, batchp, Wf1, r1(bf1), Wf2, r1(bf2), wf3p, bf3p)
    return outp[:, :86]

# --- scband reference (transcript-rebuilt; emitter-appended) ---
"""Pipeline reference for scband-gcn-45921790329652 (READ-ONLY COPY).

The authoritative reference and input builder live on the scoring server;
editing this copy changes nothing except your own understanding.
"""

import jax, jax.numpy as jnp
import numpy as np

N = 10000
E = 160000
NG = 64

def setup_inputs(seed: int = 0):
    key = jax.random.key(seed)
    ks = jax.random.split(key, 40)
    def rn(i, shape, fan):
        return jax.random.normal(ks[i], shape, dtype=jnp.float32) / np.sqrt(fan)
    inp = {}
    inp['x'] = jax.random.normal(ks[0], (N, 6), dtype=jnp.float32)
    inp['edge_index'] = jax.random.randint(ks[1], (2, E), 0, N, dtype=jnp.int32)
    inp['edge_attr'] = jax.random.normal(ks[2], (E, 6), dtype=jnp.float32)
    inp['batch'] = jnp.sort(jax.random.randint(ks[3], (N,), 0, NG, dtype=jnp.int32))
    inp['Wem1'] = rn(4, (6, 64), 6); inp['bem1'] = jnp.zeros((64,), jnp.float32)
    inp['Wem2'] = rn(5, (64, 64), 64); inp['bem2'] = jnp.zeros((64,), jnp.float32)
    inp['We1'] = rn(6, (64, 6), 64); inp['be1'] = jnp.zeros((6,), jnp.float32)
    inp['Wn1'] = rn(7, (6, 512), 6); inp['nb1'] = jnp.zeros((512,), jnp.float32)
    inp['g1'] = jnp.ones((512,), jnp.float32); inp['b1'] = jnp.zeros((512,), jnp.float32)
    inp['We2'] = rn(8, (64, 512), 64); inp['be2'] = jnp.zeros((512,), jnp.float32)
    inp['Wn2'] = rn(9, (512, 1024), 512); inp['nb2'] = jnp.zeros((1024,), jnp.float32)
    inp['g2'] = jnp.ones((1024,), jnp.float32); inp['b2'] = jnp.zeros((1024,), jnp.float32)
    inp['We3'] = rn(10, (64, 1024), 64); inp['be3'] = jnp.zeros((1024,), jnp.float32)
    inp['Wn3'] = rn(11, (1024, 2048), 1024); inp['nb3'] = jnp.zeros((2048,), jnp.float32)
    inp['g3'] = jnp.ones((2048,), jnp.float32); inp['b3'] = jnp.zeros((2048,), jnp.float32)
    inp['Wf1'] = rn(12, (2048, 1024), 2048); inp['bf1'] = jnp.zeros((1024,), jnp.float32)
    inp['Wf2'] = rn(13, (1024, 512), 1024); inp['bf2'] = jnp.zeros((512,), jnp.float32)
    inp['Wf3'] = rn(14, (512, 86), 512); inp['bf3'] = jnp.zeros((86,), jnp.float32)
    return inp

def _bn(h, g, b):
    m = h.mean(axis=0)
    v = h.var(axis=0)
    return (h - m) / jnp.sqrt(v + 1e-5) * g + b

def _gine(x, src, dst, ea, We, be, Wn, nb):
    # PyG GINEConv: message = relu(x_j + lin_edge(edge_attr)); sum-aggregate; nn((1+eps)*x + aggr), eps=0
    e = ea @ We + be
    msg = jax.nn.relu(x[src] + e)
    aggr = jnp.zeros_like(x).at[dst].add(msg)
    return (x + aggr) @ Wn + nb

def reference(x, edge_index, edge_attr, batch, Wem1, bem1, Wem2, bem2, We1, be1, Wn1, nb1, g1, b1, We2, be2, Wn2, nb2, g2, b2, We3, be3, Wn3, nb3, g3, b3, Wf1, bf1, Wf2, bf2, Wf3, bf3):
    src, dst = edge_index[0], edge_index[1]
    ea = jax.nn.relu(edge_attr @ Wem1 + bem1) @ Wem2 + bem2
    h = _gine(x, src, dst, ea, We1, be1, Wn1, nb1)
    h = _bn(jax.nn.relu(h), g1, b1)
    h = _gine(h, src, dst, ea, We2, be2, Wn2, nb2)
    h = _bn(jax.nn.relu(h), g2, b2)
    h = _gine(h, src, dst, ea, We3, be3, Wn3, nb3)
    h = _bn(jax.nn.relu(h), g3, b3)
    sums = jax.ops.segment_sum(h, batch, num_segments=NG)
    cnt = jax.ops.segment_sum(jnp.ones((h.shape[0],), jnp.float32), batch, num_segments=NG)
    pooled = sums / jnp.maximum(cnt, 1.0)[:, None]
    h = jax.nn.relu(pooled @ Wf1 + bf1)
    h = jax.nn.relu(h @ Wf2 + bf2)
    return h @ Wf3 + bf3

if __name__ == "__main__":
    import jax
    _d = setup_inputs()
    print(jax.jit(kernel)(*tuple(_d.values())))

</pallas_src>

<mosaic_0001>
#map = affine_map<(d0, d1) -> (0, 0)>
#map1 = affine_map<(d0, d1) -> (0)>
module attributes {stable_mosaic.version = 14 : i64} {
  func.func @body(%arg0: i32, %arg1: i32, %arg2: memref<10240x128xf32, #tpu.memory_space<hbm>>, %arg3: memref<163840x128xf32, #tpu.memory_space<hbm>>, %arg4: memref<163840xi32, #tpu.memory_space<hbm>>, %arg5: memref<1280x128xi32, #tpu.memory_space<hbm>>, %arg6: memref<10240x128xf32, #tpu.memory_space<hbm>>, %arg7: memref<10240x128xf32, #tpu.memory_space<hbm>>, %arg8: memref<10240x128xf32, #tpu.memory_space<hbm>>, %arg9: memref<5120xi32, #tpu.memory_space<vmem>>, %arg10: memref<40x128xi32, #tpu.memory_space<vmem>>, %arg11: memref<128x128xf32, #tpu.memory_space<vmem>>, %arg12: memref<128x128xf32, #tpu.memory_space<vmem>>, %arg13: memref<10240x128xf32, #tpu.memory_space<vmem_shared>>, %arg14: memref<!tpu.dma_semaphore, #tpu.memory_space<semaphore_mem>>, %arg15: memref<!tpu.dma_semaphore, #tpu.memory_space<semaphore_mem>>) attributes {dimension_semantics = [#tpu.dimension_semantics<core_parallel>, #tpu.dimension_semantics<subcore_parallel>], iteration_bounds = array<i64: 2, 16>, scalar_prefetch = 0 : i64, scratch_operands = 7 : i64, tpu.core_type = #tpu.core_type<sc_vector_subcore>, window_params = [{transform_indices = #map}, {transform_indices = #map}, {transform_indices = #map1}, {transform_indices = #map}, {transform_indices = #map}, {transform_indices = #map}, {transform_indices = #map}]} {
    %mul3A = arith.constant 16 : i32
    %mul3A_0 = arith.muli %arg0, %mul3A : i32
    %add3A = arith.addi %mul3A_0, %arg1 : i32
    %mul3A_1 = arith.constant 640 : i32
    %mul3A_2 = arith.muli %arg1, %mul3A_1 : i32
    %multiple_of3A = tpu.assume_multiple %mul3A_2, 8 : i32
    %mul3A_3 = arith.constant 5120 : i32
    %mul3A_4 = arith.muli %add3A, %mul3A_3 : i32
    %multiple_of3A_5 = tpu.assume_multiple %mul3A_4, 128 : i32
    %mul3A_6 = arith.constant 40 : i32
    %mul3A_7 = arith.muli %add3A, %mul3A_6 : i32
    %scan3A = arith.constant 0 : i32
    %scan3A_8 = arith.constant 0 : i32
    %mul3A_9 = arith.constant 10240 : i32
    %mul3A_10 = arith.muli %scan3A_8, %mul3A_9 : i32
    %mul3A_11 = arith.constant 163840 : i32
    %mul3A_12 = arith.muli %scan3A_8, %mul3A_11 : i32
    "tpu.region"() ({
      %run_scoped3A = tpu.sem_alloc : memref<!tpu.dma_semaphore, #tpu.memory_space<semaphore_mem>>
      %dma_start3A = tpu.memref_slice %arg4[%multiple_of3A_5] : memref<163840xi32, #tpu.memory_space<hbm>> -> memref<5120xi32, #tpu.memory_space<hbm>>
      %dma_start3A_37 = tpu.memref_slice %arg4[%multiple_of3A_5] : memref<163840xi32, #tpu.memory_space<hbm>> -> memref<5120xi32, #tpu.memory_space<hbm>>
      tpu.enqueue_dma source(%dma_start3A_37 : memref<5120xi32, #tpu.memory_space<hbm>>) target(%arg9 : memref<5120xi32, #tpu.memory_space<vmem>>) target_semaphore(%run_scoped3A : memref<!tpu.dma_semaphore, #tpu.memory_space<semaphore_mem>>)
      %dma_wait3A = tpu.memref_slice %arg4[%multiple_of3A_5] : memref<163840xi32, #tpu.memory_space<hbm>> -> memref<5120xi32, #tpu.memory_space<hbm>>
      %dma_wait3A_38 = tpu.memref_slice %arg4[%multiple_of3A_5] : memref<163840xi32, #tpu.memory_space<hbm>> -> memref<5120xi32, #tpu.memory_space<hbm>>
      tpu.wait_dma2 semaphore(%run_scoped3A : memref<!tpu.dma_semaphore, #tpu.memory_space<semaphore_mem>>) src(%dma_wait3A_38 : memref<5120xi32, #tpu.memory_space<hbm>>) dst(%arg9 : memref<5120xi32, #tpu.memory_space<vmem>>)
      tpu.yield
    }) : () -> ()
    "tpu.region"() ({
      %run_scoped3A = tpu.sem_alloc : memref<!tpu.dma_semaphore, #tpu.memory_space<semaphore_mem>>
      %dma_start3A = arith.constant 0 : i32
      %dma_start3A_37 = tpu.memref_slice %arg5[%mul3A_7, %dma_start3A] : memref<1280x128xi32, #tpu.memory_space<hbm>> -> memref<40x128xi32, #tpu.memory_space<hbm>>
      %dma_start3A_38 = arith.constant 0 : i32
      %dma_start3A_39 = tpu.memref_slice %arg5[%mul3A_7, %dma_start3A_38] : memref<1280x128xi32, #tpu.memory_space<hbm>> -> memref<40x128xi32, #tpu.memory_space<hbm>>
      tpu.enqueue_dma source(%dma_start3A_39 : memref<40x128xi32, #tpu.memory_space<hbm>>) target(%arg10 : memref<40x128xi32, #tpu.memory_space<vmem>>) target_semaphore(%run_scoped3A : memref<!tpu.dma_semaphore, #tpu.memory_space<semaphore_mem>>)
      %dma_wait3A = arith.constant 0 : i32
      %dma_wait3A_40 = tpu.memref_slice %arg5[%mul3A_7, %dma_wait3A] : memref<1280x128xi32, #tpu.memory_space<hbm>> -> memref<40x128xi32, #tpu.memory_space<hbm>>
      %dma_wait3A_41 = arith.constant 0 : i32
      %dma_wait3A_42 = tpu.memref_slice %arg5[%mul3A_7, %dma_wait3A_41] : memref<1280x128xi32, #tpu.memory_space<hbm>> -> memref<40x128xi32, #tpu.memory_space<hbm>>
      tpu.wait_dma2 semaphore(%run_scoped3A : memref<!tpu.dma_semaphore, #tpu.memory_space<semaphore_mem>>) src(%dma_wait3A_42 : memref<40x128xi32, #tpu.memory_space<hbm>>) dst(%arg10 : memref<40x128xi32, #tpu.memory_space<vmem>>)
      tpu.yield
    }) : () -> ()
    %scan3A_13 = arith.constant 0 : i32
    %scan3A_14 = arith.constant 0 : i32
    %scan3A_15 = arith.constant 320 : i32
    %scan3A_16 = arith.addi %scan3A_14, %scan3A_15 : i32
    %scan3A_17 = arith.constant 1 : i32
    scf.for %scan3A_37 = %scan3A_14 to %scan3A_16 step %scan3A_17  : i32 {
      %mul3A_38 = arith.constant 16 : i32
      %mul3A_39 = arith.muli %scan3A_37, %mul3A_38 : i32
      %multiple_of3A_40 = tpu.assume_multiple %mul3A_39, 16 : i32
      %get3A = arith.index_cast %multiple_of3A_40 : i32 to index
      %get3A_41 = tpu.vector_load %arg9[%get3A] {strides = array<i32>} : memref<5120xi32, #tpu.memory_space<vmem>>, vector<16xi32>,
      %get3A_42 = vector.shape_cast %get3A_41 : vector<16xi32> to vector<16xi32>
      %add3A_43 = vector.broadcast %mul3A_10 : i32 to vector<16xi32>
      %add3A_44 = arith.addi %get3A_42, %add3A_43 : vector<16xi32>
      %swap3A = arith.index_cast %multiple_of3A_40 : i32 to index
      %swap3A_45 = tpu.vector_load %arg9[%swap3A] {strides = array<i32>} : memref<5120xi32, #tpu.memory_space<vmem>>, vector<16xi32>,
      %swap3A_46 = vector.shape_cast %swap3A_45 : vector<16xi32> to vector<16xi32>
      %swap3A_47 = vector.shape_cast %add3A_44 : vector<16xi32> to vector<16xi32>
      tpu.vector_store %arg9[%swap3A], %swap3A_47 {strides = array<i32>} : memref<5120xi32, #tpu.memory_space<vmem>>, vector<16xi32>,
    }
    %scan3A_18 = arith.constant 320 : i32
    "tpu.region"() ({
      %run_scoped3A = tpu.sem_alloc : memref<!tpu.dma_semaphore, #tpu.memory_space<semaphore_mem>>
      %dma_start3A = arith.constant 0 : i32
      %dma_start3A_37 = tpu.memref_slice %arg13[%multiple_of3A, %dma_start3A] : memref<10240x128xf32, #tpu.memory_space<vmem_shared>> -> memref<640x128xf32, #tpu.memory_space<vmem_shared>>
      %dma_start3A_38 = arith.constant 0 : i32
      %dma_start3A_39 = tpu.memref_slice %arg6[%multiple_of3A, %dma_start3A_38] : memref<10240x128xf32, #tpu.memory_space<hbm>> -> memref<640x128xf32, #tpu.memory_space<hbm>>
      tpu.enqueue_dma source(%dma_start3A_39 : memref<640x128xf32, #tpu.memory_space<hbm>>) target(%dma_start3A_37 : memref<640x128xf32, #tpu.memory_space<vmem_shared>>) target_semaphore(%run_scoped3A : memref<!tpu.dma_semaphore, #tpu.memory_space<semaphore_mem>>)
      %dma_wait3A = arith.constant 0 : i32
      %dma_wait3A_40 = tpu.memref_slice %arg13[%multiple_of3A, %dma_wait3A] : memref<10240x128xf32, #tpu.memory_space<vmem_shared>> -> memref<640x128xf32, #tpu.memory_space<vmem_shared>>
      %dma_wait3A_41 = arith.constant 0 : i32
      %dma_wait3A_42 = tpu.memref_slice %arg6[%multiple_of3A, %dma_wait3A_41] : memref<10240x128xf32, #tpu.memory_space<hbm>> -> memref<640x128xf32, #tpu.memory_space<hbm>>
      tpu.wait_dma2 semaphore(%run_scoped3A : memref<!tpu.dma_semaphore, #tpu.memory_space<semaphore_mem>>) src(%dma_wait3A_42 : memref<640x128xf32, #tpu.memory_space<hbm>>) dst(%dma_wait3A_40 : memref<640x128xf32, #tpu.memory_space<vmem_shared>>)
      tpu.yield
    }) : () -> ()
    %barrier3A = arith.constant 0 : index
    tpu.barrier barrier_id(%barrier3A)
    %scan3A_19 = arith.constant 0 : i32
    %scan3A_20 = arith.constant 0 : i32
    %scan3A_21 = arith.constant 40 : i32
    %scan3A_22 = arith.addi %scan3A_20, %scan3A_21 : i32
    %scan3A_23 = arith.constant 1 : i32
    scf.for %scan3A_37 = %scan3A_20 to %scan3A_22 step %scan3A_23  : i32 {
      %mul3A_38 = arith.constant 128 : i32
      %mul3A_39 = arith.muli %scan3A_37, %mul3A_38 : i32
      %multiple_of3A_40 = tpu.assume_multiple %mul3A_39, 128 : i32
      %add3A_41 = arith.addi %mul3A_7, %scan3A_37 : i32
      %mul3A_42 = arith.constant 128 : i32
      %mul3A_43 = arith.muli %add3A_41, %mul3A_42 : i32
      %add3A_44 = arith.addi %mul3A_12, %mul3A_43 : i32
      %multiple_of3A_45 = tpu.assume_multiple %add3A_44, 128 : i32
      %dma_start3A = tpu.memref_slice %arg9[%multiple_of3A_40] : memref<5120xi32, #tpu.memory_space<vmem>> -> memref<128xi32, #tpu.memory_space<vmem>>
      %dma_start3A_46 = arith.constant 0 : i32
      %dma_start3A_47 = arith.constant 0 : i32
      %dma_start3A_48 = tpu.memref_slice %arg2[%dma_start3A_46, %dma_start3A_47] : memref<10240x128xf32, #tpu.memory_space<hbm>> -> memref<10240x128xf32, #tpu.memory_space<hbm>>
      tpu.enqueue_indirect_dma source(%dma_start3A_48 : memref<10240x128xf32, #tpu.memory_space<hbm>>) target(%arg11 : memref<128x128xf32, #tpu.memory_space<vmem>>) offsets(%dma_start3A : memref<128xi32, #tpu.memory_space<vmem>>) semaphore(%arg14 : memref<!tpu.dma_semaphore, #tpu.memory_space<semaphore_mem>>)
      %dma_start3A_49 = arith.constant 0 : i32
      %dma_start3A_50 = tpu.memref_slice %arg3[%multiple_of3A_45, %dma_start3A_49] : memref<163840x128xf32, #tpu.memory_space<hbm>> -> memref<128x128xf32, #tpu.memory_space<hbm>>
      %dma_start3A_51 = arith.constant 0 : i32
      %dma_start3A_52 = tpu.memref_slice %arg3[%multiple_of3A_45, %dma_start3A_51] : memref<163840x128xf32, #tpu.memory_space<hbm>> -> memref<128x128xf32, #tpu.memory_space<hbm>>
      tpu.enqueue_dma source(%dma_start3A_52 : memref<128x128xf32, #tpu.memory_space<hbm>>) target(%arg12 : memref<128x128xf32, #tpu.memory_space<vmem>>) target_semaphore(%arg15 : memref<!tpu.dma_semaphore, #tpu.memory_space<semaphore_mem>>)
      %dma_wait3A = tpu.memref_slice %arg9[%multiple_of3A_40] : memref<5120xi32, #tpu.memory_space<vmem>> -> memref<128xi32, #tpu.memory_space<vmem>>
      %dma_wait3A_53 = arith.constant 0 : i32
      %dma_wait3A_54 = arith.constant 0 : i32
      %dma_wait3A_55 = tpu.memref_slice %arg2[%dma_wait3A_53, %dma_wait3A_54] : memref<10240x128xf32, #tpu.memory_space<hbm>> -> memref<10240x128xf32, #tpu.memory_space<hbm>>
      tpu.wait_indirect_dma semaphore(%arg14 : memref<!tpu.dma_semaphore, #tpu.memory_space<semaphore_mem>>) src(%dma_wait3A_55 : memref<10240x128xf32, #tpu.memory_space<hbm>>) dst(%arg11 : memref<128x128xf32, #tpu.memory_space<vmem>>)
      %dma_wait3A_56 = arith.constant 0 : i32
      %dma_wait3A_57 = tpu.memref_slice %arg3[%multiple_of3A_45, %dma_wait3A_56] : memref<163840x128xf32, #tpu.memory_space<hbm>> -> memref<128x128xf32, #tpu.memory_space<hbm>>
      %dma_wait3A_58 = arith.constant 0 : i32
      %dma_wait3A_59 = tpu.memref_slice %arg3[%multiple_of3A_45, %dma_wait3A_58] : memref<163840x128xf32, #tpu.memory_space<hbm>> -> memref<128x128xf32, #tpu.memory_space<hbm>>
      tpu.wait_dma2 semaphore(%arg15 : memref<!tpu.dma_semaphore, #tpu.memory_space<semaphore_mem>>) src(%dma_wait3A_59 : memref<128x128xf32, #tpu.memory_space<hbm>>) dst(%arg12 : memref<128x128xf32, #tpu.memory_space<vmem>>)
      %scan3A_60 = arith.constant 0 : i32
      %scan3A_61 = arith.constant 0 : i32
      %scan3A_62 = arith.constant 128 : i32
      %scan3A_63 = arith.addi %scan3A_61, %scan3A_62 : i32
      %scan3A_64 = arith.constant 1 : i32
      scf.for %scan3A_66 = %scan3A_61 to %scan3A_63 step %scan3A_64  : i32 {
        %get3A = arith.index_cast %scan3A_66 : i32 to index
        %get3A_67 = arith.constant 0 : index
        %get3A_68 = tpu.vector_load %arg11[%get3A, %get3A_67] {strides = array<i32>} : memref<128x128xf32, #tpu.memory_space<vmem>>, vector<1x16xf32>,
        %get3A_69 = vector.shape_cast %get3A_68 : vector<1x16xf32> to vector<16xf32>
        %get3A_70 = arith.index_cast %scan3A_66 : i32 to index
        %get3A_71 = arith.constant 0 : index
        %get3A_72 = tpu.vector_load %arg12[%get3A_70, %get3A_71] {strides = array<i32>} : memref<128x128xf32, #tpu.memory_space<vmem>>, vector<1x16xf32>,
        %get3A_73 = vector.shape_cast %get3A_72 : vector<1x16xf32> to vector<16xf32>
        %add3A_74 = arith.addf %get3A_69, %get3A_73 : vector<16xf32>
        %max3A = arith.constant 0.000000e+00 : f32
        %max3A_75 = vector.broadcast %max3A : f32 to vector<16xf32>
        %max3A_76 = arith.maximumf %add3A_74, %max3A_75 : vector<16xf32>
        %swap3A = arith.index_cast %scan3A_66 : i32 to index
        %swap3A_77 = arith.constant 0 : index
        %swap3A_78 = tpu.vector_load %arg11[%swap3A, %swap3A_77] {strides = array<i32>} : memref<128x128xf32, #tpu.memory_space<vmem>>, vector<1x16xf32>,
        %swap3A_79 = vector.shape_cast %swap3A_78 : vector<1x16xf32> to vector<16xf32>
        %swap3A_80 = vector.shape_cast %max3A_76 : vector<16xf32> to vector<1x16xf32>
        tpu.vector_store %arg11[%swap3A, %swap3A_77], %swap3A_80 {strides = array<i32>} : memref<128x128xf32, #tpu.memory_space<vmem>>, vector<1x16xf32>,
        %get3A_81 = arith.index_cast %scan3A_66 : i32 to index
        %get3A_82 = arith.constant 16 : index
        %get3A_83 = tpu.vector_load %arg11[%get3A_81, %get3A_82] {strides = array<i32>} : memref<128x128xf32, #tpu.memory_space<vmem>>, vector<1x16xf32>,
        %get3A_84 = vector.shape_cast %get3A_83 : vector<1x16xf32> to vector<16xf32>
        %get3A_85 = arith.index_cast %scan3A_66 : i32 to index
        %get3A_86 = arith.constant 16 : index
        %get3A_87 = tpu.vector_load %arg12[%get3A_85, %get3A_86] {strides = array<i32>} : memref<128x128xf32, #tpu.memory_space<vmem>>, vector<1x16xf32>,
        %get3A_88 = vector.shape_cast %get3A_87 : vector<1x16xf32> to vector<16xf32>
        %add3A_89 = arith.addf %get3A_84, %get3A_88 : vector<16xf32>
        %max3A_90 = arith.constant 0.000000e+00 : f32
        %max3A_91 = vector.broadcast %max3A_90 : f32 to vector<16xf32>
        %max3A_92 = arith.maximumf %add3A_89, %max3A_91 : vector<16xf32>
        %swap3A_93 = arith.index_cast %scan3A_66 : i32 to index
        %swap3A_94 = arith.constant 16 : index
        %swap3A_95 = tpu.vector_load %arg11[%swap3A_93, %swap3A_94] {strides = array<i32>} : memref<128x128xf32, #tpu.memory_space<vmem>>, vector<1x16xf32>,
        %swap3A_96 = vector.shape_cast %swap3A_95 : vector<1x16xf32> to vector<16xf32>
        %swap3A_97 = vector.shape_cast %max3A_92 : vector<16xf32> to vector<1x16xf32>
        tpu.vector_store %arg11[%swap3A_93, %swap3A_94], %swap3A_97 {strides = array<i32>} : memref<128x128xf32, #tpu.memory_space<vmem>>, vector<1x16xf32>,
        %get3A_98 = arith.index_cast %scan3A_66 : i32 to index
        %get3A_99 = arith.constant 32 : index
        %get3A_100 = tpu.vector_load %arg11[%get3A_98, %get3A_99] {strides = array<i32>} : memref<128x128xf32, #tpu.memory_space<vmem>>, vector<1x16xf32>,
        %get3A_101 = vector.shape_cast %get3A_100 : vector<1x16xf32> to vector<16xf32>
        %get3A_102 = arith.index_cast %scan3A_66 : i32 to index
        %get3A_103 = arith.constant 32 : index
        %get3A_104 = tpu.vector_load %arg12[%get3A_102, %get3A_103] {strides = array<i32>} : memref<128x128xf32, #tpu.memory_space<vmem>>, vector<1x16xf32>,
        %get3A_105 = vector.shape_cast %get3A_104 : vector<1x16xf32> to vector<16xf32>
        %add3A_106 = arith.addf %get3A_101, %get3A_105 : vector<16xf32>
        %max3A_107 = arith.constant 0.000000e+00 : f32
        %max3A_108 = vector.broadcast %max3A_107 : f32 to vector<16xf32>
        %max3A_109 = arith.maximumf %add3A_106, %max3A_108 : vector<16xf32>
        %swap3A_110 = arith.index_cast %scan3A_66 : i32 to index
        %swap3A_111 = arith.constant 32 : index
        %swap3A_112 = tpu.vector_load %arg11[%swap3A_110, %swap3A_111] {strides = array<i32>} : memref<128x128xf32, #tpu.memory_space<vmem>>, vector<1x16xf32>,
        %swap3A_113 = vector.shape_cast %swap3A_112 : vector<1x16xf32> to vector<16xf32>
        %swap3A_114 = vector.shape_cast %max3A_109 : vector<16xf32> to vector<1x16xf32>
        tpu.vector_store %arg11[%swap3A_110, %swap3A_111], %swap3A_114 {strides = array<i32>} : memref<128x128xf32, #tpu.memory_space<vmem>>, vector<1x16xf32>,
        %get3A_115 = arith.index_cast %scan3A_66 : i32 to index
        %get3A_116 = arith.constant 48 : index
        %get3A_117 = tpu.vector_load %arg11[%get3A_115, %get3A_116] {strides = array<i32>} : memref<128x128xf32, #tpu.memory_space<vmem>>, vector<1x16xf32>,
        %get3A_118 = vector.shape_cast %get3A_117 : vector<1x16xf32> to vector<16xf32>
        %get3A_119 = arith.index_cast %scan3A_66 : i32 to index
        %get3A_120 = arith.constant 48 : index
        %get3A_121 = tpu.vector_load %arg12[%get3A_119, %get3A_120] {strides = array<i32>} : memref<128x128xf32, #tpu.memory_space<vmem>>, vector<1x16xf32>,
        %get3A_122 = vector.shape_cast %get3A_121 : vector<1x16xf32> to vector<16xf32>
        %add3A_123 = arith.addf %get3A_118, %get3A_122 : vector<16xf32>
        %max3A_124 = arith.constant 0.000000e+00 : f32
        %max3A_125 = vector.broadcast %max3A_124 : f32 to vector<16xf32>
        %max3A_126 = arith.maximumf %add3A_123, %max3A_125 : vector<16xf32>
        %swap3A_127 = arith.index_cast %scan3A_66 : i32 to index
        %swap3A_128 = arith.constant 48 : index
        %swap3A_129 = tpu.vector_load %arg11[%swap3A_127, %swap3A_128] {strides = array<i32>} : memref<128x128xf32, #tpu.memory_space<vmem>>, vector<1x16xf32>,
        %swap3A_130 = vector.shape_cast %swap3A_129 : vector<1x16xf32> to vector<16xf32>
        %swap3A_131 = vector.shape_cast %max3A_126 : vector<16xf32> to vector<1x16xf32>
        tpu.vector_store %arg11[%swap3A_127, %swap3A_128], %swap3A_131 {strides = array<i32>} : memref<128x128xf32, #tpu.memory_space<vmem>>, vector<1x16xf32>,
        %get3A_132 = arith.index_cast %scan3A_66 : i32 to index
        %get3A_133 = arith.constant 64 : index
        %get3A_134 = tpu.vector_load %arg11[%get3A_132, %get3A_133] {strides = array<i32>} : memref<128x128xf32, #tpu.memory_space<vmem>>, vector<1x16xf32>,
        %get3A_135 = vector.shape_cast %get3A_134 : vector<1x16xf32> to vector<16xf32>
        %get3A_136 = arith.index_cast %scan3A_66 : i32 to index
        %get3A_137 = arith.constant 64 : index
        %get3A_138 = tpu.vector_load %arg12[%get3A_136, %get3A_137] {strides = array<i32>} : memref<128x128xf32, #tpu.memory_space<vmem>>, vector<1x16xf32>,
        %get3A_139 = vector.shape_cast %get3A_138 : vector<1x16xf32> to vector<16xf32>
        %add3A_140 = arith.addf %get3A_135, %get3A_139 : vector<16xf32>
        %max3A_141 = arith.constant 0.000000e+00 : f32
        %max3A_142 = vector.broadcast %max3A_141 : f32 to vector<16xf32>
        %max3A_143 = arith.maximumf %add3A_140, %max3A_142 : vector<16xf32>
        %swap3A_144 = arith.index_cast %scan3A_66 : i32 to index
        %swap3A_145 = arith.constant 64 : index
        %swap3A_146 = tpu.vector_load %arg11[%swap3A_144, %swap3A_145] {strides = array<i32>} : memref<128x128xf32, #tpu.memory_space<vmem>>, vector<1x16xf32>,
        %swap3A_147 = vector.shape_cast %swap3A_146 : vector<1x16xf32> to vector<16xf32>
        %swap3A_148 = vector.shape_cast %max3A_143 : vector<16xf32> to vector<1x16xf32>
        tpu.vector_store %arg11[%swap3A_144, %swap3A_145], %swap3A_148 {strides = array<i32>} : memref<128x128xf32, #tpu.memory_space<vmem>>, vector<1x16xf32>,
        %get3A_149 = arith.index_cast %scan3A_66 : i32 to index
        %get3A_150 = arith.constant 80 : index
        %get3A_151 = tpu.vector_load %arg11[%get3A_149, %get3A_150] {strides = array<i32>} : memref<128x128xf32, #tpu.memory_space<vmem>>, vector<1x16xf32>,
        %get3A_152 = vector.shape_cast %get3A_151 : vector<1x16xf32> to vector<16xf32>
        %get3A_153 = arith.index_cast %scan3A_66 : i32 to index
        %get3A_154 = arith.constant 80 : index
        %get3A_155 = tpu.vector_load %arg12[%get3A_153, %get3A_154] {strides = array<i32>} : memref<128x128xf32, #tpu.memory_space<vmem>>, vector<1x16xf32>,
        %get3A_156 = vector.shape_cast %get3A_155 : vector<1x16xf32> to vector<16xf32>
        %add3A_157 = arith.addf %get3A_152, %get3A_156 : vector<16xf32>
        %max3A_158 = arith.constant 0.000000e+00 : f32
        %max3A_159 = vector.broadcast %max3A_158 : f32 to vector<16xf32>
        %max3A_160 = arith.maximumf %add3A_157, %max3A_159 : vector<16xf32>
        %swap3A_161 = arith.index_cast %scan3A_66 : i32 to index
        %swap3A_162 = arith.constant 80 : index
        %swap3A_163 = tpu.vector_load %arg11[%swap3A_161, %swap3A_162] {strides = array<i32>} : memref<128x128xf32, #tpu.memory_space<vmem>>, vector<1x16xf32>,
        %swap3A_164 = vector.shape_cast %swap3A_163 : vector<1x16xf32> to vector<16xf32>
        %swap3A_165 = vector.shape_cast %max3A_160 : vector<16xf32> to vector<1x16xf32>
        tpu.vector_store %arg11[%swap3A_161, %swap3A_162], %swap3A_165 {strides = array<i32>} : memref<128x128xf32, #tpu.memory_space<vmem>>, vector<1x16xf32>,
        %get3A_166 = arith.index_cast %scan3A_66 : i32 to index
        %get3A_167 = arith.constant 96 : index
        %get3A_168 = tpu.vector_load %arg11[%get3A_166, %get3A_167] {strides = array<i32>} : memref<128x128xf32, #tpu.memory_space<vmem>>, vector<1x16xf32>,
        %get3A_169 = vector.shape_cast %get3A_168 : vector<1x16xf32> to vector<16xf32>
        %get3A_170 = arith.index_cast %scan3A_66 : i32 to index
        %get3A_171 = arith.constant 96 : index
        %get3A_172 = tpu.vector_load %arg12[%get3A_170, %get3A_171] {strides = array<i32>} : memref<128x128xf32, #tpu.memory_space<vmem>>, vector<1x16xf32>,
        %get3A_173 = vector.shape_cast %get3A_172 : vector<1x16xf32> to vector<16xf32>
        %add3A_174 = arith.addf %get3A_169, %get3A_173 : vector<16xf32>
        %max3A_175 = arith.constant 0.000000e+00 : f32
        %max3A_176 = vector.broadcast %max3A_175 : f32 to vector<16xf32>
        %max3A_177 = arith.maximumf %add3A_174, %max3A_176 : vector<16xf32>
        %swap3A_178 = arith.index_cast %scan3A_66 : i32 to index
        %swap3A_179 = arith.constant 96 : index
        %swap3A_180 = tpu.vector_load %arg11[%swap3A_178, %swap3A_179] {strides = array<i32>} : memref<128x128xf32, #tpu.memory_space<vmem>>, vector<1x16xf32>,
        %swap3A_181 = vector.shape_cast %swap3A_180 : vector<1x16xf32> to vector<16xf32>
        %swap3A_182 = vector.shape_cast %max3A_177 : vector<16xf32> to vector<1x16xf32>
        tpu.vector_store %arg11[%swap3A_178, %swap3A_179], %swap3A_182 {strides = array<i32>} : memref<128x128xf32, #tpu.memory_space<vmem>>, vector<1x16xf32>,
        %get3A_183 = arith.index_cast %scan3A_66 : i32 to index
        %get3A_184 = arith.constant 112 : index
        %get3A_185 = tpu.vector_load %arg11[%get3A_183, %get3A_184] {strides = array<i32>} : memref<128x128xf32, #tpu.memory_space<vmem>>, vector<1x16xf32>,
        %get3A_186 = vector.shape_cast %get3A_185 : vector<1x16xf32> to vector<16xf32>
        %get3A_187 = arith.index_cast %scan3A_66 : i32 to index
        %get3A_188 = arith.constant 112 : index
        %get3A_189 = tpu.vector_load %arg12[%get3A_187, %get3A_188] {strides = array<i32>} : memref<128x128xf32, #tpu.memory_space<vmem>>, vector<1x16xf32>,
        %get3A_190 = vector.shape_cast %get3A_189 : vector<1x16xf32> to vector<16xf32>
        %add3A_191 = arith.addf %get3A_186, %get3A_190 : vector<16xf32>
        %max3A_192 = arith.constant 0.000000e+00 : f32
        %max3A_193 = vector.broadcast %max3A_192 : f32 to vector<16xf32>
        %max3A_194 = arith.maximumf %add3A_191, %max3A_193 : vector<16xf32>
        %swap3A_195 = arith.index_cast %scan3A_66 : i32 to index
        %swap3A_196 = arith.constant 112 : index
        %swap3A_197 = tpu.vector_load %arg11[%swap3A_195, %swap3A_196] {strides = array<i32>} : memref<128x128xf32, #tpu.memory_space<vmem>>, vector<1x16xf32>,
        %swap3A_198 = vector.shape_cast %swap3A_197 : vector<1x16xf32> to vector<16xf32>
        %swap3A_199 = vector.shape_cast %max3A_194 : vector<16xf32> to vector<1x16xf32>
        tpu.vector_store %arg11[%swap3A_195, %swap3A_196], %swap3A_199 {strides = array<i32>} : memref<128x128xf32, #tpu.memory_space<vmem>>, vector<1x16xf32>,
      }
      %scan3A_65 = arith.constant 128 : i32
      "tpu.region"() ({
        %run_scoped3A = tpu.sem_alloc : memref<!tpu.dma_semaphore, #tpu.memory_space<semaphore_mem>>
        %dma_start3A_66 = arith.constant 0 : i32
        %dma_start3A_67 = tpu.memref_slice %arg10[%scan3A_37, %dma_start3A_66] : memref<40x128xi32, #tpu.memory_space<vmem>> -> memref<1x128xi32, #tpu.memory_space<vmem>>
        %dma_start3A_68 = tpu.memref_squeeze %dma_start3A_67 : memref<1x128xi32, #tpu.memory_space<vmem>> -> memref<128xi32, #tpu.memory_space<vmem>>
        %dma_start3A_69 = arith.constant 0 : i32
        %dma_start3A_70 = arith.constant 0 : i32
        %dma_start3A_71 = tpu.memref_slice %arg13[%dma_start3A_69, %dma_start3A_70] : memref<10240x128xf32, #tpu.memory_space<vmem_shared>> -> memref<10240x128xf32, #tpu.memory_space<vmem_shared>>
        tpu.enqueue_indirect_dma source(%arg11 : memref<128x128xf32, #tpu.memory_space<vmem>>) target(%dma_start3A_71 : memref<10240x128xf32, #tpu.memory_space<vmem_shared>>) offsets(%dma_start3A_68 : memref<128xi32, #tpu.memory_space<vmem>>) semaphore(%run_scoped3A : memref<!tpu.dma_semaphore, #tpu.memory_space<semaphore_mem>>) {add = true}
        %dma_wait3A_72 = arith.constant 0 : i32
        %dma_wait3A_73 = tpu.memref_slice %arg10[%scan3A_37, %dma_wait3A_72] : memref<40x128xi32, #tpu.memory_space<vmem>> -> memref<1x128xi32, #tpu.memory_space<vmem>>
        %dma_wait3A_74 = tpu.memref_squeeze %dma_wait3A_73 : memref<1x128xi32, #tpu.memory_space<vmem>> -> memref<128xi32, #tpu.memory_space<vmem>>
        %dma_wait3A_75 = arith.constant 0 : i32
        %dma_wait3A_76 = arith.constant 0 : i32
        %dma_wait3A_77 = tpu.memref_slice %arg13[%dma_wait3A_75, %dma_wait3A_76] : memref<10240x128xf32, #tpu.memory_space<vmem_shared>> -> memref<10240x128xf32, #tpu.memory_space<vmem_shared>>
        tpu.wait_indirect_dma semaphore(%run_scoped3A : memref<!tpu.dma_semaphore, #tpu.memory_space<semaphore_mem>>) src(%arg11 : memref<128x128xf32, #tpu.memory_space<vmem>>) dst(%dma_wait3A_77 : memref<10240x128xf32, #tpu.memory_space<vmem_shared>>)
        tpu.yield
      }) : () -> ()
    }
    %scan3A_24 = arith.constant 40 : i32
    %barrier3A_25 = arith.constant 0 : index
    tpu.barrier barrier_id(%barrier3A_25)
    %add3A_26 = arith.addi %mul3A_10, %multiple_of3A : i32
    %multiple_of3A_27 = tpu.assume_multiple %add3A_26, 8 : i32
    %eq3A = arith.constant 0 : i32
    %eq3A_28 = arith.cmpi eq, %arg0, %eq3A : i32
    %convert_element_type3A = arith.extui %eq3A_28 : i1 to i32
    %cond3A = arith.constant 0 : i32
    %cond3A_29 = arith.cmpi ne, %convert_element_type3A, %cond3A : i32
    scf.if %cond3A_29 {
      "tpu.region"() ({
        %run_scoped3A = tpu.sem_alloc : memref<!tpu.dma_semaphore, #tpu.memory_space<semaphore_mem>>
        %dma_start3A = arith.constant 0 : i32
        %dma_start3A_37 = tpu.memref_slice %arg7[%multiple_of3A_27, %dma_start3A] : memref<10240x128xf32, #tpu.memory_space<hbm>> -> memref<640x128xf32, #tpu.memory_space<hbm>>
        %dma_start3A_38 = arith.constant 0 : i32
        %dma_start3A_39 = tpu.memref_slice %arg13[%multiple_of3A, %dma_start3A_38] : memref<10240x128xf32, #tpu.memory_space<vmem_shared>> -> memref<640x128xf32, #tpu.memory_space<vmem_shared>>
        tpu.enqueue_dma source(%dma_start3A_39 : memref<640x128xf32, #tpu.memory_space<vmem_shared>>) target(%dma_start3A_37 : memref<640x128xf32, #tpu.memory_space<hbm>>) target_semaphore(%run_scoped3A : memref<!tpu.dma_semaphore, #tpu.memory_space<semaphore_mem>>)
        %dma_wait3A = arith.constant 0 : i32
        %dma_wait3A_40 = tpu.memref_slice %arg7[%multiple_of3A_27, %dma_wait3A] : memref<10240x128xf32, #tpu.memory_space<hbm>> -> memref<640x128xf32, #tpu.memory_space<hbm>>
        %dma_wait3A_41 = arith.constant 0 : i32
        %dma_wait3A_42 = tpu.memref_slice %arg13[%multiple_of3A, %dma_wait3A_41] : memref<10240x128xf32, #tpu.memory_space<vmem_shared>> -> memref<640x128xf32, #tpu.memory_space<vmem_shared>>
        tpu.wait_dma2 semaphore(%run_scoped3A : memref<!tpu.dma_semaphore, #tpu.memory_space<semaphore_mem>>) src(%dma_wait3A_42 : memref<640x128xf32, #tpu.memory_space<vmem_shared>>) dst(%dma_wait3A_40 : memref<640x128xf32, #tpu.memory_space<hbm>>)
        tpu.yield
      }) : () -> ()
    } else {
    }
    %eq3A_30 = arith.constant 1 : i32
    %eq3A_31 = arith.cmpi eq, %arg0, %eq3A_30 : i32
    %convert_element_type3A_32 = arith.extui %eq3A_31 : i1 to i32
    %cond3A_33 = arith.constant 0 : i32
    %cond3A_34 = arith.cmpi ne, %convert_element_type3A_32, %cond3A_33 : i32
    scf.if %cond3A_34 {
      "tpu.region"() ({
        %run_scoped3A = tpu.sem_alloc : memref<!tpu.dma_semaphore, #tpu.memory_space<semaphore_mem>>
        %dma_start3A = arith.constant 0 : i32
        %dma_start3A_37 = tpu.memref_slice %arg8[%multiple_of3A_27, %dma_start3A] : memref<10240x128xf32, #tpu.memory_space<hbm>> -> memref<640x128xf32, #tpu.memory_space<hbm>>
        %dma_start3A_38 = arith.constant 0 : i32
        %dma_start3A_39 = tpu.memref_slice %arg13[%multiple_of3A, %dma_start3A_38] : memref<10240x128xf32, #tpu.memory_space<vmem_shared>> -> memref<640x128xf32, #tpu.memory_space<vmem_shared>>
        tpu.enqueue_dma source(%dma_start3A_39 : memref<640x128xf32, #tpu.memory_space<vmem_shared>>) target(%dma_start3A_37 : memref<640x128xf32, #tpu.memory_space<hbm>>) target_semaphore(%run_scoped3A : memref<!tpu.dma_semaphore, #tpu.memory_space<semaphore_mem>>)
        %dma_wait3A = arith.constant 0 : i32
        %dma_wait3A_40 = tpu.memref_slice %arg8[%multiple_of3A_27, %dma_wait3A] : memref<10240x128xf32, #tpu.memory_space<hbm>> -> memref<640x128xf32, #tpu.memory_space<hbm>>
        %dma_wait3A_41 = arith.constant 0 : i32
        %dma_wait3A_42 = tpu.memref_slice %arg13[%multiple_of3A, %dma_wait3A_41] : memref<10240x128xf32, #tpu.memory_space<vmem_shared>> -> memref<640x128xf32, #tpu.memory_space<vmem_shared>>
        tpu.wait_dma2 semaphore(%run_scoped3A : memref<!tpu.dma_semaphore, #tpu.memory_space<semaphore_mem>>) src(%dma_wait3A_42 : memref<640x128xf32, #tpu.memory_space<vmem_shared>>) dst(%dma_wait3A_40 : memref<640x128xf32, #tpu.memory_space<hbm>>)
        tpu.yield
      }) : () -> ()
    } else {
    }
    %barrier3A_35 = arith.constant 0 : index
    tpu.barrier barrier_id(%barrier3A_35)
    %scan3A_36 = arith.constant 1 : i32
    return
  }
}

#map = affine_map<(d0, d1) -> (0, 0)>
#map1 = affine_map<(d0, d1) -> (0)>
module attributes {stable_mosaic.version = 14 : i64} {
  func.func @body(%arg0: i32, %arg1: i32, %arg2: memref<40960x128xf32, #tpu.memory_space<hbm>>, %arg3: memref<655360x128xf32, #tpu.memory_space<hbm>>, %arg4: memref<163840xi32, #tpu.memory_space<hbm>>, %arg5: memref<1280x128xi32, #tpu.memory_space<hbm>>, %arg6: memref<10240x128xf32, #tpu.memory_space<hbm>>, %arg7: memref<40960x128xf32, #tpu.memory_space<hbm>>, %arg8: memref<40960x128xf32, #tpu.memory_space<hbm>>, %arg9: memref<5120xi32, #tpu.memory_space<vmem>>, %arg10: memref<40x128xi32, #tpu.memory_space<vmem>>, %arg11: memref<128x128xf32, #tpu.memory_space<vmem>>, %arg12: memref<128x128xf32, #tpu.memory_space<vmem>>, %arg13: memref<10240x128xf32, #tpu.memory_space<vmem_shared>>, %arg14: memref<!tpu.dma_semaphore, #tpu.memory_space<semaphore_mem>>, %arg15: memref<!tpu.dma_semaphore, #tpu.memory_space<semaphore_mem>>) attributes {dimension_semantics = [#tpu.dimension_semantics<core_parallel>, #tpu.dimension_semantics<subcore_parallel>], iteration_bounds = array<i64: 2, 16>, scalar_prefetch = 0 : i64, scratch_operands = 7 : i64, tpu.core_type = #tpu.core_type<sc_vector_subcore>, window_params = [{transform_indices = #map}, {transform_indices = #map}, {transform_indices = #map1}, {transform_indices = #map}, {transform_indices = #map}, {transform_indices = #map}, {transform_indices = #map}]} {
    %mul3A = arith.constant 16 : i32
    %mul3A_0 = arith.muli %arg0, %mul3A : i32
    %add3A = arith.addi %mul3A_0, %arg1 : i32
    %mul3A_1 = arith.constant 640 : i32
    %mul3A_2 = arith.muli %arg1, %mul3A_1 : i32
    %multiple_of3A = tpu.assume_multiple %mul3A_2, 8 : i32
    %mul3A_3 = arith.constant 5120 : i32
    %mul3A_4 = arith.muli %add3A, %mul3A_3 : i32
    %multiple_of3A_5 = tpu.assume_multiple %mul3A_4, 128 : i32
    %mul3A_6 = arith.constant 40 : i32
    %mul3A_7 = arith.muli %add3A, %mul3A_6 : i32
    %scan3A = arith.constant 0 : i32
    %scan3A_8 = arith.constant 0 : i32
    %scan3A_9 = arith.constant 4 : i32
    %scan3A_10 = arith.addi %scan3A_8, %scan3A_9 : i32
    %scan3A_11 = arith.constant 1 : i32
    scf.for %scan3A_13 = %scan3A_8 to %scan3A_10 step %scan3A_11  : i32 {
      %mul3A_14 = arith.constant 10240 : i32
      %mul3A_15 = arith.muli %scan3A_13, %mul3A_14 : i32
      %mul3A_16 = arith.constant 163840 : i32
      %mul3A_17 = arith.muli %scan3A_13, %mul3A_16 : i32
      "tpu.region"() ({
        %run_scoped3A = tpu.sem_alloc : memref<!tpu.dma_semaphore, #tpu.memory_space<semaphore_mem>>
        %dma_start3A = tpu.memref_slice %arg4[%multiple_of3A_5] : memref<163840xi32, #tpu.memory_space<hbm>> -> memref<5120xi32, #tpu.memory_space<hbm>>
        %dma_start3A_41 = tpu.memref_slice %arg4[%multiple_of3A_5] : memref<163840xi32, #tpu.memory_space<hbm>> -> memref<5120xi32, #tpu.memory_space<hbm>>
        tpu.enqueue_dma source(%dma_start3A_41 : memref<5120xi32, #tpu.memory_space<hbm>>) target(%arg9 : memref<5120xi32, #tpu.memory_space<vmem>>) target_semaphore(%run_scoped3A : memref<!tpu.dma_semaphore, #tpu.memory_space<semaphore_mem>>)
        %dma_wait3A = tpu.memref_slice %arg4[%multiple_of3A_5] : memref<163840xi32, #tpu.memory_space<hbm>> -> memref<5120xi32, #tpu.memory_space<hbm>>
        %dma_wait3A_42 = tpu.memref_slice %arg4[%multiple_of3A_5] : memref<163840xi32, #tpu.memory_space<hbm>> -> memref<5120xi32, #tpu.memory_space<hbm>>
        tpu.wait_dma2 semaphore(%run_scoped3A : memref<!tpu.dma_semaphore, #tpu.memory_space<semaphore_mem>>) src(%dma_wait3A_42 : memref<5120xi32, #tpu.memory_space<hbm>>) dst(%arg9 : memref<5120xi32, #tpu.memory_space<vmem>>)
        tpu.yield
      }) : () -> ()
      "tpu.region"() ({
        %run_scoped3A = tpu.sem_alloc : memref<!tpu.dma_semaphore, #tpu.memory_space<semaphore_mem>>
        %dma_start3A = arith.constant 0 : i32
        %dma_start3A_41 = tpu.memref_slice %arg5[%mul3A_7, %dma_start3A] : memref<1280x128xi32, #tpu.memory_space<hbm>> -> memref<40x128xi32, #tpu.memory_space<hbm>>
        %dma_start3A_42 = arith.constant 0 : i32
        %dma_start3A_43 = tpu.memref_slice %arg5[%mul3A_7, %dma_start3A_42] : memref<1280x128xi32, #tpu.memory_space<hbm>> -> memref<40x128xi32, #tpu.memory_space<hbm>>
        tpu.enqueue_dma source(%dma_start3A_43 : memref<40x128xi32, #tpu.memory_space<hbm>>) target(%arg10 : memref<40x128xi32, #tpu.memory_space<vmem>>) target_semaphore(%run_scoped3A : memref<!tpu.dma_semaphore, #tpu.memory_space<semaphore_mem>>)
        %dma_wait3A = arith.constant 0 : i32
        %dma_wait3A_44 = tpu.memref_slice %arg5[%mul3A_7, %dma_wait3A] : memref<1280x128xi32, #tpu.memory_space<hbm>> -> memref<40x128xi32, #tpu.memory_space<hbm>>
        %dma_wait3A_45 = arith.constant 0 : i32
        %dma_wait3A_46 = tpu.memref_slice %arg5[%mul3A_7, %dma_wait3A_45] : memref<1280x128xi32, #tpu.memory_space<hbm>> -> memref<40x128xi32, #tpu.memory_space<hbm>>
        tpu.wait_dma2 semaphore(%run_scoped3A : memref<!tpu.dma_semaphore, #tpu.memory_space<semaphore_mem>>) src(%dma_wait3A_46 : memref<40x128xi32, #tpu.memory_space<hbm>>) dst(%arg10 : memref<40x128xi32, #tpu.memory_space<vmem>>)
        tpu.yield
      }) : () -> ()
      %scan3A_18 = arith.constant 0 : i32
      %scan3A_19 = arith.constant 0 : i32
      %scan3A_20 = arith.constant 320 : i32
      %scan3A_21 = arith.addi %scan3A_19, %scan3A_20 : i32
      %scan3A_22 = arith.constant 1 : i32
      scf.for %scan3A_41 = %scan3A_19 to %scan3A_21 step %scan3A_22  : i32 {
        %mul3A_42 = arith.constant 16 : i32
        %mul3A_43 = arith.muli %scan3A_41, %mul3A_42 : i32
        %multiple_of3A_44 = tpu.assume_multiple %mul3A_43, 16 : i32
        %get3A = arith.index_cast %multiple_of3A_44 : i32 to index
        %get3A_45 = tpu.vector_load %arg9[%get3A] {strides = array<i32>} : memref<5120xi32, #tpu.memory_space<vmem>>, vector<16xi32>,
        %get3A_46 = vector.shape_cast %get3A_45 : vector<16xi32> to vector<16xi32>
        %add3A_47 = vector.broadcast %mul3A_15 : i32 to vector<16xi32>
        %add3A_48 = arith.addi %get3A_46, %add3A_47 : vector<16xi32>
        %swap3A = arith.index_cast %multiple_of3A_44 : i32 to index
        %swap3A_49 = tpu.vector_load %arg9[%swap3A] {strides = array<i32>} : memref<5120xi32, #tpu.memory_space<vmem>>, vector<16xi32>,
        %swap3A_50 = vector.shape_cast %swap3A_49 : vector<16xi32> to vector<16xi32>
        %swap3A_51 = vector.shape_cast %add3A_48 : vector<16xi32> to vector<16xi32>
        tpu.vector_store %arg9[%swap3A], %swap3A_51 {strides = array<i32>} : memref<5120xi32, #tpu.memory_space<vmem>>, vector<16xi32>,
      }
      %scan3A_23 = arith.constant 320 : i32
      "tpu.region"() ({
        %run_scoped3A = tpu.sem_alloc : memref<!tpu.dma_semaphore, #tpu.memory_space<semaphore_mem>>
        %dma_start3A = arith.constant 0 : i32
        %dma_start3A_41 = tpu.memref_slice %arg13[%multiple_of3A, %dma_start3A] : memref<10240x128xf32, #tpu.memory_space<vmem_shared>> -> memref<640x128xf32, #tpu.memory_space<vmem_shared>>
        %dma_start3A_42 = arith.constant 0 : i32
        %dma_start3A_43 = tpu.memref_slice %arg6[%multiple_of3A, %dma_start3A_42] : memref<10240x128xf32, #tpu.memory_space<hbm>> -> memref<640x128xf32, #tpu.memory_space<hbm>>
        tpu.enqueue_dma source(%dma_start3A_43 : memref<640x128xf32, #tpu.memory_space<hbm>>) target(%dma_start3A_41 : memref<640x128xf32, #tpu.memory_space<vmem_shared>>) target_semaphore(%run_scoped3A : memref<!tpu.dma_semaphore, #tpu.memory_space<semaphore_mem>>)
        %dma_wait3A = arith.constant 0 : i32
        %dma_wait3A_44 = tpu.memref_slice %arg13[%multiple_of3A, %dma_wait3A] : memref<10240x128xf32, #tpu.memory_space<vmem_shared>> -> memref<640x128xf32, #tpu.memory_space<vmem_shared>>
        %dma_wait3A_45 = arith.constant 0 : i32
        %dma_wait3A_46 = tpu.memref_slice %arg6[%multiple_of3A, %dma_wait3A_45] : memref<10240x128xf32, #tpu.memory_space<hbm>> -> memref<640x128xf32, #tpu.memory_space<hbm>>
        tpu.wait_dma2 semaphore(%run_scoped3A : memref<!tpu.dma_semaphore, #tpu.memory_space<semaphore_mem>>) src(%dma_wait3A_46 : memref<640x128xf32, #tpu.memory_space<hbm>>) dst(%dma_wait3A_44 : memref<640x128xf32, #tpu.memory_space<vmem_shared>>)
        tpu.yield
      }) : () -> ()
      %barrier3A = arith.constant 0 : index
      tpu.barrier barrier_id(%barrier3A)
      %scan3A_24 = arith.constant 0 : i32
      %scan3A_25 = arith.constant 0 : i32
      %scan3A_26 = arith.constant 40 : i32
      %scan3A_27 = arith.addi %scan3A_25, %scan3A_26 : i32
      %scan3A_28 = arith.constant 1 : i32
      scf.for %scan3A_41 = %scan3A_25 to %scan3A_27 step %scan3A_28  : i32 {
        %mul3A_42 = arith.constant 128 : i32
        %mul3A_43 = arith.muli %scan3A_41, %mul3A_42 : i32
        %multiple_of3A_44 = tpu.assume_multiple %mul3A_43, 128 : i32
        %add3A_45 = arith.addi %mul3A_7, %scan3A_41 : i32
        %mul3A_46 = arith.constant 128 : i32
        %mul3A_47 = arith.muli %add3A_45, %mul3A_46 : i32
        %add3A_48 = arith.addi %mul3A_17, %mul3A_47 : i32
        %multiple_of3A_49 = tpu.assume_multiple %add3A_48, 128 : i32
        %dma_start3A = tpu.memref_slice %arg9[%multiple_of3A_44] : memref<5120xi32, #tpu.memory_space<vmem>> -> memref<128xi32, #tpu.memory_space<vmem>>
        %dma_start3A_50 = arith.constant 0 : i32
        %dma_start3A_51 = arith.constant 0 : i32
        %dma_start3A_52 = tpu.memref_slice %arg2[%dma_start3A_50, %dma_start3A_51] : memref<40960x128xf32, #tpu.memory_space<hbm>> -> memref<40960x128xf32, #tpu.memory_space<hbm>>
        tpu.enqueue_indirect_dma source(%dma_start3A_52 : memref<40960x128xf32, #tpu.memory_space<hbm>>) target(%arg11 : memref<128x128xf32, #tpu.memory_space<vmem>>) offsets(%dma_start3A : memref<128xi32, #tpu.memory_space<vmem>>) semaphore(%arg14 : memref<!tpu.dma_semaphore, #tpu.memory_space<semaphore_mem>>)
        %dma_start3A_53 = arith.constant 0 : i32
        %dma_start3A_54 = tpu.memref_slice %arg3[%multiple_of3A_49, %dma_start3A_53] : memref<655360x128xf32, #tpu.memory_space<hbm>> -> memref<128x128xf32, #tpu.memory_space<hbm>>
        %dma_start3A_55 = arith.constant 0 : i32
        %dma_start3A_56 = tpu.memref_slice %arg3[%multiple_of3A_49, %dma_start3A_55] : memref<655360x128xf32, #tpu.memory_space<hbm>> -> memref<128x128xf32, #tpu.memory_space<hbm>>
        tpu.enqueue_dma source(%dma_start3A_56 : memref<128x128xf32, #tpu.memory_space<hbm>>) target(%arg12 : memref<128x128xf32, #tpu.memory_space<vmem>>) target_semaphore(%arg15 : memref<!tpu.dma_semaphore, #tpu.memory_space<semaphore_mem>>)
        %dma_wait3A = tpu.memref_slice %arg9[%multiple_of3A_44] : memref<5120xi32, #tpu.memory_space<vmem>> -> memref<128xi32, #tpu.memory_space<vmem>>
        %dma_wait3A_57 = arith.constant 0 : i32
        %dma_wait3A_58 = arith.constant 0 : i32
        %dma_wait3A_59 = tpu.memref_slice %arg2[%dma_wait3A_57, %dma_wait3A_58] : memref<40960x128xf32, #tpu.memory_space<hbm>> -> memref<40960x128xf32, #tpu.memory_space<hbm>>
        tpu.wait_indirect_dma semaphore(%arg14 : memref<!tpu.dma_semaphore, #tpu.memory_space<semaphore_mem>>) src(%dma_wait3A_59 : memref<40960x128xf32, #tpu.memory_space<hbm>>) dst(%arg11 : memref<128x128xf32, #tpu.memory_space<vmem>>)
        %dma_wait3A_60 = arith.constant 0 : i32
        %dma_wait3A_61 = tpu.memref_slice %arg3[%multiple_of3A_49, %dma_wait3A_60] : memref<655360x128xf32, #tpu.memory_space<hbm>> -> memref<128x128xf32, #tpu.memory_space<hbm>>
        %dma_wait3A_62 = arith.constant 0 : i32
        %dma_wait3A_63 = tpu.memref_slice %arg3[%multiple_of3A_49, %dma_wait3A_62] : memref<655360x128xf32, #tpu.memory_space<hbm>> -> memref<128x128xf32, #tpu.memory_space<hbm>>
        tpu.wait_dma2 semaphore(%arg15 : memref<!tpu.dma_semaphore, #tpu.memory_space<semaphore_mem>>) src(%dma_wait3A_63 : memref<128x128xf32, #tpu.memory_space<hbm>>) dst(%arg12 : memref<128x128xf32, #tpu.memory_space<vmem>>)
        %scan3A_64 = arith.constant 0 : i32
        %scan3A_65 = arith.constant 0 : i32
        %scan3A_66 = arith.constant 128 : i32
        %scan3A_67 = arith.addi %scan3A_65, %scan3A_66 : i32
        %scan3A_68 = arith.constant 1 : i32
        scf.for %scan3A_70 = %scan3A_65 to %scan3A_67 step %scan3A_68  : i32 {
          %get3A = arith.index_cast %scan3A_70 : i32 to index
          %get3A_71 = arith.constant 0 : index
          %get3A_72 = tpu.vector_load %arg11[%get3A, %get3A_71] {strides = array<i32>} : memref<128x128xf32, #tpu.memory_space<vmem>>, vector<1x16xf32>,
          %get3A_73 = vector.shape_cast %get3A_72 : vector<1x16xf32> to vector<16xf32>
          %get3A_74 = arith.index_cast %scan3A_70 : i32 to index
          %get3A_75 = arith.constant 0 : index
          %get3A_76 = tpu.vector_load %arg12[%get3A_74, %get3A_75] {strides = array<i32>} : memref<128x128xf32, #tpu.memory_space<vmem>>, vector<1x16xf32>,
          %get3A_77 = vector.shape_cast %get3A_76 : vector<1x16xf32> to vector<16xf32>
          %add3A_78 = arith.addf %get3A_73, %get3A_77 : vector<16xf32>
          %max3A = arith.constant 0.000000e+00 : f32
          %max3A_79 = vector.broadcast %max3A : f32 to vector<16xf32>
          %max3A_80 = arith.maximumf %add3A_78, %max3A_79 : vector<16xf32>
          %swap3A = arith.index_cast %scan3A_70 : i32 to index
          %swap3A_81 = arith.constant 0 : index
          %swap3A_82 = tpu.vector_load %arg11[%swap3A, %swap3A_81] {strides = array<i32>} : memref<128x128xf32, #tpu.memory_space<vmem>>, vector<1x16xf32>,
          %swap3A_83 = vector.shape_cast %swap3A_82 : vector<1x16xf32> to vector<16xf32>
          %swap3A_84 = vector.shape_cast %max3A_80 : vector<16xf32> to vector<1x16xf32>
          tpu.vector_store %arg11[%swap3A, %swap3A_81], %swap3A_84 {strides = array<i32>} : memref<128x128xf32, #tpu.memory_space<vmem>>, vector<1x16xf32>,
          %get3A_85 = arith.index_cast %scan3A_70 : i32 to index
          %get3A_86 = arith.constant 16 : index
          %get3A_87 = tpu.vector_load %arg11[%get3A_85, %get3A_86] {strides = array<i32>} : memref<128x128xf32, #tpu.memory_space<vmem>>, vector<1x16xf32>,
          %get3A_88 = vector.shape_cast %get3A_87 : vector<1x16xf32> to vector<16xf32>
          %get3A_89 = arith.index_cast %scan3A_70 : i32 to index
          %get3A_90 = arith.constant 16 : index
          %get3A_91 = tpu.vector_load %arg12[%get3A_89, %get3A_90] {strides = array<i32>} : memref<128x128xf32, #tpu.memory_space<vmem>>, vector<1x16xf32>,
          %get3A_92 = vector.shape_cast %get3A_91 : vector<1x16xf32> to vector<16xf32>
          %add3A_93 = arith.addf %get3A_88, %get3A_92 : vector<16xf32>
          %max3A_94 = arith.constant 0.000000e+00 : f32
          %max3A_95 = vector.broadcast %max3A_94 : f32 to vector<16xf32>
          %max3A_96 = arith.maximumf %add3A_93, %max3A_95 : vector<16xf32>
          %swap3A_97 = arith.index_cast %scan3A_70 : i32 to index
          %swap3A_98 = arith.constant 16 : index
          %swap3A_99 = tpu.vector_load %arg11[%swap3A_97, %swap3A_98] {strides = array<i32>} : memref<128x128xf32, #tpu.memory_space<vmem>>, vector<1x16xf32>,
          %swap3A_100 = vector.shape_cast %swap3A_99 : vector<1x16xf32> to vector<16xf32>
          %swap3A_101 = vector.shape_cast %max3A_96 : vector<16xf32> to vector<1x16xf32>
          tpu.vector_store %arg11[%swap3A_97, %swap3A_98], %swap3A_101 {strides = array<i32>} : memref<128x128xf32, #tpu.memory_space<vmem>>, vector<1x16xf32>,
          %get3A_102 = arith.index_cast %scan3A_70 : i32 to index
          %get3A_103 = arith.constant 32 : index
          %get3A_104 = tpu.vector_load %arg11[%get3A_102, %get3A_103] {strides = array<i32>} : memref<128x128xf32, #tpu.memory_space<vmem>>, vector<1x16xf32>,
          %get3A_105 = vector.shape_cast %get3A_104 : vector<1x16xf32> to vector<16xf32>
          %get3A_106 = arith.index_cast %scan3A_70 : i32 to index
          %get3A_107 = arith.constant 32 : index
          %get3A_108 = tpu.vector_load %arg12[%get3A_106, %get3A_107] {strides = array<i32>} : memref<128x128xf32, #tpu.memory_space<vmem>>, vector<1x16xf32>,
          %get3A_109 = vector.shape_cast %get3A_108 : vector<1x16xf32> to vector<16xf32>
          %add3A_110 = arith.addf %get3A_105, %get3A_109 : vector<16xf32>
          %max3A_111 = arith.constant 0.000000e+00 : f32
          %max3A_112 = vector.broadcast %max3A_111 : f32 to vector<16xf32>
          %max3A_113 = arith.maximumf %add3A_110, %max3A_112 : vector<16xf32>
          %swap3A_114 = arith.index_cast %scan3A_70 : i32 to index
          %swap3A_115 = arith.constant 32 : index
          %swap3A_116 = tpu.vector_load %arg11[%swap3A_114, %swap3A_115] {strides = array<i32>} : memref<128x128xf32, #tpu.memory_space<vmem>>, vector<1x16xf32>,
          %swap3A_117 = vector.shape_cast %swap3A_116 : vector<1x16xf32> to vector<16xf32>
          %swap3A_118 = vector.shape_cast %max3A_113 : vector<16xf32> to vector<1x16xf32>
          tpu.vector_store %arg11[%swap3A_114, %swap3A_115], %swap3A_118 {strides = array<i32>} : memref<128x128xf32, #tpu.memory_space<vmem>>, vector<1x16xf32>,
          %get3A_119 = arith.index_cast %scan3A_70 : i32 to index
          %get3A_120 = arith.constant 48 : index
          %get3A_121 = tpu.vector_load %arg11[%get3A_119, %get3A_120] {strides = array<i32>} : memref<128x128xf32, #tpu.memory_space<vmem>>, vector<1x16xf32>,
          %get3A_122 = vector.shape_cast %get3A_121 : vector<1x16xf32> to vector<16xf32>
          %get3A_123 = arith.index_cast %scan3A_70 : i32 to index
          %get3A_124 = arith.constant 48 : index
          %get3A_125 = tpu.vector_load %arg12[%get3A_123, %get3A_124] {strides = array<i32>} : memref<128x128xf32, #tpu.memory_space<vmem>>, vector<1x16xf32>,
          %get3A_126 = vector.shape_cast %get3A_125 : vector<1x16xf32> to vector<16xf32>
          %add3A_127 = arith.addf %get3A_122, %get3A_126 : vector<16xf32>
          %max3A_128 = arith.constant 0.000000e+00 : f32
          %max3A_129 = vector.broadcast %max3A_128 : f32 to vector<16xf32>
          %max3A_130 = arith.maximumf %add3A_127, %max3A_129 : vector<16xf32>
          %swap3A_131 = arith.index_cast %scan3A_70 : i32 to index
          %swap3A_132 = arith.constant 48 : index
          %swap3A_133 = tpu.vector_load %arg11[%swap3A_131, %swap3A_132] {strides = array<i32>} : memref<128x128xf32, #tpu.memory_space<vmem>>, vector<1x16xf32>,
          %swap3A_134 = vector.shape_cast %swap3A_133 : vector<1x16xf32> to vector<16xf32>
          %swap3A_135 = vector.shape_cast %max3A_130 : vector<16xf32> to vector<1x16xf32>
          tpu.vector_store %arg11[%swap3A_131, %swap3A_132], %swap3A_135 {strides = array<i32>} : memref<128x128xf32, #tpu.memory_space<vmem>>, vector<1x16xf32>,
          %get3A_136 = arith.index_cast %scan3A_70 : i32 to index
          %get3A_137 = arith.constant 64 : index
          %get3A_138 = tpu.vector_load %arg11[%get3A_136, %get3A_137] {strides = array<i32>} : memref<128x128xf32, #tpu.memory_space<vmem>>, vector<1x16xf32>,
          %get3A_139 = vector.shape_cast %get3A_138 : vector<1x16xf32> to vector<16xf32>
          %get3A_140 = arith.index_cast %scan3A_70 : i32 to index
          %get3A_141 = arith.constant 64 : index
          %get3A_142 = tpu.vector_load %arg12[%get3A_140, %get3A_141] {strides = array<i32>} : memref<128x128xf32, #tpu.memory_space<vmem>>, vector<1x16xf32>,
          %get3A_143 = vector.shape_cast %get3A_142 : vector<1x16xf32> to vector<16xf32>
          %add3A_144 = arith.addf %get3A_139, %get3A_143 : vector<16xf32>
          %max3A_145 = arith.constant 0.000000e+00 : f32
          %max3A_146 = vector.broadcast %max3A_145 : f32 to vector<16xf32>
          %max3A_147 = arith.maximumf %add3A_144, %max3A_146 : vector<16xf32>
          %swap3A_148 = arith.index_cast %scan3A_70 : i32 to index
          %swap3A_149 = arith.constant 64 : index
          %swap3A_150 = tpu.vector_load %arg11[%swap3A_148, %swap3A_149] {strides = array<i32>} : memref<128x128xf32, #tpu.memory_space<vmem>>, vector<1x16xf32>,
          %swap3A_151 = vector.shape_cast %swap3A_150 : vector<1x16xf32> to vector<16xf32>
          %swap3A_152 = vector.shape_cast %max3A_147 : vector<16xf32> to vector<1x16xf32>
          tpu.vector_store %arg11[%swap3A_148, %swap3A_149], %swap3A_152 {strides = array<i32>} : memref<128x128xf32, #tpu.memory_space<vmem>>, vector<1x16xf32>,
          %get3A_153 = arith.index_cast %scan3A_70 : i32 to index
          %get3A_154 = arith.constant 80 : index
          %get3A_155 = tpu.vector_load %arg11[%get3A_153, %get3A_154] {strides = array<i32>} : memref<128x128xf32, #tpu.memory_space<vmem>>, vector<1x16xf32>,
          %get3A_156 = vector.shape_cast %get3A_155 : vector<1x16xf32> to vector<16xf32>
          %get3A_157 = arith.index_cast %scan3A_70 : i32 to index
          %get3A_158 = arith.constant 80 : index
          %get3A_159 = tpu.vector_load %arg12[%get3A_157, %get3A_158] {strides = array<i32>} : memref<128x128xf32, #tpu.memory_space<vmem>>, vector<1x16xf32>,
          %get3A_160 = vector.shape_cast %get3A_159 : vector<1x16xf32> to vector<16xf32>
          %add3A_161 = arith.addf %get3A_156, %get3A_160 : vector<16xf32>
          %max3A_162 = arith.constant 0.000000e+00 : f32
          %max3A_163 = vector.broadcast %max3A_162 : f32 to vector<16xf32>
          %max3A_164 = arith.maximumf %add3A_161, %max3A_163 : vector<16xf32>
          %swap3A_165 = arith.index_cast %scan3A_70 : i32 to index
          %swap3A_166 = arith.constant 80 : index
          %swap3A_167 = tpu.vector_load %arg11[%swap3A_165, %swap3A_166] {strides = array<i32>} : memref<128x128xf32, #tpu.memory_space<vmem>>, vector<1x16xf32>,
          %swap3A_168 = vector.shape_cast %swap3A_167 : vector<1x16xf32> to vector<16xf32>
          %swap3A_169 = vector.shape_cast %max3A_164 : vector<16xf32> to vector<1x16xf32>
          tpu.vector_store %arg11[%swap3A_165, %swap3A_166], %swap3A_169 {strides = array<i32>} : memref<128x128xf32, #tpu.memory_space<vmem>>, vector<1x16xf32>,
          %get3A_170 = arith.index_cast %scan3A_70 : i32 to index
          %get3A_171 = arith.constant 96 : index
          %get3A_172 = tpu.vector_load %arg11[%get3A_170, %get3A_171] {strides = array<i32>} : memref<128x128xf32, #tpu.memory_space<vmem>>, vector<1x16xf32>,
          %get3A_173 = vector.shape_cast %get3A_172 : vector<1x16xf32> to vector<16xf32>
          %get3A_174 = arith.index_cast %scan3A_70 : i32 to index
          %get3A_175 = arith.constant 96 : index
          %get3A_176 = tpu.vector_load %arg12[%get3A_174, %get3A_175] {strides = array<i32>} : memref<128x128xf32, #tpu.memory_space<vmem>>, vector<1x16xf32>,
          %get3A_177 = vector.shape_cast %get3A_176 : vector<1x16xf32> to vector<16xf32>
          %add3A_178 = arith.addf %get3A_173, %get3A_177 : vector<16xf32>
          %max3A_179 = arith.constant 0.000000e+00 : f32
          %max3A_180 = vector.broadcast %max3A_179 : f32 to vector<16xf32>
          %max3A_181 = arith.maximumf %add3A_178, %max3A_180 : vector<16xf32>
          %swap3A_182 = arith.index_cast %scan3A_70 : i32 to index
          %swap3A_183 = arith.constant 96 : index
          %swap3A_184 = tpu.vector_load %arg11[%swap3A_182, %swap3A_183] {strides = array<i32>} : memref<128x128xf32, #tpu.memory_space<vmem>>, vector<1x16xf32>,
          %swap3A_185 = vector.shape_cast %swap3A_184 : vector<1x16xf32> to vector<16xf32>
          %swap3A_186 = vector.shape_cast %max3A_181 : vector<16xf32> to vector<1x16xf32>
          tpu.vector_store %arg11[%swap3A_182, %swap3A_183], %swap3A_186 {strides = array<i32>} : memref<128x128xf32, #tpu.memory_space<vmem>>, vector<1x16xf32>,
          %get3A_187 = arith.index_cast %scan3A_70 : i32 to index
          %get3A_188 = arith.constant 112 : index
          %get3A_189 = tpu.vector_load %arg11[%get3A_187, %get3A_188] {strides = array<i32>} : memref<128x128xf32, #tpu.memory_space<vmem>>, vector<1x16xf32>,
          %get3A_190 = vector.shape_cast %get3A_189 : vector<1x16xf32> to vector<16xf32>
          %get3A_191 = arith.index_cast %scan3A_70 : i32 to index
          %get3A_192 = arith.constant 112 : index
          %get3A_193 = tpu.vector_load %arg12[%get3A_191, %get3A_192] {strides = array<i32>} : memref<128x128xf32, #tpu.memory_space<vmem>>, vector<1x16xf32>,
          %get3A_194 = vector.shape_cast %get3A_193 : vector<1x16xf32> to vector<16xf32>
          %add3A_195 = arith.addf %get3A_190, %get3A_194 : vector<16xf32>
          %max3A_196 = arith.constant 0.000000e+00 : f32
          %max3A_197 = vector.broadcast %max3A_196 : f32 to vector<16xf32>
          %max3A_198 = arith.maximumf %add3A_195, %max3A_197 : vector<16xf32>
          %swap3A_199 = arith.index_cast %scan3A_70 : i32 to index
          %swap3A_200 = arith.constant 112 : index
          %swap3A_201 = tpu.vector_load %arg11[%swap3A_199, %swap3A_200] {strides = array<i32>} : memref<128x128xf32, #tpu.memory_space<vmem>>, vector<1x16xf32>,
          %swap3A_202 = vector.shape_cast %swap3A_201 : vector<1x16xf32> to vector<16xf32>
          %swap3A_203 = vector.shape_cast %max3A_198 : vector<16xf32> to vector<1x16xf32>
          tpu.vector_store %arg11[%swap3A_199, %swap3A_200], %swap3A_203 {strides = array<i32>} : memref<128x128xf32, #tpu.memory_space<vmem>>, vector<1x16xf32>,
        }
        %scan3A_69 = arith.constant 128 : i32
        "tpu.region"() ({
          %run_scoped3A = tpu.sem_alloc : memref<!tpu.dma_semaphore, #tpu.memory_space<semaphore_mem>>
          %dma_start3A_70 = arith.constant 0 : i32
          %dma_start3A_71 = tpu.memref_slice %arg10[%scan3A_41, %dma_start3A_70] : memref<40x128xi32, #tpu.memory_space<vmem>> -> memref<1x128xi32, #tpu.memory_space<vmem>>
          %dma_start3A_72 = tpu.memref_squeeze %dma_start3A_71 : memref<1x128xi32, #tpu.memory_space<vmem>> -> memref<128xi32, #tpu.memory_space<vmem>>
          %dma_start3A_73 = arith.constant 0 : i32
          %dma_start3A_74 = arith.constant 0 : i32
          %dma_start3A_75 = tpu.memref_slice %arg13[%dma_start3A_73, %dma_start3A_74] : memref<10240x128xf32, #tpu.memory_space<vmem_shared>> -> memref<10240x128xf32, #tpu.memory_space<vmem_shared>>
          tpu.enqueue_indirect_dma source(%arg11 : memref<128x128xf32, #tpu.memory_space<vmem>>) target(%dma_start3A_75 : memref<10240x128xf32, #tpu.memory_space<vmem_shared>>) offsets(%dma_start3A_72 : memref<128xi32, #tpu.memory_space<vmem>>) semaphore(%run_scoped3A : memref<!tpu.dma_semaphore, #tpu.memory_space<semaphore_mem>>) {add = true}
          %dma_wait3A_76 = arith.constant 0 : i32
          %dma_wait3A_77 = tpu.memref_slice %arg10[%scan3A_41, %dma_wait3A_76] : memref<40x128xi32, #tpu.memory_space<vmem>> -> memref<1x128xi32, #tpu.memory_space<vmem>>
          %dma_wait3A_78 = tpu.memref_squeeze %dma_wait3A_77 : memref<1x128xi32, #tpu.memory_space<vmem>> -> memref<128xi32, #tpu.memory_space<vmem>>
          %dma_wait3A_79 = arith.constant 0 : i32
          %dma_wait3A_80 = arith.constant 0 : i32
          %dma_wait3A_81 = tpu.memref_slice %arg13[%dma_wait3A_79, %dma_wait3A_80] : memref<10240x128xf32, #tpu.memory_space<vmem_shared>> -> memref<10240x128xf32, #tpu.memory_space<vmem_shared>>
          tpu.wait_indirect_dma semaphore(%run_scoped3A : memref<!tpu.dma_semaphore, #tpu.memory_space<semaphore_mem>>) src(%arg11 : memref<128x128xf32, #tpu.memory_space<vmem>>) dst(%dma_wait3A_81 : memref<10240x128xf32, #tpu.memory_space<vmem_shared>>)
          tpu.yield
        }) : () -> ()
      }
      %scan3A_29 = arith.constant 40 : i32
      %barrier3A_30 = arith.constant 0 : index
      tpu.barrier barrier_id(%barrier3A_30)
      %add3A_31 = arith.addi %mul3A_15, %multiple_of3A : i32
      %multiple_of3A_32 = tpu.assume_multiple %add3A_31, 8 : i32
      %eq3A = arith.constant 0 : i32
      %eq3A_33 = arith.cmpi eq, %arg0, %eq3A : i32
      %convert_element_type3A = arith.extui %eq3A_33 : i1 to i32
      %cond3A = arith.constant 0 : i32
      %cond3A_34 = arith.cmpi ne, %convert_element_type3A, %cond3A : i32
      scf.if %cond3A_34 {
        "tpu.region"() ({
          %run_scoped3A = tpu.sem_alloc : memref<!tpu.dma_semaphore, #tpu.memory_space<semaphore_mem>>
          %dma_start3A = arith.constant 0 : i32
          %dma_start3A_41 = tpu.memref_slice %arg7[%multiple_of3A_32, %dma_start3A] : memref<40960x128xf32, #tpu.memory_space<hbm>> -> memref<640x128xf32, #tpu.memory_space<hbm>>
          %dma_start3A_42 = arith.constant 0 : i32
          %dma_start3A_43 = tpu.memref_slice %arg13[%multiple_of3A, %dma_start3A_42] : memref<10240x128xf32, #tpu.memory_space<vmem_shared>> -> memref<640x128xf32, #tpu.memory_space<vmem_shared>>
          tpu.enqueue_dma source(%dma_start3A_43 : memref<640x128xf32, #tpu.memory_space<vmem_shared>>) target(%dma_start3A_41 : memref<640x128xf32, #tpu.memory_space<hbm>>) target_semaphore(%run_scoped3A : memref<!tpu.dma_semaphore, #tpu.memory_space<semaphore_mem>>)
          %dma_wait3A = arith.constant 0 : i32
          %dma_wait3A_44 = tpu.memref_slice %arg7[%multiple_of3A_32, %dma_wait3A] : memref<40960x128xf32, #tpu.memory_space<hbm>> -> memref<640x128xf32, #tpu.memory_space<hbm>>
          %dma_wait3A_45 = arith.constant 0 : i32
          %dma_wait3A_46 = tpu.memref_slice %arg13[%multiple_of3A, %dma_wait3A_45] : memref<10240x128xf32, #tpu.memory_space<vmem_shared>> -> memref<640x128xf32, #tpu.memory_space<vmem_shared>>
          tpu.wait_dma2 semaphore(%run_scoped3A : memref<!tpu.dma_semaphore, #tpu.memory_space<semaphore_mem>>) src(%dma_wait3A_46 : memref<640x128xf32, #tpu.memory_space<vmem_shared>>) dst(%dma_wait3A_44 : memref<640x128xf32, #tpu.memory_space<hbm>>)
          tpu.yield
        }) : () -> ()
      } else {
      }
      %eq3A_35 = arith.constant 1 : i32
      %eq3A_36 = arith.cmpi eq, %arg0, %eq3A_35 : i32
      %convert_element_type3A_37 = arith.extui %eq3A_36 : i1 to i32
      %cond3A_38 = arith.constant 0 : i32
      %cond3A_39 = arith.cmpi ne, %convert_element_type3A_37, %cond3A_38 : i32
      scf.if %cond3A_39 {
        "tpu.region"() ({
          %run_scoped3A = tpu.sem_alloc : memref<!tpu.dma_semaphore, #tpu.memory_space<semaphore_mem>>
          %dma_start3A = arith.constant 0 : i32
          %dma_start3A_41 = tpu.memref_slice %arg8[%multiple_of3A_32, %dma_start3A] : memref<40960x128xf32, #tpu.memory_space<hbm>> -> memref<640x128xf32, #tpu.memory_space<hbm>>
          %dma_start3A_42 = arith.constant 0 : i32
          %dma_start3A_43 = tpu.memref_slice %arg13[%multiple_of3A, %dma_start3A_42] : memref<10240x128xf32, #tpu.memory_space<vmem_shared>> -> memref<640x128xf32, #tpu.memory_space<vmem_shared>>
          tpu.enqueue_dma source(%dma_start3A_43 : memref<640x128xf32, #tpu.memory_space<vmem_shared>>) target(%dma_start3A_41 : memref<640x128xf32, #tpu.memory_space<hbm>>) target_semaphore(%run_scoped3A : memref<!tpu.dma_semaphore, #tpu.memory_space<semaphore_mem>>)
          %dma_wait3A = arith.constant 0 : i32
          %dma_wait3A_44 = tpu.memref_slice %arg8[%multiple_of3A_32, %dma_wait3A] : memref<40960x128xf32, #tpu.memory_space<hbm>> -> memref<640x128xf32, #tpu.memory_space<hbm>>
          %dma_wait3A_45 = arith.constant 0 : i32
          %dma_wait3A_46 = tpu.memref_slice %arg13[%multiple_of3A, %dma_wait3A_45] : memref<10240x128xf32, #tpu.memory_space<vmem_shared>> -> memref<640x128xf32, #tpu.memory_space<vmem_shared>>
          tpu.wait_dma2 semaphore(%run_scoped3A : memref<!tpu.dma_semaphore, #tpu.memory_space<semaphore_mem>>) src(%dma_wait3A_46 : memref<640x128xf32, #tpu.memory_space<vmem_shared>>) dst(%dma_wait3A_44 : memref<640x128xf32, #tpu.memory_space<hbm>>)
          tpu.yield
        }) : () -> ()
      } else {
      }
      %barrier3A_40 = arith.constant 0 : index
      tpu.barrier barrier_id(%barrier3A_40)
    }
    %scan3A_12 = arith.constant 4 : i32
    return
  }
}

#map = affine_map<(d0, d1) -> (0, 0)>
#map1 = affine_map<(d0, d1) -> (0)>
module attributes {stable_mosaic.version = 14 : i64} {
  func.func @body(%arg0: i32, %arg1: i32, %arg2: memref<81920x128xf32, #tpu.memory_space<hbm>>, %arg3: memref<1310720x128xf32, #tpu.memory_space<hbm>>, %arg4: memref<163840xi32, #tpu.memory_space<hbm>>, %arg5: memref<1280x128xi32, #tpu.memory_space<hbm>>, %arg6: memref<10240x128xf32, #tpu.memory_space<hbm>>, %arg7: memref<81920x128xf32, #tpu.memory_space<hbm>>, %arg8: memref<81920x128xf32, #tpu.memory_space<hbm>>, %arg9: memref<5120xi32, #tpu.memory_space<vmem>>, %arg10: memref<40x128xi32, #tpu.memory_space<vmem>>, %arg11: memref<128x128xf32, #tpu.memory_space<vmem>>, %arg12: memref<128x128xf32, #tpu.memory_space<vmem>>, %arg13: memref<10240x128xf32, #tpu.memory_space<vmem_shared>>, %arg14: memref<!tpu.dma_semaphore, #tpu.memory_space<semaphore_mem>>, %arg15: memref<!tpu.dma_semaphore, #tpu.memory_space<semaphore_mem>>) attributes {dimension_semantics = [#tpu.dimension_semantics<core_parallel>, #tpu.dimension_semantics<subcore_parallel>], iteration_bounds = array<i64: 2, 16>, scalar_prefetch = 0 : i64, scratch_operands = 7 : i64, tpu.core_type = #tpu.core_type<sc_vector_subcore>, window_params = [{transform_indices = #map}, {transform_indices = #map}, {transform_indices = #map1}, {transform_indices = #map}, {transform_indices = #map}, {transform_indices = #map}, {transform_indices = #map}]} {
    %mul3A = arith.constant 16 : i32
    %mul3A_0 = arith.muli %arg0, %mul3A : i32
    %add3A = arith.addi %mul3A_0, %arg1 : i32
    %mul3A_1 = arith.constant 640 : i32
    %mul3A_2 = arith.muli %arg1, %mul3A_1 : i32
    %multiple_of3A = tpu.assume_multiple %mul3A_2, 8 : i32
    %mul3A_3 = arith.constant 5120 : i32
    %mul3A_4 = arith.muli %add3A, %mul3A_3 : i32
    %multiple_of3A_5 = tpu.assume_multiple %mul3A_4, 128 : i32
    %mul3A_6 = arith.constant 40 : i32
    %mul3A_7 = arith.muli %add3A, %mul3A_6 : i32
    %scan3A = arith.constant 0 : i32
    %scan3A_8 = arith.constant 0 : i32
    %scan3A_9 = arith.constant 8 : i32
    %scan3A_10 = arith.addi %scan3A_8, %scan3A_9 : i32
    %scan3A_11 = arith.constant 1 : i32
    scf.for %scan3A_13 = %scan3A_8 to %scan3A_10 step %scan3A_11  : i32 {
      %mul3A_14 = arith.constant 10240 : i32
      %mul3A_15 = arith.muli %scan3A_13, %mul3A_14 : i32
      %mul3A_16 = arith.constant 163840 : i32
      %mul3A_17 = arith.muli %scan3A_13, %mul3A_16 : i32
      "tpu.region"() ({
        %run_scoped3A = tpu.sem_alloc : memref<!tpu.dma_semaphore, #tpu.memory_space<semaphore_mem>>
        %dma_start3A = tpu.memref_slice %arg4[%multiple_of3A_5] : memref<163840xi32, #tpu.memory_space<hbm>> -> memref<5120xi32, #tpu.memory_space<hbm>>
        %dma_start3A_41 = tpu.memref_slice %arg4[%multiple_of3A_5] : memref<163840xi32, #tpu.memory_space<hbm>> -> memref<5120xi32, #tpu.memory_space<hbm>>
        tpu.enqueue_dma source(%dma_start3A_41 : memref<5120xi32, #tpu.memory_space<hbm>>) target(%arg9 : memref<5120xi32, #tpu.memory_space<vmem>>) target_semaphore(%run_scoped3A : memref<!tpu.dma_semaphore, #tpu.memory_space<semaphore_mem>>)
        %dma_wait3A = tpu.memref_slice %arg4[%multiple_of3A_5] : memref<163840xi32, #tpu.memory_space<hbm>> -> memref<5120xi32, #tpu.memory_space<hbm>>
        %dma_wait3A_42 = tpu.memref_slice %arg4[%multiple_of3A_5] : memref<163840xi32, #tpu.memory_space<hbm>> -> memref<5120xi32, #tpu.memory_space<hbm>>
        tpu.wait_dma2 semaphore(%run_scoped3A : memref<!tpu.dma_semaphore, #tpu.memory_space<semaphore_mem>>) src(%dma_wait3A_42 : memref<5120xi32, #tpu.memory_space<hbm>>) dst(%arg9 : memref<5120xi32, #tpu.memory_space<vmem>>)
        tpu.yield
      }) : () -> ()
      "tpu.region"() ({
        %run_scoped3A = tpu.sem_alloc : memref<!tpu.dma_semaphore, #tpu.memory_space<semaphore_mem>>
        %dma_start3A = arith.constant 0 : i32
        %dma_start3A_41 = tpu.memref_slice %arg5[%mul3A_7, %dma_start3A] : memref<1280x128xi32, #tpu.memory_space<hbm>> -> memref<40x128xi32, #tpu.memory_space<hbm>>
        %dma_start3A_42 = arith.constant 0 : i32
        %dma_start3A_43 = tpu.memref_slice %arg5[%mul3A_7, %dma_start3A_42] : memref<1280x128xi32, #tpu.memory_space<hbm>> -> memref<40x128xi32, #tpu.memory_space<hbm>>
        tpu.enqueue_dma source(%dma_start3A_43 : memref<40x128xi32, #tpu.memory_space<hbm>>) target(%arg10 : memref<40x128xi32, #tpu.memory_space<vmem>>) target_semaphore(%run_scoped3A : memref<!tpu.dma_semaphore, #tpu.memory_space<semaphore_mem>>)
        %dma_wait3A = arith.constant 0 : i32
        %dma_wait3A_44 = tpu.memref_slice %arg5[%mul3A_7, %dma_wait3A] : memref<1280x128xi32, #tpu.memory_space<hbm>> -> memref<40x128xi32, #tpu.memory_space<hbm>>
        %dma_wait3A_45 = arith.constant 0 : i32
        %dma_wait3A_46 = tpu.memref_slice %arg5[%mul3A_7, %dma_wait3A_45] : memref<1280x128xi32, #tpu.memory_space<hbm>> -> memref<40x128xi32, #tpu.memory_space<hbm>>
        tpu.wait_dma2 semaphore(%run_scoped3A : memref<!tpu.dma_semaphore, #tpu.memory_space<semaphore_mem>>) src(%dma_wait3A_46 : memref<40x128xi32, #tpu.memory_space<hbm>>) dst(%arg10 : memref<40x128xi32, #tpu.memory_space<vmem>>)
        tpu.yield
      }) : () -> ()
      %scan3A_18 = arith.constant 0 : i32
      %scan3A_19 = arith.constant 0 : i32
      %scan3A_20 = arith.constant 320 : i32
      %scan3A_21 = arith.addi %scan3A_19, %scan3A_20 : i32
      %scan3A_22 = arith.constant 1 : i32
      scf.for %scan3A_41 = %scan3A_19 to %scan3A_21 step %scan3A_22  : i32 {
        %mul3A_42 = arith.constant 16 : i32
        %mul3A_43 = arith.muli %scan3A_41, %mul3A_42 : i32
        %multiple_of3A_44 = tpu.assume_multiple %mul3A_43, 16 : i32
        %get3A = arith.index_cast %multiple_of3A_44 : i32 to index
        %get3A_45 = tpu.vector_load %arg9[%get3A] {strides = array<i32>} : memref<5120xi32, #tpu.memory_space<vmem>>, vector<16xi32>,
        %get3A_46 = vector.shape_cast %get3A_45 : vector<16xi32> to vector<16xi32>
        %add3A_47 = vector.broadcast %mul3A_15 : i32 to vector<16xi32>
        %add3A_48 = arith.addi %get3A_46, %add3A_47 : vector<16xi32>
        %swap3A = arith.index_cast %multiple_of3A_44 : i32 to index
        %swap3A_49 = tpu.vector_load %arg9[%swap3A] {strides = array<i32>} : memref<5120xi32, #tpu.memory_space<vmem>>, vector<16xi32>,
        %swap3A_50 = vector.shape_cast %swap3A_49 : vector<16xi32> to vector<16xi32>
        %swap3A_51 = vector.shape_cast %add3A_48 : vector<16xi32> to vector<16xi32>
        tpu.vector_store %arg9[%swap3A], %swap3A_51 {strides = array<i32>} : memref<5120xi32, #tpu.memory_space<vmem>>, vector<16xi32>,
      }
      %scan3A_23 = arith.constant 320 : i32
      "tpu.region"() ({
        %run_scoped3A = tpu.sem_alloc : memref<!tpu.dma_semaphore, #tpu.memory_space<semaphore_mem>>
        %dma_start3A = arith.constant 0 : i32
        %dma_start3A_41 = tpu.memref_slice %arg13[%multiple_of3A, %dma_start3A] : memref<10240x128xf32, #tpu.memory_space<vmem_shared>> -> memref<640x128xf32, #tpu.memory_space<vmem_shared>>
        %dma_start3A_42 = arith.constant 0 : i32
        %dma_start3A_43 = tpu.memref_slice %arg6[%multiple_of3A, %dma_start3A_42] : memref<10240x128xf32, #tpu.memory_space<hbm>> -> memref<640x128xf32, #tpu.memory_space<hbm>>
        tpu.enqueue_dma source(%dma_start3A_43 : memref<640x128xf32, #tpu.memory_space<hbm>>) target(%dma_start3A_41 : memref<640x128xf32, #tpu.memory_space<vmem_shared>>) target_semaphore(%run_scoped3A : memref<!tpu.dma_semaphore, #tpu.memory_space<semaphore_mem>>)
        %dma_wait3A = arith.constant 0 : i32
        %dma_wait3A_44 = tpu.memref_slice %arg13[%multiple_of3A, %dma_wait3A] : memref<10240x128xf32, #tpu.memory_space<vmem_shared>> -> memref<640x128xf32, #tpu.memory_space<vmem_shared>>
        %dma_wait3A_45 = arith.constant 0 : i32
        %dma_wait3A_46 = tpu.memref_slice %arg6[%multiple_of3A, %dma_wait3A_45] : memref<10240x128xf32, #tpu.memory_space<hbm>> -> memref<640x128xf32, #tpu.memory_space<hbm>>
        tpu.wait_dma2 semaphore(%run_scoped3A : memref<!tpu.dma_semaphore, #tpu.memory_space<semaphore_mem>>) src(%dma_wait3A_46 : memref<640x128xf32, #tpu.memory_space<hbm>>) dst(%dma_wait3A_44 : memref<640x128xf32, #tpu.memory_space<vmem_shared>>)
        tpu.yield
      }) : () -> ()
      %barrier3A = arith.constant 0 : index
      tpu.barrier barrier_id(%barrier3A)
      %scan3A_24 = arith.constant 0 : i32
      %scan3A_25 = arith.constant 0 : i32
      %scan3A_26 = arith.constant 40 : i32
      %scan3A_27 = arith.addi %scan3A_25, %scan3A_26 : i32
      %scan3A_28 = arith.constant 1 : i32
      scf.for %scan3A_41 = %scan3A_25 to %scan3A_27 step %scan3A_28  : i32 {
        %mul3A_42 = arith.constant 128 : i32
        %mul3A_43 = arith.muli %scan3A_41, %mul3A_42 : i32
        %multiple_of3A_44 = tpu.assume_multiple %mul3A_43, 128 : i32
        %add3A_45 = arith.addi %mul3A_7, %scan3A_41 : i32
        %mul3A_46 = arith.constant 128 : i32
        %mul3A_47 = arith.muli %add3A_45, %mul3A_46 : i32
        %add3A_48 = arith.addi %mul3A_17, %mul3A_47 : i32
        %multiple_of3A_49 = tpu.assume_multiple %add3A_48, 128 : i32
        %dma_start3A = tpu.memref_slice %arg9[%multiple_of3A_44] : memref<5120xi32, #tpu.memory_space<vmem>> -> memref<128xi32, #tpu.memory_space<vmem>>
        %dma_start3A_50 = arith.constant 0 : i32
        %dma_start3A_51 = arith.constant 0 : i32
        %dma_start3A_52 = tpu.memref_slice %arg2[%dma_start3A_50, %dma_start3A_51] : memref<81920x128xf32, #tpu.memory_space<hbm>> -> memref<81920x128xf32, #tpu.memory_space<hbm>>
        tpu.enqueue_indirect_dma source(%dma_start3A_52 : memref<81920x128xf32, #tpu.memory_space<hbm>>) target(%arg11 : memref<128x128xf32, #tpu.memory_space<vmem>>) offsets(%dma_start3A : memref<128xi32, #tpu.memory_space<vmem>>) semaphore(%arg14 : memref<!tpu.dma_semaphore, #tpu.memory_space<semaphore_mem>>)
        %dma_start3A_53 = arith.constant 0 : i32
        %dma_start3A_54 = tpu.memref_slice %arg3[%multiple_of3A_49, %dma_start3A_53] : memref<1310720x128xf32, #tpu.memory_space<hbm>> -> memref<128x128xf32, #tpu.memory_space<hbm>>
        %dma_start3A_55 = arith.constant 0 : i32
        %dma_start3A_56 = tpu.memref_slice %arg3[%multiple_of3A_49, %dma_start3A_55] : memref<1310720x128xf32, #tpu.memory_space<hbm>> -> memref<128x128xf32, #tpu.memory_space<hbm>>
        tpu.enqueue_dma source(%dma_start3A_56 : memref<128x128xf32, #tpu.memory_space<hbm>>) target(%arg12 : memref<128x128xf32, #tpu.memory_space<vmem>>) target_semaphore(%arg15 : memref<!tpu.dma_semaphore, #tpu.memory_space<semaphore_mem>>)
        %dma_wait3A = tpu.memref_slice %arg9[%multiple_of3A_44] : memref<5120xi32, #tpu.memory_space<vmem>> -> memref<128xi32, #tpu.memory_space<vmem>>
        %dma_wait3A_57 = arith.constant 0 : i32
        %dma_wait3A_58 = arith.constant 0 : i32
        %dma_wait3A_59 = tpu.memref_slice %arg2[%dma_wait3A_57, %dma_wait3A_58] : memref<81920x128xf32, #tpu.memory_space<hbm>> -> memref<81920x128xf32, #tpu.memory_space<hbm>>
        tpu.wait_indirect_dma semaphore(%arg14 : memref<!tpu.dma_semaphore, #tpu.memory_space<semaphore_mem>>) src(%dma_wait3A_59 : memref<81920x128xf32, #tpu.memory_space<hbm>>) dst(%arg11 : memref<128x128xf32, #tpu.memory_space<vmem>>)
        %dma_wait3A_60 = arith.constant 0 : i32
        %dma_wait3A_61 = tpu.memref_slice %arg3[%multiple_of3A_49, %dma_wait3A_60] : memref<1310720x128xf32, #tpu.memory_space<hbm>> -> memref<128x128xf32, #tpu.memory_space<hbm>>
        %dma_wait3A_62 = arith.constant 0 : i32
        %dma_wait3A_63 = tpu.memref_slice %arg3[%multiple_of3A_49, %dma_wait3A_62] : memref<1310720x128xf32, #tpu.memory_space<hbm>> -> memref<128x128xf32, #tpu.memory_space<hbm>>
        tpu.wait_dma2 semaphore(%arg15 : memref<!tpu.dma_semaphore, #tpu.memory_space<semaphore_mem>>) src(%dma_wait3A_63 : memref<128x128xf32, #tpu.memory_space<hbm>>) dst(%arg12 : memref<128x128xf32, #tpu.memory_space<vmem>>)
        %scan3A_64 = arith.constant 0 : i32
        %scan3A_65 = arith.constant 0 : i32
        %scan3A_66 = arith.constant 128 : i32
        %scan3A_67 = arith.addi %scan3A_65, %scan3A_66 : i32
        %scan3A_68 = arith.constant 1 : i32
        scf.for %scan3A_70 = %scan3A_65 to %scan3A_67 step %scan3A_68  : i32 {
          %get3A = arith.index_cast %scan3A_70 : i32 to index
          %get3A_71 = arith.constant 0 : index
          %get3A_72 = tpu.vector_load %arg11[%get3A, %get3A_71] {strides = array<i32>} : memref<128x128xf32, #tpu.memory_space<vmem>>, vector<1x16xf32>,
          %get3A_73 = vector.shape_cast %get3A_72 : vector<1x16xf32> to vector<16xf32>
          %get3A_74 = arith.index_cast %scan3A_70 : i32 to index
          %get3A_75 = arith.constant 0 : index
          %get3A_76 = tpu.vector_load %arg12[%get3A_74, %get3A_75] {strides = array<i32>} : memref<128x128xf32, #tpu.memory_space<vmem>>, vector<1x16xf32>,
          %get3A_77 = vector.shape_cast %get3A_76 : vector<1x16xf32> to vector<16xf32>
          %add3A_78 = arith.addf %get3A_73, %get3A_77 : vector<16xf32>
          %max3A = arith.constant 0.000000e+00 : f32
          %max3A_79 = vector.broadcast %max3A : f32 to vector<16xf32>
          %max3A_80 = arith.maximumf %add3A_78, %max3A_79 : vector<16xf32>
          %swap3A = arith.index_cast %scan3A_70 : i32 to index
          %swap3A_81 = arith.constant 0 : index
          %swap3A_82 = tpu.vector_load %arg11[%swap3A, %swap3A_81] {strides = array<i32>} : memref<128x128xf32, #tpu.memory_space<vmem>>, vector<1x16xf32>,
          %swap3A_83 = vector.shape_cast %swap3A_82 : vector<1x16xf32> to vector<16xf32>
          %swap3A_84 = vector.shape_cast %max3A_80 : vector<16xf32> to vector<1x16xf32>
          tpu.vector_store %arg11[%swap3A, %swap3A_81], %swap3A_84 {strides = array<i32>} : memref<128x128xf32, #tpu.memory_space<vmem>>, vector<1x16xf32>,
          %get3A_85 = arith.index_cast %scan3A_70 : i32 to index
          %get3A_86 = arith.constant 16 : index
          %get3A_87 = tpu.vector_load %arg11[%get3A_85, %get3A_86] {strides = array<i32>} : memref<128x128xf32, #tpu.memory_space<vmem>>, vector<1x16xf32>,
          %get3A_88 = vector.shape_cast %get3A_87 : vector<1x16xf32> to vector<16xf32>
          %get3A_89 = arith.index_cast %scan3A_70 : i32 to index
          %get3A_90 = arith.constant 16 : index
          %get3A_91 = tpu.vector_load %arg12[%get3A_89, %get3A_90] {strides = array<i32>} : memref<128x128xf32, #tpu.memory_space<vmem>>, vector<1x16xf32>,
          %get3A_92 = vector.shape_cast %get3A_91 : vector<1x16xf32> to vector<16xf32>
          %add3A_93 = arith.addf %get3A_88, %get3A_92 : vector<16xf32>
          %max3A_94 = arith.constant 0.000000e+00 : f32
          %max3A_95 = vector.broadcast %max3A_94 : f32 to vector<16xf32>
          %max3A_96 = arith.maximumf %add3A_93, %max3A_95 : vector<16xf32>
          %swap3A_97 = arith.index_cast %scan3A_70 : i32 to index
          %swap3A_98 = arith.constant 16 : index
          %swap3A_99 = tpu.vector_load %arg11[%swap3A_97, %swap3A_98] {strides = array<i32>} : memref<128x128xf32, #tpu.memory_space<vmem>>, vector<1x16xf32>,
          %swap3A_100 = vector.shape_cast %swap3A_99 : vector<1x16xf32> to vector<16xf32>
          %swap3A_101 = vector.shape_cast %max3A_96 : vector<16xf32> to vector<1x16xf32>
          tpu.vector_store %arg11[%swap3A_97, %swap3A_98], %swap3A_101 {strides = array<i32>} : memref<128x128xf32, #tpu.memory_space<vmem>>, vector<1x16xf32>,
          %get3A_102 = arith.index_cast %scan3A_70 : i32 to index
          %get3A_103 = arith.constant 32 : index
          %get3A_104 = tpu.vector_load %arg11[%get3A_102, %get3A_103] {strides = array<i32>} : memref<128x128xf32, #tpu.memory_space<vmem>>, vector<1x16xf32>,
          %get3A_105 = vector.shape_cast %get3A_104 : vector<1x16xf32> to vector<16xf32>
          %get3A_106 = arith.index_cast %scan3A_70 : i32 to index
          %get3A_107 = arith.constant 32 : index
          %get3A_108 = tpu.vector_load %arg12[%get3A_106, %get3A_107] {strides = array<i32>} : memref<128x128xf32, #tpu.memory_space<vmem>>, vector<1x16xf32>,
          %get3A_109 = vector.shape_cast %get3A_108 : vector<1x16xf32> to vector<16xf32>
          %add3A_110 = arith.addf %get3A_105, %get3A_109 : vector<16xf32>
          %max3A_111 = arith.constant 0.000000e+00 : f32
          %max3A_112 = vector.broadcast %max3A_111 : f32 to vector<16xf32>
          %max3A_113 = arith.maximumf %add3A_110, %max3A_112 : vector<16xf32>
          %swap3A_114 = arith.index_cast %scan3A_70 : i32 to index
          %swap3A_115 = arith.constant 32 : index
          %swap3A_116 = tpu.vector_load %arg11[%swap3A_114, %swap3A_115] {strides = array<i32>} : memref<128x128xf32, #tpu.memory_space<vmem>>, vector<1x16xf32>,
          %swap3A_117 = vector.shape_cast %swap3A_116 : vector<1x16xf32> to vector<16xf32>
          %swap3A_118 = vector.shape_cast %max3A_113 : vector<16xf32> to vector<1x16xf32>
          tpu.vector_store %arg11[%swap3A_114, %swap3A_115], %swap3A_118 {strides = array<i32>} : memref<128x128xf32, #tpu.memory_space<vmem>>, vector<1x16xf32>,
          %get3A_119 = arith.index_cast %scan3A_70 : i32 to index
          %get3A_120 = arith.constant 48 : index
          %get3A_121 = tpu.vector_load %arg11[%get3A_119, %get3A_120] {strides = array<i32>} : memref<128x128xf32, #tpu.memory_space<vmem>>, vector<1x16xf32>,
          %get3A_122 = vector.shape_cast %get3A_121 : vector<1x16xf32> to vector<16xf32>
          %get3A_123 = arith.index_cast %scan3A_70 : i32 to index
          %get3A_124 = arith.constant 48 : index
          %get3A_125 = tpu.vector_load %arg12[%get3A_123, %get3A_124] {strides = array<i32>} : memref<128x128xf32, #tpu.memory_space<vmem>>, vector<1x16xf32>,
          %get3A_126 = vector.shape_cast %get3A_125 : vector<1x16xf32> to vector<16xf32>
          %add3A_127 = arith.addf %get3A_122, %get3A_126 : vector<16xf32>
          %max3A_128 = arith.constant 0.000000e+00 : f32
          %max3A_129 = vector.broadcast %max3A_128 : f32 to vector<16xf32>
          %max3A_130 = arith.maximumf %add3A_127, %max3A_129 : vector<16xf32>
          %swap3A_131 = arith.index_cast %scan3A_70 : i32 to index
          %swap3A_132 = arith.constant 48 : index
          %swap3A_133 = tpu.vector_load %arg11[%swap3A_131, %swap3A_132] {strides = array<i32>} : memref<128x128xf32, #tpu.memory_space<vmem>>, vector<1x16xf32>,
          %swap3A_134 = vector.shape_cast %swap3A_133 : vector<1x16xf32> to vector<16xf32>
          %swap3A_135 = vector.shape_cast %max3A_130 : vector<16xf32> to vector<1x16xf32>
          tpu.vector_store %arg11[%swap3A_131, %swap3A_132], %swap3A_135 {strides = array<i32>} : memref<128x128xf32, #tpu.memory_space<vmem>>, vector<1x16xf32>,
          %get3A_136 = arith.index_cast %scan3A_70 : i32 to index
          %get3A_137 = arith.constant 64 : index
          %get3A_138 = tpu.vector_load %arg11[%get3A_136, %get3A_137] {strides = array<i32>} : memref<128x128xf32, #tpu.memory_space<vmem>>, vector<1x16xf32>,
          %get3A_139 = vector.shape_cast %get3A_138 : vector<1x16xf32> to vector<16xf32>
          %get3A_140 = arith.index_cast %scan3A_70 : i32 to index
          %get3A_141 = arith.constant 64 : index
          %get3A_142 = tpu.vector_load %arg12[%get3A_140, %get3A_141] {strides = array<i32>} : memref<128x128xf32, #tpu.memory_space<vmem>>, vector<1x16xf32>,
          %get3A_143 = vector.shape_cast %get3A_142 : vector<1x16xf32> to vector<16xf32>
          %add3A_144 = arith.addf %get3A_139, %get3A_143 : vector<16xf32>
          %max3A_145 = arith.constant 0.000000e+00 : f32
          %max3A_146 = vector.broadcast %max3A_145 : f32 to vector<16xf32>
          %max3A_147 = arith.maximumf %add3A_144, %max3A_146 : vector<16xf32>
          %swap3A_148 = arith.index_cast %scan3A_70 : i32 to index
          %swap3A_149 = arith.constant 64 : index
          %swap3A_150 = tpu.vector_load %arg11[%swap3A_148, %swap3A_149] {strides = array<i32>} : memref<128x128xf32, #tpu.memory_space<vmem>>, vector<1x16xf32>,
          %swap3A_151 = vector.shape_cast %swap3A_150 : vector<1x16xf32> to vector<16xf32>
          %swap3A_152 = vector.shape_cast %max3A_147 : vector<16xf32> to vector<1x16xf32>
          tpu.vector_store %arg11[%swap3A_148, %swap3A_149], %swap3A_152 {strides = array<i32>} : memref<128x128xf32, #tpu.memory_space<vmem>>, vector<1x16xf32>,
          %get3A_153 = arith.index_cast %scan3A_70 : i32 to index
          %get3A_154 = arith.constant 80 : index
          %get3A_155 = tpu.vector_load %arg11[%get3A_153, %get3A_154] {strides = array<i32>} : memref<128x128xf32, #tpu.memory_space<vmem>>, vector<1x16xf32>,
          %get3A_156 = vector.shape_cast %get3A_155 : vector<1x16xf32> to vector<16xf32>
          %get3A_157 = arith.index_cast %scan3A_70 : i32 to index
          %get3A_158 = arith.constant 80 : index
          %get3A_159 = tpu.vector_load %arg12[%get3A_157, %get3A_158] {strides = array<i32>} : memref<128x128xf32, #tpu.memory_space<vmem>>, vector<1x16xf32>,
          %get3A_160 = vector.shape_cast %get3A_159 : vector<1x16xf32> to vector<16xf32>
          %add3A_161 = arith.addf %get3A_156, %get3A_160 : vector<16xf32>
          %max3A_162 = arith.constant 0.000000e+00 : f32
          %max3A_163 = vector.broadcast %max3A_162 : f32 to vector<16xf32>
          %max3A_164 = arith.maximumf %add3A_161, %max3A_163 : vector<16xf32>
          %swap3A_165 = arith.index_cast %scan3A_70 : i32 to index
          %swap3A_166 = arith.constant 80 : index
          %swap3A_167 = tpu.vector_load %arg11[%swap3A_165, %swap3A_166] {strides = array<i32>} : memref<128x128xf32, #tpu.memory_space<vmem>>, vector<1x16xf32>,
          %swap3A_168 = vector.shape_cast %swap3A_167 : vector<1x16xf32> to vector<16xf32>
          %swap3A_169 = vector.shape_cast %max3A_164 : vector<16xf32> to vector<1x16xf32>
          tpu.vector_store %arg11[%swap3A_165, %swap3A_166], %swap3A_169 {strides = array<i32>} : memref<128x128xf32, #tpu.memory_space<vmem>>, vector<1x16xf32>,
          %get3A_170 = arith.index_cast %scan3A_70 : i32 to index
          %get3A_171 = arith.constant 96 : index
          %get3A_172 = tpu.vector_load %arg11[%get3A_170, %get3A_171] {strides = array<i32>} : memref<128x128xf32, #tpu.memory_space<vmem>>, vector<1x16xf32>,
          %get3A_173 = vector.shape_cast %get3A_172 : vector<1x16xf32> to vector<16xf32>
          %get3A_174 = arith.index_cast %scan3A_70 : i32 to index
          %get3A_175 = arith.constant 96 : index
          %get3A_176 = tpu.vector_load %arg12[%get3A_174, %get3A_175] {strides = array<i32>} : memref<128x128xf32, #tpu.memory_space<vmem>>, vector<1x16xf32>,
          %get3A_177 = vector.shape_cast %get3A_176 : vector<1x16xf32> to vector<16xf32>
          %add3A_178 = arith.addf %get3A_173, %get3A_177 : vector<16xf32>
          %max3A_179 = arith.constant 0.000000e+00 : f32
          %max3A_180 = vector.broadcast %max3A_179 : f32 to vector<16xf32>
          %max3A_181 = arith.maximumf %add3A_178, %max3A_180 : vector<16xf32>
          %swap3A_182 = arith.index_cast %scan3A_70 : i32 to index
          %swap3A_183 = arith.constant 96 : index
          %swap3A_184 = tpu.vector_load %arg11[%swap3A_182, %swap3A_183] {strides = array<i32>} : memref<128x128xf32, #tpu.memory_space<vmem>>, vector<1x16xf32>,
          %swap3A_185 = vector.shape_cast %swap3A_184 : vector<1x16xf32> to vector<16xf32>
          %swap3A_186 = vector.shape_cast %max3A_181 : vector<16xf32> to vector<1x16xf32>
          tpu.vector_store %arg11[%swap3A_182, %swap3A_183], %swap3A_186 {strides = array<i32>} : memref<128x128xf32, #tpu.memory_space<vmem>>, vector<1x16xf32>,
          %get3A_187 = arith.index_cast %scan3A_70 : i32 to index
          %get3A_188 = arith.constant 112 : index
          %get3A_189 = tpu.vector_load %arg11[%get3A_187, %get3A_188] {strides = array<i32>} : memref<128x128xf32, #tpu.memory_space<vmem>>, vector<1x16xf32>,
          %get3A_190 = vector.shape_cast %get3A_189 : vector<1x16xf32> to vector<16xf32>
          %get3A_191 = arith.index_cast %scan3A_70 : i32 to index
          %get3A_192 = arith.constant 112 : index
          %get3A_193 = tpu.vector_load %arg12[%get3A_191, %get3A_192] {strides = array<i32>} : memref<128x128xf32, #tpu.memory_space<vmem>>, vector<1x16xf32>,
          %get3A_194 = vector.shape_cast %get3A_193 : vector<1x16xf32> to vector<16xf32>
          %add3A_195 = arith.addf %get3A_190, %get3A_194 : vector<16xf32>
          %max3A_196 = arith.constant 0.000000e+00 : f32
          %max3A_197 = vector.broadcast %max3A_196 : f32 to vector<16xf32>
          %max3A_198 = arith.maximumf %add3A_195, %max3A_197 : vector<16xf32>
          %swap3A_199 = arith.index_cast %scan3A_70 : i32 to index
          %swap3A_200 = arith.constant 112 : index
          %swap3A_201 = tpu.vector_load %arg11[%swap3A_199, %swap3A_200] {strides = array<i32>} : memref<128x128xf32, #tpu.memory_space<vmem>>, vector<1x16xf32>,
          %swap3A_202 = vector.shape_cast %swap3A_201 : vector<1x16xf32> to vector<16xf32>
          %swap3A_203 = vector.shape_cast %max3A_198 : vector<16xf32> to vector<1x16xf32>
          tpu.vector_store %arg11[%swap3A_199, %swap3A_200], %swap3A_203 {strides = array<i32>} : memref<128x128xf32, #tpu.memory_space<vmem>>, vector<1x16xf32>,
        }
        %scan3A_69 = arith.constant 128 : i32
        "tpu.region"() ({
          %run_scoped3A = tpu.sem_alloc : memref<!tpu.dma_semaphore, #tpu.memory_space<semaphore_mem>>
          %dma_start3A_70 = arith.constant 0 : i32
          %dma_start3A_71 = tpu.memref_slice %arg10[%scan3A_41, %dma_start3A_70] : memref<40x128xi32, #tpu.memory_space<vmem>> -> memref<1x128xi32, #tpu.memory_space<vmem>>
          %dma_start3A_72 = tpu.memref_squeeze %dma_start3A_71 : memref<1x128xi32, #tpu.memory_space<vmem>> -> memref<128xi32, #tpu.memory_space<vmem>>
          %dma_start3A_73 = arith.constant 0 : i32
          %dma_start3A_74 = arith.constant 0 : i32
          %dma_start3A_75 = tpu.memref_slice %arg13[%dma_start3A_73, %dma_start3A_74] : memref<10240x128xf32, #tpu.memory_space<vmem_shared>> -> memref<10240x128xf32, #tpu.memory_space<vmem_shared>>
          tpu.enqueue_indirect_dma source(%arg11 : memref<128x128xf32, #tpu.memory_space<vmem>>) target(%dma_start3A_75 : memref<10240x128xf32, #tpu.memory_space<vmem_shared>>) offsets(%dma_start3A_72 : memref<128xi32, #tpu.memory_space<vmem>>) semaphore(%run_scoped3A : memref<!tpu.dma_semaphore, #tpu.memory_space<semaphore_mem>>) {add = true}
          %dma_wait3A_76 = arith.constant 0 : i32
          %dma_wait3A_77 = tpu.memref_slice %arg10[%scan3A_41, %dma_wait3A_76] : memref<40x128xi32, #tpu.memory_space<vmem>> -> memref<1x128xi32, #tpu.memory_space<vmem>>
          %dma_wait3A_78 = tpu.memref_squeeze %dma_wait3A_77 : memref<1x128xi32, #tpu.memory_space<vmem>> -> memref<128xi32, #tpu.memory_space<vmem>>
          %dma_wait3A_79 = arith.constant 0 : i32
          %dma_wait3A_80 = arith.constant 0 : i32
          %dma_wait3A_81 = tpu.memref_slice %arg13[%dma_wait3A_79, %dma_wait3A_80] : memref<10240x128xf32, #tpu.memory_space<vmem_shared>> -> memref<10240x128xf32, #tpu.memory_space<vmem_shared>>
          tpu.wait_indirect_dma semaphore(%run_scoped3A : memref<!tpu.dma_semaphore, #tpu.memory_space<semaphore_mem>>) src(%arg11 : memref<128x128xf32, #tpu.memory_space<vmem>>) dst(%dma_wait3A_81 : memref<10240x128xf32, #tpu.memory_space<vmem_shared>>)
          tpu.yield
        }) : () -> ()
      }
      %scan3A_29 = arith.constant 40 : i32
      %barrier3A_30 = arith.constant 0 : index
      tpu.barrier barrier_id(%barrier3A_30)
      %add3A_31 = arith.addi %mul3A_15, %multiple_of3A : i32
      %multiple_of3A_32 = tpu.assume_multiple %add3A_31, 8 : i32
      %eq3A = arith.constant 0 : i32
      %eq3A_33 = arith.cmpi eq, %arg0, %eq3A : i32
      %convert_element_type3A = arith.extui %eq3A_33 : i1 to i32
      %cond3A = arith.constant 0 : i32
      %cond3A_34 = arith.cmpi ne, %convert_element_type3A, %cond3A : i32
      scf.if %cond3A_34 {
        "tpu.region"() ({
          %run_scoped3A = tpu.sem_alloc : memref<!tpu.dma_semaphore, #tpu.memory_space<semaphore_mem>>
          %dma_start3A = arith.constant 0 : i32
          %dma_start3A_41 = tpu.memref_slice %arg7[%multiple_of3A_32, %dma_start3A] : memref<81920x128xf32, #tpu.memory_space<hbm>> -> memref<640x128xf32, #tpu.memory_space<hbm>>
          %dma_start3A_42 = arith.constant 0 : i32
          %dma_start3A_43 = tpu.memref_slice %arg13[%multiple_of3A, %dma_start3A_42] : memref<10240x128xf32, #tpu.memory_space<vmem_shared>> -> memref<640x128xf32, #tpu.memory_space<vmem_shared>>
          tpu.enqueue_dma source(%dma_start3A_43 : memref<640x128xf32, #tpu.memory_space<vmem_shared>>) target(%dma_start3A_41 : memref<640x128xf32, #tpu.memory_space<hbm>>) target_semaphore(%run_scoped3A : memref<!tpu.dma_semaphore, #tpu.memory_space<semaphore_mem>>)
          %dma_wait3A = arith.constant 0 : i32
          %dma_wait3A_44 = tpu.memref_slice %arg7[%multiple_of3A_32, %dma_wait3A] : memref<81920x128xf32, #tpu.memory_space<hbm>> -> memref<640x128xf32, #tpu.memory_space<hbm>>
          %dma_wait3A_45 = arith.constant 0 : i32
          %dma_wait3A_46 = tpu.memref_slice %arg13[%multiple_of3A, %dma_wait3A_45] : memref<10240x128xf32, #tpu.memory_space<vmem_shared>> -> memref<640x128xf32, #tpu.memory_space<vmem_shared>>
          tpu.wait_dma2 semaphore(%run_scoped3A : memref<!tpu.dma_semaphore, #tpu.memory_space<semaphore_mem>>) src(%dma_wait3A_46 : memref<640x128xf32, #tpu.memory_space<vmem_shared>>) dst(%dma_wait3A_44 : memref<640x128xf32, #tpu.memory_space<hbm>>)
          tpu.yield
        }) : () -> ()
      } else {
      }
      %eq3A_35 = arith.constant 1 : i32
      %eq3A_36 = arith.cmpi eq, %arg0, %eq3A_35 : i32
      %convert_element_type3A_37 = arith.extui %eq3A_36 : i1 to i32
      %cond3A_38 = arith.constant 0 : i32
      %cond3A_39 = arith.cmpi ne, %convert_element_type3A_37, %cond3A_38 : i32
      scf.if %cond3A_39 {
        "tpu.region"() ({
          %run_scoped3A = tpu.sem_alloc : memref<!tpu.dma_semaphore, #tpu.memory_space<semaphore_mem>>
          %dma_start3A = arith.constant 0 : i32
          %dma_start3A_41 = tpu.memref_slice %arg8[%multiple_of3A_32, %dma_start3A] : memref<81920x128xf32, #tpu.memory_space<hbm>> -> memref<640x128xf32, #tpu.memory_space<hbm>>
          %dma_start3A_42 = arith.constant 0 : i32
          %dma_start3A_43 = tpu.memref_slice %arg13[%multiple_of3A, %dma_start3A_42] : memref<10240x128xf32, #tpu.memory_space<vmem_shared>> -> memref<640x128xf32, #tpu.memory_space<vmem_shared>>
          tpu.enqueue_dma source(%dma_start3A_43 : memref<640x128xf32, #tpu.memory_space<vmem_shared>>) target(%dma_start3A_41 : memref<640x128xf32, #tpu.memory_space<hbm>>) target_semaphore(%run_scoped3A : memref<!tpu.dma_semaphore, #tpu.memory_space<semaphore_mem>>)
          %dma_wait3A = arith.constant 0 : i32
          %dma_wait3A_44 = tpu.memref_slice %arg8[%multiple_of3A_32, %dma_wait3A] : memref<81920x128xf32, #tpu.memory_space<hbm>> -> memref<640x128xf32, #tpu.memory_space<hbm>>
          %dma_wait3A_45 = arith.constant 0 : i32
          %dma_wait3A_46 = tpu.memref_slice %arg13[%multiple_of3A, %dma_wait3A_45] : memref<10240x128xf32, #tpu.memory_space<vmem_shared>> -> memref<640x128xf32, #tpu.memory_space<vmem_shared>>
          tpu.wait_dma2 semaphore(%run_scoped3A : memref<!tpu.dma_semaphore, #tpu.memory_space<semaphore_mem>>) src(%dma_wait3A_46 : memref<640x128xf32, #tpu.memory_space<vmem_shared>>) dst(%dma_wait3A_44 : memref<640x128xf32, #tpu.memory_space<hbm>>)
          tpu.yield
        }) : () -> ()
      } else {
      }
      %barrier3A_40 = arith.constant 0 : index
      tpu.barrier barrier_id(%barrier3A_40)
    }
    %scan3A_12 = arith.constant 8 : i32
    return
  }
}

module attributes {stable_mosaic.version = 14 : i64} {
  func.func @_pre_body(%arg0: i32, %arg1: memref<2048x8xf32, #tpu.memory_space<vmem>>, %arg2: memref<8x64xf32, #tpu.memory_space<vmem>>, %arg3: memref<1x64xf32, #tpu.memory_space<vmem>>, %arg4: memref<64x64xf32, #tpu.memory_space<vmem>>, %arg5: memref<1x64xf32, #tpu.memory_space<vmem>>, %arg6: memref<64x128xf32, #tpu.memory_space<vmem>>, %arg7: memref<1x128xf32, #tpu.memory_space<vmem>>, %arg8: memref<64x512xf32, #tpu.memory_space<vmem>>, %arg9: memref<1x512xf32, #tpu.memory_space<vmem>>, %arg10: memref<64x1024xf32, #tpu.memory_space<vmem>>, %arg11: memref<1x1024xf32, #tpu.memory_space<vmem>>, %arg12: memref<2048x128xf32, #tpu.memory_space<vmem>>, %arg13: memref<4x2048x128xf32, #tpu.memory_space<vmem>>, %arg14: memref<8x2048x128xf32, #tpu.memory_space<vmem>>) attributes {dimension_semantics = [#tpu.dimension_semantics<arbitrary>], iteration_bounds = array<i64: 80>, scalar_prefetch = 0 : i64, scratch_operands = 0 : i64, tpu.core_type = #tpu.core_type<tc>, window_params = [{transform_indices = @transform_0, window_bounds = array<i64: 2048, 8>}, {pipeline_mode = #tpu.pipeline_mode<synchronous>, transform_indices = @transform_1, window_bounds = array<i64: 8, 64>}, {pipeline_mode = #tpu.pipeline_mode<synchronous>, transform_indices = @transform_2, window_bounds = array<i64: 1, 64>}, {pipeline_mode = #tpu.pipeline_mode<synchronous>, transform_indices = @transform_3, window_bounds = array<i64: 64, 64>}, {pipeline_mode = #tpu.pipeline_mode<synchronous>, transform_indices = @transform_4, window_bounds = array<i64: 1, 64>}, {pipeline_mode = #tpu.pipeline_mode<synchronous>, transform_indices = @transform_5, window_bounds = array<i64: 64, 128>}, {pipeline_mode = #tpu.pipeline_mode<synchronous>, transform_indices = @transform_6, window_bounds = array<i64: 1, 128>}, {pipeline_mode = #tpu.pipeline_mode<synchronous>, transform_indices = @transform_7, window_bounds = array<i64: 64, 512>}, {pipeline_mode = #tpu.pipeline_mode<synchronous>, transform_indices = @transform_8, window_bounds = array<i64: 1, 512>}, {pipeline_mode = #tpu.pipeline_mode<synchronous>, transform_indices = @transform_9, window_bounds = array<i64: 64, 1024>}, {pipeline_mode = #tpu.pipeline_mode<synchronous>, transform_indices = @transform_10, window_bounds = array<i64: 1, 1024>}, {transform_indices = @transform_11, window_bounds = array<i64: 2048, 128>}, {transform_indices = @transform_12, window_bounds = array<i64: 4, 2048, 128>}, {transform_indices = @transform_13, window_bounds = array<i64: 8, 2048, 128>}]} {
    %get3A = arith.constant 0 : index
    %get3A_0 = arith.constant 0 : index
    %get3A_1 = vector.load %arg1[%get3A, %get3A_0] : memref<2048x8xf32, #tpu.memory_space<vmem>>, vector<2048x8xf32>
    %get3A_2 = arith.constant 0 : index
    %get3A_3 = arith.constant 0 : index
    %get3A_4 = vector.load %arg2[%get3A_2, %get3A_3] : memref<8x64xf32, #tpu.memory_space<vmem>>, vector<8x64xf32>
    %dot_general3A = arith.constant dense<0.000000e+00> : vector<2048x64xf32>
    %dot_general3A_5 = tpu.matmul %get3A_1, %get3A_4, %dot_general3A {dimension_numbers = #tpu.dot_dimension_numbers<[1], [0], [0], [1], [0, 0, 1, 1], [], []>, transpose_lhs_hint = false} : vector<2048x8xf32>, vector<8x64xf32>, vector<2048x64xf32> -> vector<2048x64xf32>
    %get3A_6 = arith.constant 0 : index
    %get3A_7 = arith.constant 0 : index
    %get3A_8 = vector.load %arg3[%get3A_6, %get3A_7] : memref<1x64xf32, #tpu.memory_space<vmem>>, vector<1x64xf32>
    %add3A = vector.broadcast %get3A_8 : vector<1x64xf32> to vector<2048x64xf32>
    %add3A_9 = arith.addf %dot_general3A_5, %add3A : vector<2048x64xf32>
    %max3A = arith.constant 0.000000e+00 : f32
    %max3A_10 = vector.broadcast %max3A : f32 to vector<2048x64xf32>
    %max3A_11 = arith.maximumf %add3A_9, %max3A_10 : vector<2048x64xf32>
    %get3A_12 = arith.constant 0 : index
    %get3A_13 = arith.constant 0 : index
    %get3A_14 = vector.load %arg4[%get3A_12, %get3A_13] : memref<64x64xf32, #tpu.memory_space<vmem>>, vector<64x64xf32>
    %dot_general3A_15 = arith.constant dense<0.000000e+00> : vector<2048x64xf32>
    %dot_general3A_16 = tpu.matmul %max3A_11, %get3A_14, %dot_general3A_15 {dimension_numbers = #tpu.dot_dimension_numbers<[1], [0], [0], [1], [0, 0, 1, 1], [], []>, transpose_lhs_hint = false} : vector<2048x64xf32>, vector<64x64xf32>, vector<2048x64xf32> -> vector<2048x64xf32>
    %get3A_17 = arith.constant 0 : index
    %get3A_18 = arith.constant 0 : index
    %get3A_19 = vector.load %arg5[%get3A_17, %get3A_18] : memref<1x64xf32, #tpu.memory_space<vmem>>, vector<1x64xf32>
    %add3A_20 = vector.broadcast %get3A_19 : vector<1x64xf32> to vector<2048x64xf32>
    %add3A_21 = arith.addf %dot_general3A_16, %add3A_20 : vector<2048x64xf32>
    %iota3A = tpu.iota {dimensions = array<i32: 0>} : vector<2048x1xi32>
    %mul3A = arith.constant 2048 : i32
    %mul3A_22 = arith.muli %arg0, %mul3A : i32
    %add3A_23 = vector.broadcast %mul3A_22 : i32 to vector<2048x1xi32>
    %add3A_24 = arith.addi %iota3A, %add3A_23 : vector<2048x1xi32>
    %lt3A = arith.constant 160000 : i32
    %lt3A_25 = vector.broadcast %lt3A : i32 to vector<2048x1xi32>
    %lt3A_26 = arith.cmpi slt, %add3A_24, %lt3A_25 : vector<2048x1xi32>
    %get3A_27 = arith.constant 0 : index
    %get3A_28 = arith.constant 0 : index
    %get3A_29 = vector.load %arg6[%get3A_27, %get3A_28] : memref<64x128xf32, #tpu.memory_space<vmem>>, vector<64x128xf32>
    %dot_general3A_30 = arith.constant dense<0.000000e+00> : vector<2048x128xf32>
    %dot_general3A_31 = tpu.matmul %add3A_21, %get3A_29, %dot_general3A_30 {dimension_numbers = #tpu.dot_dimension_numbers<[1], [0], [0], [1], [0, 0, 1, 1], [], []>, transpose_lhs_hint = false} : vector<2048x64xf32>, vector<64x128xf32>, vector<2048x128xf32> -> vector<2048x128xf32>
    %get3A_32 = arith.constant 0 : index
    %get3A_33 = arith.constant 0 : index
    %get3A_34 = vector.load %arg7[%get3A_32, %get3A_33] : memref<1x128xf32, #tpu.memory_space<vmem>>, vector<1x128xf32>
    %add3A_35 = vector.broadcast %get3A_34 : vector<1x128xf32> to vector<2048x128xf32>
    %add3A_36 = arith.addf %dot_general3A_31, %add3A_35 : vector<2048x128xf32>
    %jit3A = arith.constant -1.000000e+09 : f32
    %broadcast_in_dim3A = vector.shape_cast %lt3A_26 : vector<2048x1xi1> to vector<2048x1xi1>
    %broadcast_in_dim3A_37 = vector.broadcast %broadcast_in_dim3A : vector<2048x1xi1> to vector<2048x128xi1>
    %broadcast_in_dim3A_38 = vector.broadcast %jit3A : f32 to vector<2048x128xf32>
    %select_n3A = arith.select %broadcast_in_dim3A_37, %add3A_36, %broadcast_in_dim3A_38 : vector<2048x128xi1>, vector<2048x128xf32>
    %swap3A = arith.constant 0 : index
    %swap3A_39 = arith.constant 0 : index
    %swap3A_40 = vector.load %arg12[%swap3A, %swap3A_39] : memref<2048x128xf32, #tpu.memory_space<vmem>>, vector<2048x128xf32>
    tpu.vector_store %arg12[%swap3A, %swap3A_39], %select_n3A {strides = array<i32>} : memref<2048x128xf32, #tpu.memory_space<vmem>>, vector<2048x128xf32>,
    %get3A_41 = arith.constant 0 : index
    %get3A_42 = arith.constant 0 : index
    %get3A_43 = vector.load %arg8[%get3A_41, %get3A_42] : memref<64x512xf32, #tpu.memory_space<vmem>>, vector<64x512xf32>
    %dot_general3A_44 = arith.constant dense<0.000000e+00> : vector<2048x512xf32>
    %dot_general3A_45 = tpu.matmul %add3A_21, %get3A_43, %dot_general3A_44 {dimension_numbers = #tpu.dot_dimension_numbers<[1], [0], [0], [1], [0, 0, 1, 1], [], []>, transpose_lhs_hint = false} : vector<2048x64xf32>, vector<64x512xf32>, vector<2048x512xf32> -> vector<2048x512xf32>
    %get3A_46 = arith.constant 0 : index
    %get3A_47 = arith.constant 0 : index
    %get3A_48 = vector.load %arg9[%get3A_46, %get3A_47] : memref<1x512xf32, #tpu.memory_space<vmem>>, vector<1x512xf32>
    %add3A_49 = vector.broadcast %get3A_48 : vector<1x512xf32> to vector<2048x512xf32>
    %add3A_50 = arith.addf %dot_general3A_45, %add3A_49 : vector<2048x512xf32>
    %jit3A_51 = arith.constant -1.000000e+09 : f32
    %broadcast_in_dim3A_52 = vector.shape_cast %lt3A_26 : vector<2048x1xi1> to vector<2048x1xi1>
    %broadcast_in_dim3A_53 = vector.broadcast %broadcast_in_dim3A_52 : vector<2048x1xi1> to vector<2048x512xi1>
    %broadcast_in_dim3A_54 = vector.broadcast %jit3A_51 : f32 to vector<2048x512xf32>
    %select_n3A_55 = arith.select %broadcast_in_dim3A_53, %add3A_50, %broadcast_in_dim3A_54 : vector<2048x512xi1>, vector<2048x512xf32>
    %slice3A = vector.extract_strided_slice %select_n3A_55 {offsets = [0, 0], sizes = [2048, 128], strides = [1, 1]} : vector<2048x512xf32> to vector<2048x128xf32>
    %swap3A_56 = arith.constant 0 : index
    %swap3A_57 = arith.constant 0 : index
    %swap3A_58 = arith.constant 0 : index
    %swap3A_59 = vector.load %arg13[%swap3A_56, %swap3A_57, %swap3A_58] : memref<4x2048x128xf32, #tpu.memory_space<vmem>>, vector<1x2048x128xf32>
    %swap3A_60 = vector.shape_cast %swap3A_59 : vector<1x2048x128xf32> to vector<2048x128xf32>
    %swap3A_61 = vector.shape_cast %slice3A : vector<2048x128xf32> to vector<1x2048x128xf32>
    tpu.vector_store %arg13[%swap3A_56, %swap3A_57, %swap3A_58], %swap3A_61 {strides = array<i32>} : memref<4x2048x128xf32, #tpu.memory_space<vmem>>, vector<1x2048x128xf32>,
    %slice3A_62 = vector.extract_strided_slice %select_n3A_55 {offsets = [0, 128], sizes = [2048, 128], strides = [1, 1]} : vector<2048x512xf32> to vector<2048x128xf32>
    %swap3A_63 = arith.constant 1 : index
    %swap3A_64 = arith.constant 0 : index
    %swap3A_65 = arith.constant 0 : index
    %swap3A_66 = vector.load %arg13[%swap3A_63, %swap3A_64, %swap3A_65] : memref<4x2048x128xf32, #tpu.memory_space<vmem>>, vector<1x2048x128xf32>
    %swap3A_67 = vector.shape_cast %swap3A_66 : vector<1x2048x128xf32> to vector<2048x128xf32>
    %swap3A_68 = vector.shape_cast %slice3A_62 : vector<2048x128xf32> to vector<1x2048x128xf32>
    tpu.vector_store %arg13[%swap3A_63, %swap3A_64, %swap3A_65], %swap3A_68 {strides = array<i32>} : memref<4x2048x128xf32, #tpu.memory_space<vmem>>, vector<1x2048x128xf32>,
    %slice3A_69 = vector.extract_strided_slice %select_n3A_55 {offsets = [0, 256], sizes = [2048, 128], strides = [1, 1]} : vector<2048x512xf32> to vector<2048x128xf32>
    %swap3A_70 = arith.constant 2 : index
    %swap3A_71 = arith.constant 0 : index
    %swap3A_72 = arith.constant 0 : index
    %swap3A_73 = vector.load %arg13[%swap3A_70, %swap3A_71, %swap3A_72] : memref<4x2048x128xf32, #tpu.memory_space<vmem>>, vector<1x2048x128xf32>
    %swap3A_74 = vector.shape_cast %swap3A_73 : vector<1x2048x128xf32> to vector<2048x128xf32>
    %swap3A_75 = vector.shape_cast %slice3A_69 : vector<2048x128xf32> to vector<1x2048x128xf32>
    tpu.vector_store %arg13[%swap3A_70, %swap3A_71, %swap3A_72], %swap3A_75 {strides = array<i32>} : memref<4x2048x128xf32, #tpu.memory_space<vmem>>, vector<1x2048x128xf32>,
    %slice3A_76 = vector.extract_strided_slice %select_n3A_55 {offsets = [0, 384], sizes = [2048, 128], strides = [1, 1]} : vector<2048x512xf32> to vector<2048x128xf32>
    %swap3A_77 = arith.constant 3 : index
    %swap3A_78 = arith.constant 0 : index
    %swap3A_79 = arith.constant 0 : index
    %swap3A_80 = vector.load %arg13[%swap3A_77, %swap3A_78, %swap3A_79] : memref<4x2048x128xf32, #tpu.memory_space<vmem>>, vector<1x2048x128xf32>
    %swap3A_81 = vector.shape_cast %swap3A_80 : vector<1x2048x128xf32> to vector<2048x128xf32>
    %swap3A_82 = vector.shape_cast %slice3A_76 : vector<2048x128xf32> to vector<1x2048x128xf32>
    tpu.vector_store %arg13[%swap3A_77, %swap3A_78, %swap3A_79], %swap3A_82 {strides = array<i32>} : memref<4x2048x128xf32, #tpu.memory_space<vmem>>, vector<1x2048x128xf32>,
    %get3A_83 = arith.constant 0 : index
    %get3A_84 = arith.constant 0 : index
    %get3A_85 = vector.load %arg10[%get3A_83, %get3A_84] : memref<64x1024xf32, #tpu.memory_space<vmem>>, vector<64x1024xf32>
    %dot_general3A_86 = arith.constant dense<0.000000e+00> : vector<2048x1024xf32>
    %dot_general3A_87 = tpu.matmul %add3A_21, %get3A_85, %dot_general3A_86 {dimension_numbers = #tpu.dot_dimension_numbers<[1], [0], [0], [1], [0, 0, 1, 1], [], []>, transpose_lhs_hint = false} : vector<2048x64xf32>, vector<64x1024xf32>, vector<2048x1024xf32> -> vector<2048x1024xf32>
    %get3A_88 = arith.constant 0 : index
    %get3A_89 = arith.constant 0 : index
    %get3A_90 = vector.load %arg11[%get3A_88, %get3A_89] : memref<1x1024xf32, #tpu.memory_space<vmem>>, vector<1x1024xf32>
    %add3A_91 = vector.broadcast %get3A_90 : vector<1x1024xf32> to vector<2048x1024xf32>
    %add3A_92 = arith.addf %dot_general3A_87, %add3A_91 : vector<2048x1024xf32>
    %jit3A_93 = arith.constant -1.000000e+09 : f32
    %broadcast_in_dim3A_94 = vector.shape_cast %lt3A_26 : vector<2048x1xi1> to vector<2048x1xi1>
    %broadcast_in_dim3A_95 = vector.broadcast %broadcast_in_dim3A_94 : vector<2048x1xi1> to vector<2048x1024xi1>
    %broadcast_in_dim3A_96 = vector.broadcast %jit3A_93 : f32 to vector<2048x1024xf32>
    %select_n3A_97 = arith.select %broadcast_in_dim3A_95, %add3A_92, %broadcast_in_dim3A_96 : vector<2048x1024xi1>, vector<2048x1024xf32>
    %slice3A_98 = vector.extract_strided_slice %select_n3A_97 {offsets = [0, 0], sizes = [2048, 128], strides = [1, 1]} : vector<2048x1024xf32> to vector<2048x128xf32>
    %swap3A_99 = arith.constant 0 : index
    %swap3A_100 = arith.constant 0 : index
    %swap3A_101 = arith.constant 0 : index
    %swap3A_102 = vector.load %arg14[%swap3A_99, %swap3A_100, %swap3A_101] : memref<8x2048x128xf32, #tpu.memory_space<vmem>>, vector<1x2048x128xf32>
    %swap3A_103 = vector.shape_cast %swap3A_102 : vector<1x2048x128xf32> to vector<2048x128xf32>
    %swap3A_104 = vector.shape_cast %slice3A_98 : vector<2048x128xf32> to vector<1x2048x128xf32>
    tpu.vector_store %arg14[%swap3A_99, %swap3A_100, %swap3A_101], %swap3A_104 {strides = array<i32>} : memref<8x2048x128xf32, #tpu.memory_space<vmem>>, vector<1x2048x128xf32>,
    %slice3A_105 = vector.extract_strided_slice %select_n3A_97 {offsets = [0, 128], sizes = [2048, 128], strides = [1, 1]} : vector<2048x1024xf32> to vector<2048x128xf32>
    %swap3A_106 = arith.constant 1 : index
    %swap3A_107 = arith.constant 0 : index
    %swap3A_108 = arith.constant 0 : index
    %swap3A_109 = vector.load %arg14[%swap3A_106, %swap3A_107, %swap3A_108] : memref<8x2048x128xf32, #tpu.memory_space<vmem>>, vector<1x2048x128xf32>
    %swap3A_110 = vector.shape_cast %swap3A_109 : vector<1x2048x128xf32> to vector<2048x128xf32>
    %swap3A_111 = vector.shape_cast %slice3A_105 : vector<2048x128xf32> to vector<1x2048x128xf32>
    tpu.vector_store %arg14[%swap3A_106, %swap3A_107, %swap3A_108], %swap3A_111 {strides = array<i32>} : memref<8x2048x128xf32, #tpu.memory_space<vmem>>, vector<1x2048x128xf32>,
    %slice3A_112 = vector.extract_strided_slice %select_n3A_97 {offsets = [0, 256], sizes = [2048, 128], strides = [1, 1]} : vector<2048x1024xf32> to vector<2048x128xf32>
    %swap3A_113 = arith.constant 2 : index
    %swap3A_114 = arith.constant 0 : index
    %swap3A_115 = arith.constant 0 : index
    %swap3A_116 = vector.load %arg14[%swap3A_113, %swap3A_114, %swap3A_115] : memref<8x2048x128xf32, #tpu.memory_space<vmem>>, vector<1x2048x128xf32>
    %swap3A_117 = vector.shape_cast %swap3A_116 : vector<1x2048x128xf32> to vector<2048x128xf32>
    %swap3A_118 = vector.shape_cast %slice3A_112 : vector<2048x128xf32> to vector<1x2048x128xf32>
    tpu.vector_store %arg14[%swap3A_113, %swap3A_114, %swap3A_115], %swap3A_118 {strides = array<i32>} : memref<8x2048x128xf32, #tpu.memory_space<vmem>>, vector<1x2048x128xf32>,
    %slice3A_119 = vector.extract_strided_slice %select_n3A_97 {offsets = [0, 384], sizes = [2048, 128], strides = [1, 1]} : vector<2048x1024xf32> to vector<2048x128xf32>
    %swap3A_120 = arith.constant 3 : index
    %swap3A_121 = arith.constant 0 : index
    %swap3A_122 = arith.constant 0 : index
    %swap3A_123 = vector.load %arg14[%swap3A_120, %swap3A_121, %swap3A_122] : memref<8x2048x128xf32, #tpu.memory_space<vmem>>, vector<1x2048x128xf32>
    %swap3A_124 = vector.shape_cast %swap3A_123 : vector<1x2048x128xf32> to vector<2048x128xf32>
    %swap3A_125 = vector.shape_cast %slice3A_119 : vector<2048x128xf32> to vector<1x2048x128xf32>
    tpu.vector_store %arg14[%swap3A_120, %swap3A_121, %swap3A_122], %swap3A_125 {strides = array<i32>} : memref<8x2048x128xf32, #tpu.memory_space<vmem>>, vector<1x2048x128xf32>,
    %slice3A_126 = vector.extract_strided_slice %select_n3A_97 {offsets = [0, 512], sizes = [2048, 128], strides = [1, 1]} : vector<2048x1024xf32> to vector<2048x128xf32>
    %swap3A_127 = arith.constant 4 : index
    %swap3A_128 = arith.constant 0 : index
    %swap3A_129 = arith.constant 0 : index
    %swap3A_130 = vector.load %arg14[%swap3A_127, %swap3A_128, %swap3A_129] : memref<8x2048x128xf32, #tpu.memory_space<vmem>>, vector<1x2048x128xf32>
    %swap3A_131 = vector.shape_cast %swap3A_130 : vector<1x2048x128xf32> to vector<2048x128xf32>
    %swap3A_132 = vector.shape_cast %slice3A_126 : vector<2048x128xf32> to vector<1x2048x128xf32>
    tpu.vector_store %arg14[%swap3A_127, %swap3A_128, %swap3A_129], %swap3A_132 {strides = array<i32>} : memref<8x2048x128xf32, #tpu.memory_space<vmem>>, vector<1x2048x128xf32>,
    %slice3A_133 = vector.extract_strided_slice %select_n3A_97 {offsets = [0, 640], sizes = [2048, 128], strides = [1, 1]} : vector<2048x1024xf32> to vector<2048x128xf32>
    %swap3A_134 = arith.constant 5 : index
    %swap3A_135 = arith.constant 0 : index
    %swap3A_136 = arith.constant 0 : index
    %swap3A_137 = vector.load %arg14[%swap3A_134, %swap3A_135, %swap3A_136] : memref<8x2048x128xf32, #tpu.memory_space<vmem>>, vector<1x2048x128xf32>
    %swap3A_138 = vector.shape_cast %swap3A_137 : vector<1x2048x128xf32> to vector<2048x128xf32>
    %swap3A_139 = vector.shape_cast %slice3A_133 : vector<2048x128xf32> to vector<1x2048x128xf32>
    tpu.vector_store %arg14[%swap3A_134, %swap3A_135, %swap3A_136], %swap3A_139 {strides = array<i32>} : memref<8x2048x128xf32, #tpu.memory_space<vmem>>, vector<1x2048x128xf32>,
    %slice3A_140 = vector.extract_strided_slice %select_n3A_97 {offsets = [0, 768], sizes = [2048, 128], strides = [1, 1]} : vector<2048x1024xf32> to vector<2048x128xf32>
    %swap3A_141 = arith.constant 6 : index
    %swap3A_142 = arith.constant 0 : index
    %swap3A_143 = arith.constant 0 : index
    %swap3A_144 = vector.load %arg14[%swap3A_141, %swap3A_142, %swap3A_143] : memref<8x2048x128xf32, #tpu.memory_space<vmem>>, vector<1x2048x128xf32>
    %swap3A_145 = vector.shape_cast %swap3A_144 : vector<1x2048x128xf32> to vector<2048x128xf32>
    %swap3A_146 = vector.shape_cast %slice3A_140 : vector<2048x128xf32> to vector<1x2048x128xf32>
    tpu.vector_store %arg14[%swap3A_141, %swap3A_142, %swap3A_143], %swap3A_146 {strides = array<i32>} : memref<8x2048x128xf32, #tpu.memory_space<vmem>>, vector<1x2048x128xf32>,
    %slice3A_147 = vector.extract_strided_slice %select_n3A_97 {offsets = [0, 896], sizes = [2048, 128], strides = [1, 1]} : vector<2048x1024xf32> to vector<2048x128xf32>
    %swap3A_148 = arith.constant 7 : index
    %swap3A_149 = arith.constant 0 : index
    %swap3A_150 = arith.constant 0 : index
    %swap3A_151 = vector.load %arg14[%swap3A_148, %swap3A_149, %swap3A_150] : memref<8x2048x128xf32, #tpu.memory_space<vmem>>, vector<1x2048x128xf32>
    %swap3A_152 = vector.shape_cast %swap3A_151 : vector<1x2048x128xf32> to vector<2048x128xf32>
    %swap3A_153 = vector.shape_cast %slice3A_147 : vector<2048x128xf32> to vector<1x2048x128xf32>
    tpu.vector_store %arg14[%swap3A_148, %swap3A_149, %swap3A_150], %swap3A_153 {strides = array<i32>} : memref<8x2048x128xf32, #tpu.memory_space<vmem>>, vector<1x2048x128xf32>,
    return
  }
  func.func @transform_0(%arg0: i32) -> (i32, i32) {
    %c0_i32 = arith.constant 0 : i32
    %c0_i32_0 = arith.constant 0 : i32
    return %arg0, %c0_i32 : i32, i32
  }
  func.func @transform_1(%arg0: i32) -> (i32, i32) {
    %c0_i32 = arith.constant 0 : i32
    %c0_i32_0 = arith.constant 0 : i32
    %c0_i32_1 = arith.constant 0 : i32
    return %c0_i32, %c0_i32_0 : i32, i32
  }
  func.func @transform_2(%arg0: i32) -> (i32, i32) {
    %c0_i32 = arith.constant 0 : i32
    %c0_i32_0 = arith.constant 0 : i32
    %c0_i32_1 = arith.constant 0 : i32
    return %c0_i32, %c0_i32_0 : i32, i32
  }
  func.func @transform_3(%arg0: i32) -> (i32, i32) {
    %c0_i32 = arith.constant 0 : i32
    %c0_i32_0 = arith.constant 0 : i32
    %c0_i32_1 = arith.constant 0 : i32
    return %c0_i32, %c0_i32_0 : i32, i32
  }
  func.func @transform_4(%arg0: i32) -> (i32, i32) {
    %c0_i32 = arith.constant 0 : i32
    %c0_i32_0 = arith.constant 0 : i32
    %c0_i32_1 = arith.constant 0 : i32
    return %c0_i32, %c0_i32_0 : i32, i32
  }
  func.func @transform_5(%arg0: i32) -> (i32, i32) {
    %c0_i32 = arith.constant 0 : i32
    %c0_i32_0 = arith.constant 0 : i32
    %c0_i32_1 = arith.constant 0 : i32
    return %c0_i32, %c0_i32_0 : i32, i32
  }
  func.func @transform_6(%arg0: i32) -> (i32, i32) {
    %c0_i32 = arith.constant 0 : i32
    %c0_i32_0 = arith.constant 0 : i32
    %c0_i32_1 = arith.constant 0 : i32
    return %c0_i32, %c0_i32_0 : i32, i32
  }
  func.func @transform_7(%arg0: i32) -> (i32, i32) {
    %c0_i32 = arith.constant 0 : i32
    %c0_i32_0 = arith.constant 0 : i32
    %c0_i32_1 = arith.constant 0 : i32
    return %c0_i32, %c0_i32_0 : i32, i32
  }
  func.func @transform_8(%arg0: i32) -> (i32, i32) {
    %c0_i32 = arith.constant 0 : i32
    %c0_i32_0 = arith.constant 0 : i32
    %c0_i32_1 = arith.constant 0 : i32
    return %c0_i32, %c0_i32_0 : i32, i32
  }
  func.func @transform_9(%arg0: i32) -> (i32, i32) {
    %c0_i32 = arith.constant 0 : i32
    %c0_i32_0 = arith.constant 0 : i32
    %c0_i32_1 = arith.constant 0 : i32
    return %c0_i32, %c0_i32_0 : i32, i32
  }
  func.func @transform_10(%arg0: i32) -> (i32, i32) {
    %c0_i32 = arith.constant 0 : i32
    %c0_i32_0 = arith.constant 0 : i32
    %c0_i32_1 = arith.constant 0 : i32
    return %c0_i32, %c0_i32_0 : i32, i32
  }
  func.func @transform_11(%arg0: i32) -> (i32, i32) {
    %c0_i32 = arith.constant 0 : i32
    %c0_i32_0 = arith.constant 0 : i32
    return %arg0, %c0_i32 : i32, i32
  }
  func.func @transform_12(%arg0: i32) -> (i32, i32, i32) {
    %c0_i32 = arith.constant 0 : i32
    %c0_i32_0 = arith.constant 0 : i32
    %c0_i32_1 = arith.constant 0 : i32
    return %c0_i32, %arg0, %c0_i32_0 : i32, i32, i32
  }
  func.func @transform_13(%arg0: i32) -> (i32, i32, i32) {
    %c0_i32 = arith.constant 0 : i32
    %c0_i32_0 = arith.constant 0 : i32
    %c0_i32_1 = arith.constant 0 : i32
    return %c0_i32, %arg0, %c0_i32_0 : i32, i32, i32
  }
}

module attributes {stable_mosaic.version = 14 : i64} {
  func.func @_k1_body(%arg0: i32, %arg1: memref<1x512x128xf32, #tpu.memory_space<vmem>>, %arg2: memref<1x512x128xf32, #tpu.memory_space<vmem>>, %arg3: memref<1x128x512xf32, #tpu.memory_space<vmem>>, %arg4: memref<1x512xf32, #tpu.memory_space<vmem>>, %arg5: memref<512x512xf32, #tpu.memory_space<vmem>>, %arg6: memref<1x512xf32, #tpu.memory_space<vmem>>, %arg7: memref<1x512xf32, #tpu.memory_space<vmem>>) attributes {dimension_semantics = [#tpu.dimension_semantics<arbitrary>], iteration_bounds = array<i64: 20>, scalar_prefetch = 0 : i64, scratch_operands = 0 : i64, tpu.core_type = #tpu.core_type<tc>, window_params = [{transform_indices = @transform_0, window_bounds = array<i64: 1, 512, 128>}, {transform_indices = @transform_1, window_bounds = array<i64: 1, 512, 128>}, {pipeline_mode = #tpu.pipeline_mode<synchronous>, transform_indices = @transform_2, window_bounds = array<i64: 1, 128, 512>}, {pipeline_mode = #tpu.pipeline_mode<synchronous>, transform_indices = @transform_3, window_bounds = array<i64: 1, 512>}, {transform_indices = @transform_4, window_bounds = array<i64: 512, 512>}, {pipeline_mode = #tpu.pipeline_mode<synchronous>, transform_indices = @transform_5, window_bounds = array<i64: 1, 512>}, {pipeline_mode = #tpu.pipeline_mode<synchronous>, transform_indices = @transform_6, window_bounds = array<i64: 1, 512>}]} {
    %get3A = arith.constant 0 : index
    %get3A_0 = arith.constant 0 : index
    %get3A_1 = arith.constant 0 : index
    %get3A_2 = vector.load %arg1[%get3A, %get3A_0, %get3A_1] : memref<1x512x128xf32, #tpu.memory_space<vmem>>, vector<1x512x128xf32>
    %get3A_3 = vector.shape_cast %get3A_2 : vector<1x512x128xf32> to vector<512x128xf32>
    %get3A_4 = arith.constant 0 : index
    %get3A_5 = arith.constant 0 : index
    %get3A_6 = arith.constant 0 : index
    %get3A_7 = vector.load %arg2[%get3A_4, %get3A_5, %get3A_6] : memref<1x512x128xf32, #tpu.memory_space<vmem>>, vector<1x512x128xf32>
    %get3A_8 = vector.shape_cast %get3A_7 : vector<1x512x128xf32> to vector<512x128xf32>
    %add3A = arith.addf %get3A_3, %get3A_8 : vector<512x128xf32>
    %get3A_9 = arith.constant 0 : index
    %get3A_10 = arith.constant 0 : index
    %get3A_11 = arith.constant 0 : index
    %get3A_12 = vector.load %arg3[%get3A_9, %get3A_10, %get3A_11] : memref<1x128x512xf32, #tpu.memory_space<vmem>>, vector<1x128x512xf32>
    %get3A_13 = vector.shape_cast %get3A_12 : vector<1x128x512xf32> to vector<128x512xf32>
    %dot_general3A = arith.constant dense<0.000000e+00> : vector<512x512xf32>
    %dot_general3A_14 = tpu.matmul %add3A, %get3A_13, %dot_general3A {dimension_numbers = #tpu.dot_dimension_numbers<[1], [0], [0], [1], [0, 0, 1, 1], [], []>, transpose_lhs_hint = false} : vector<512x128xf32>, vector<128x512xf32>, vector<512x512xf32> -> vector<512x512xf32>
    %get3A_15 = arith.constant 0 : index
    %get3A_16 = arith.constant 0 : index
    %get3A_17 = vector.load %arg4[%get3A_15, %get3A_16] : memref<1x512xf32, #tpu.memory_space<vmem>>, vector<1x512xf32>
    %add3A_18 = vector.broadcast %get3A_17 : vector<1x512xf32> to vector<512x512xf32>
    %add3A_19 = arith.addf %dot_general3A_14, %add3A_18 : vector<512x512xf32>
    %max3A = arith.constant 0.000000e+00 : f32
    %max3A_20 = vector.broadcast %max3A : f32 to vector<512x512xf32>
    %max3A_21 = arith.maximumf %add3A_19, %max3A_20 : vector<512x512xf32>
    %iota3A = tpu.iota {dimensions = array<i32: 0>} : vector<512x1xi32>
    %mul3A = arith.constant 512 : i32
    %mul3A_22 = arith.muli %arg0, %mul3A : i32
    %add3A_23 = vector.broadcast %mul3A_22 : i32 to vector<512x1xi32>
    %add3A_24 = arith.addi %iota3A, %add3A_23 : vector<512x1xi32>
    %lt3A = arith.constant 10000 : i32
    %lt3A_25 = vector.broadcast %lt3A : i32 to vector<512x1xi32>
    %lt3A_26 = arith.cmpi slt, %add3A_24, %lt3A_25 : vector<512x1xi32>
    %jit3A = arith.constant 0.000000e+00 : f32
    %broadcast_in_dim3A = vector.shape_cast %lt3A_26 : vector<512x1xi1> to vector<512x1xi1>
    %broadcast_in_dim3A_27 = vector.broadcast %broadcast_in_dim3A : vector<512x1xi1> to vector<512x512xi1>
    %broadcast_in_dim3A_28 = vector.broadcast %jit3A : f32 to vector<512x512xf32>
    %select_n3A = arith.select %broadcast_in_dim3A_27, %max3A_21, %broadcast_in_dim3A_28 : vector<512x512xi1>, vector<512x512xf32>
    %swap3A = arith.constant 0 : index
    %swap3A_29 = arith.constant 0 : index
    %swap3A_30 = vector.load %arg5[%swap3A, %swap3A_29] : memref<512x512xf32, #tpu.memory_space<vmem>>, vector<512x512xf32>
    tpu.vector_store %arg5[%swap3A, %swap3A_29], %select_n3A {strides = array<i32>} : memref<512x512xf32, #tpu.memory_space<vmem>>, vector<512x512xf32>,
    %reduce_sum3A = arith.constant dense<0.000000e+00> : vector<512xf32>
    %reduce_sum3A_31 = vector.multi_reduction <add>, %select_n3A, %reduce_sum3A [0] : vector<512x512xf32> to vector<512xf32>
    %broadcast_in_dim3A_32 = vector.shape_cast %reduce_sum3A_31 : vector<512xf32> to vector<1x512xf32>
    %mul3A_33 = arith.mulf %select_n3A, %select_n3A : vector<512x512xf32>
    %reduce_sum3A_34 = arith.constant dense<0.000000e+00> : vector<512xf32>
    %reduce_sum3A_35 = vector.multi_reduction <add>, %mul3A_33, %reduce_sum3A_34 [0] : vector<512x512xf32> to vector<512xf32>
    %broadcast_in_dim3A_36 = vector.shape_cast %reduce_sum3A_35 : vector<512xf32> to vector<1x512xf32>
    %eq3A = arith.constant 0 : i32
    %eq3A_37 = arith.cmpi eq, %arg0, %eq3A : i32
    %convert_element_type3A = arith.extui %eq3A_37 : i1 to i32
    %cond3A = arith.constant 0 : i32
    %cond3A_38 = arith.cmpi ne, %convert_element_type3A, %cond3A : i32
    scf.if %cond3A_38 {
      %swap3A_43 = arith.constant 0 : index
      %swap3A_44 = arith.constant 0 : index
      %swap3A_45 = vector.load %arg6[%swap3A_43, %swap3A_44] : memref<1x512xf32, #tpu.memory_space<vmem>>, vector<1x512xf32>
      tpu.vector_store %arg6[%swap3A_43, %swap3A_44], %broadcast_in_dim3A_32 {strides = array<i32>} : memref<1x512xf32, #tpu.memory_space<vmem>>, vector<1x512xf32>,
      %swap3A_46 = arith.constant 0 : index
      %swap3A_47 = arith.constant 0 : index
      %swap3A_48 = vector.load %arg7[%swap3A_46, %swap3A_47] : memref<1x512xf32, #tpu.memory_space<vmem>>, vector<1x512xf32>
      tpu.vector_store %arg7[%swap3A_46, %swap3A_47], %broadcast_in_dim3A_36 {strides = array<i32>} : memref<1x512xf32, #tpu.memory_space<vmem>>, vector<1x512xf32>,
    } else {
    }
    %gt3A = arith.constant 0 : i32
    %gt3A_39 = arith.cmpi sgt, %arg0, %gt3A : i32
    %convert_element_type3A_40 = arith.extui %gt3A_39 : i1 to i32
    %cond3A_41 = arith.constant 0 : i32
    %cond3A_42 = arith.cmpi ne, %convert_element_type3A_40, %cond3A_41 : i32
    scf.if %cond3A_42 {
      %get3A_43 = arith.constant 0 : index
      %get3A_44 = arith.constant 0 : index
      %get3A_45 = vector.load %arg6[%get3A_43, %get3A_44] : memref<1x512xf32, #tpu.memory_space<vmem>>, vector<1x512xf32>
      %add3A_46 = arith.addf %get3A_45, %broadcast_in_dim3A_32 : vector<1x512xf32>
      %swap3A_47 = arith.constant 0 : index
      %swap3A_48 = arith.constant 0 : index
      %swap3A_49 = vector.load %arg6[%swap3A_47, %swap3A_48] : memref<1x512xf32, #tpu.memory_space<vmem>>, vector<1x512xf32>
      tpu.vector_store %arg6[%swap3A_47, %swap3A_48], %add3A_46 {strides = array<i32>} : memref<1x512xf32, #tpu.memory_space<vmem>>, vector<1x512xf32>,
      %get3A_50 = arith.constant 0 : index
      %get3A_51 = arith.constant 0 : index
      %get3A_52 = vector.load %arg7[%get3A_50, %get3A_51] : memref<1x512xf32, #tpu.memory_space<vmem>>, vector<1x512xf32>
      %add3A_53 = arith.addf %get3A_52, %broadcast_in_dim3A_36 : vector<1x512xf32>
      %swap3A_54 = arith.constant 0 : index
      %swap3A_55 = arith.constant 0 : index
      %swap3A_56 = vector.load %arg7[%swap3A_54, %swap3A_55] : memref<1x512xf32, #tpu.memory_space<vmem>>, vector<1x512xf32>
      tpu.vector_store %arg7[%swap3A_54, %swap3A_55], %add3A_53 {strides = array<i32>} : memref<1x512xf32, #tpu.memory_space<vmem>>, vector<1x512xf32>,
    } else {
    }
    return
  }
  func.func @transform_0(%arg0: i32) -> (i32, i32, i32) {
    %c0_i32 = arith.constant 0 : i32
    %c0_i32_0 = arith.constant 0 : i32
    %c0_i32_1 = arith.constant 0 : i32
    return %c0_i32, %arg0, %c0_i32_0 : i32, i32, i32
  }
  func.func @transform_1(%arg0: i32) -> (i32, i32, i32) {
    %c0_i32 = arith.constant 0 : i32
    %c0_i32_0 = arith.constant 0 : i32
    %c0_i32_1 = arith.constant 0 : i32
    return %c0_i32, %arg0, %c0_i32_0 : i32, i32, i32
  }
  func.func @transform_2(%arg0: i32) -> (i32, i32, i32) {
    %c0_i32 = arith.constant 0 : i32
    %c0_i32_0 = arith.constant 0 : i32
    %c0_i32_1 = arith.constant 0 : i32
    %c0_i32_2 = arith.constant 0 : i32
    return %c0_i32, %c0_i32_0, %c0_i32_1 : i32, i32, i32
  }
  func.func @transform_3(%arg0: i32) -> (i32, i32) {
    %c0_i32 = arith.constant 0 : i32
    %c0_i32_0 = arith.constant 0 : i32
    %c0_i32_1 = arith.constant 0 : i32
    return %c0_i32, %c0_i32_0 : i32, i32
  }
  func.func @transform_4(%arg0: i32) -> (i32, i32) {
    %c0_i32 = arith.constant 0 : i32
    %c0_i32_0 = arith.constant 0 : i32
    return %arg0, %c0_i32 : i32, i32
  }
  func.func @transform_5(%arg0: i32) -> (i32, i32) {
    %c0_i32 = arith.constant 0 : i32
    %c0_i32_0 = arith.constant 0 : i32
    %c0_i32_1 = arith.constant 0 : i32
    return %c0_i32, %c0_i32_0 : i32, i32
  }
  func.func @transform_6(%arg0: i32) -> (i32, i32) {
    %c0_i32 = arith.constant 0 : i32
    %c0_i32_0 = arith.constant 0 : i32
    %c0_i32_1 = arith.constant 0 : i32
    return %c0_i32, %c0_i32_0 : i32, i32
  }
}

module attributes {stable_mosaic.version = 14 : i64} {
  func.func @_k2_body(%arg0: i32, %arg1: memref<512x512xf32, #tpu.memory_space<vmem>>, %arg2: memref<1x512xf32, #tpu.memory_space<vmem>>, %arg3: memref<1x512xf32, #tpu.memory_space<vmem>>, %arg4: memref<1x512xf32, #tpu.memory_space<vmem>>, %arg5: memref<1x512xf32, #tpu.memory_space<vmem>>, %arg6: memref<4x512x128xf32, #tpu.memory_space<vmem>>) attributes {dimension_semantics = [#tpu.dimension_semantics<arbitrary>], iteration_bounds = array<i64: 20>, scalar_prefetch = 0 : i64, scratch_operands = 0 : i64, tpu.core_type = #tpu.core_type<tc>, window_params = [{transform_indices = @transform_0, window_bounds = array<i64: 512, 512>}, {pipeline_mode = #tpu.pipeline_mode<synchronous>, transform_indices = @transform_1, window_bounds = array<i64: 1, 512>}, {pipeline_mode = #tpu.pipeline_mode<synchronous>, transform_indices = @transform_2, window_bounds = array<i64: 1, 512>}, {pipeline_mode = #tpu.pipeline_mode<synchronous>, transform_indices = @transform_3, window_bounds = array<i64: 1, 512>}, {pipeline_mode = #tpu.pipeline_mode<synchronous>, transform_indices = @transform_4, window_bounds = array<i64: 1, 512>}, {transform_indices = @transform_5, window_bounds = array<i64: 4, 512, 128>}]} {
    %get3A = arith.constant 0 : index
    %get3A_0 = arith.constant 0 : index
    %get3A_1 = vector.load %arg2[%get3A, %get3A_0] : memref<1x512xf32, #tpu.memory_space<vmem>>, vector<1x512xf32>
    %div3A = arith.constant 1.000000e+04 : f32
    %div3A_2 = vector.broadcast %div3A : f32 to vector<1x512xf32>
    %div3A_3 = arith.divf %get3A_1, %div3A_2 : vector<1x512xf32>
    %get3A_4 = arith.constant 0 : index
    %get3A_5 = arith.constant 0 : index
    %get3A_6 = vector.load %arg3[%get3A_4, %get3A_5] : memref<1x512xf32, #tpu.memory_space<vmem>>, vector<1x512xf32>
    %div3A_7 = arith.constant 1.000000e+04 : f32
    %div3A_8 = vector.broadcast %div3A_7 : f32 to vector<1x512xf32>
    %div3A_9 = arith.divf %get3A_6, %div3A_8 : vector<1x512xf32>
    %mul3A = arith.mulf %div3A_3, %div3A_3 : vector<1x512xf32>
    %sub3A = arith.subf %div3A_9, %mul3A : vector<1x512xf32>
    %add3A = arith.constant 9.99999974E-6 : f32
    %add3A_10 = vector.broadcast %add3A : f32 to vector<1x512xf32>
    %add3A_11 = arith.addf %sub3A, %add3A_10 : vector<1x512xf32>
    %rsqrt3A = math.rsqrt %add3A_11 : vector<1x512xf32>
    %get3A_12 = arith.constant 0 : index
    %get3A_13 = arith.constant 0 : index
    %get3A_14 = vector.load %arg4[%get3A_12, %get3A_13] : memref<1x512xf32, #tpu.memory_space<vmem>>, vector<1x512xf32>
    %mul3A_15 = arith.mulf %rsqrt3A, %get3A_14 : vector<1x512xf32>
    %get3A_16 = arith.constant 0 : index
    %get3A_17 = arith.constant 0 : index
    %get3A_18 = vector.load %arg1[%get3A_16, %get3A_17] : memref<512x512xf32, #tpu.memory_space<vmem>>, vector<512x512xf32>
    %sub3A_19 = vector.broadcast %div3A_3 : vector<1x512xf32> to vector<512x512xf32>
    %sub3A_20 = arith.subf %get3A_18, %sub3A_19 : vector<512x512xf32>
    %mul3A_21 = vector.broadcast %mul3A_15 : vector<1x512xf32> to vector<512x512xf32>
    %mul3A_22 = arith.mulf %sub3A_20, %mul3A_21 : vector<512x512xf32>
    %get3A_23 = arith.constant 0 : index
    %get3A_24 = arith.constant 0 : index
    %get3A_25 = vector.load %arg5[%get3A_23, %get3A_24] : memref<1x512xf32, #tpu.memory_space<vmem>>, vector<1x512xf32>
    %add3A_26 = vector.broadcast %get3A_25 : vector<1x512xf32> to vector<512x512xf32>
    %add3A_27 = arith.addf %mul3A_22, %add3A_26 : vector<512x512xf32>
    %slice3A = vector.extract_strided_slice %add3A_27 {offsets = [0, 0], sizes = [512, 128], strides = [1, 1]} : vector<512x512xf32> to vector<512x128xf32>
    %swap3A = arith.constant 0 : index
    %swap3A_28 = arith.constant 0 : index
    %swap3A_29 = arith.constant 0 : index
    %swap3A_30 = vector.load %arg6[%swap3A, %swap3A_28, %swap3A_29] : memref<4x512x128xf32, #tpu.memory_space<vmem>>, vector<1x512x128xf32>
    %swap3A_31 = vector.shape_cast %swap3A_30 : vector<1x512x128xf32> to vector<512x128xf32>
    %swap3A_32 = vector.shape_cast %slice3A : vector<512x128xf32> to vector<1x512x128xf32>
    tpu.vector_store %arg6[%swap3A, %swap3A_28, %swap3A_29], %swap3A_32 {strides = array<i32>} : memref<4x512x128xf32, #tpu.memory_space<vmem>>, vector<1x512x128xf32>,
    %slice3A_33 = vector.extract_strided_slice %add3A_27 {offsets = [0, 128], sizes = [512, 128], strides = [1, 1]} : vector<512x512xf32> to vector<512x128xf32>
    %swap3A_34 = arith.constant 1 : index
    %swap3A_35 = arith.constant 0 : index
    %swap3A_36 = arith.constant 0 : index
    %swap3A_37 = vector.load %arg6[%swap3A_34, %swap3A_35, %swap3A_36] : memref<4x512x128xf32, #tpu.memory_space<vmem>>, vector<1x512x128xf32>
    %swap3A_38 = vector.shape_cast %swap3A_37 : vector<1x512x128xf32> to vector<512x128xf32>
    %swap3A_39 = vector.shape_cast %slice3A_33 : vector<512x128xf32> to vector<1x512x128xf32>
    tpu.vector_store %arg6[%swap3A_34, %swap3A_35, %swap3A_36], %swap3A_39 {strides = array<i32>} : memref<4x512x128xf32, #tpu.memory_space<vmem>>, vector<1x512x128xf32>,
    %slice3A_40 = vector.extract_strided_slice %add3A_27 {offsets = [0, 256], sizes = [512, 128], strides = [1, 1]} : vector<512x512xf32> to vector<512x128xf32>
    %swap3A_41 = arith.constant 2 : index
    %swap3A_42 = arith.constant 0 : index
    %swap3A_43 = arith.constant 0 : index
    %swap3A_44 = vector.load %arg6[%swap3A_41, %swap3A_42, %swap3A_43] : memref<4x512x128xf32, #tpu.memory_space<vmem>>, vector<1x512x128xf32>
    %swap3A_45 = vector.shape_cast %swap3A_44 : vector<1x512x128xf32> to vector<512x128xf32>
    %swap3A_46 = vector.shape_cast %slice3A_40 : vector<512x128xf32> to vector<1x512x128xf32>
    tpu.vector_store %arg6[%swap3A_41, %swap3A_42, %swap3A_43], %swap3A_46 {strides = array<i32>} : memref<4x512x128xf32, #tpu.memory_space<vmem>>, vector<1x512x128xf32>,
    %slice3A_47 = vector.extract_strided_slice %add3A_27 {offsets = [0, 384], sizes = [512, 128], strides = [1, 1]} : vector<512x512xf32> to vector<512x128xf32>
    %swap3A_48 = arith.constant 3 : index
    %swap3A_49 = arith.constant 0 : index
    %swap3A_50 = arith.constant 0 : index
    %swap3A_51 = vector.load %arg6[%swap3A_48, %swap3A_49, %swap3A_50] : memref<4x512x128xf32, #tpu.memory_space<vmem>>, vector<1x512x128xf32>
    %swap3A_52 = vector.shape_cast %swap3A_51 : vector<1x512x128xf32> to vector<512x128xf32>
    %swap3A_53 = vector.shape_cast %slice3A_47 : vector<512x128xf32> to vector<1x512x128xf32>
    tpu.vector_store %arg6[%swap3A_48, %swap3A_49, %swap3A_50], %swap3A_53 {strides = array<i32>} : memref<4x512x128xf32, #tpu.memory_space<vmem>>, vector<1x512x128xf32>,
    return
  }
  func.func @transform_0(%arg0: i32) -> (i32, i32) {
    %c0_i32 = arith.constant 0 : i32
    %c0_i32_0 = arith.constant 0 : i32
    return %arg0, %c0_i32 : i32, i32
  }
  func.func @transform_1(%arg0: i32) -> (i32, i32) {
    %c0_i32 = arith.constant 0 : i32
    %c0_i32_0 = arith.constant 0 : i32
    %c0_i32_1 = arith.constant 0 : i32
    return %c0_i32, %c0_i32_0 : i32, i32
  }
  func.func @transform_2(%arg0: i32) -> (i32, i32) {
    %c0_i32 = arith.constant 0 : i32
    %c0_i32_0 = arith.constant 0 : i32
    %c0_i32_1 = arith.constant 0 : i32
    return %c0_i32, %c0_i32_0 : i32, i32
  }
  func.func @transform_3(%arg0: i32) -> (i32, i32) {
    %c0_i32 = arith.constant 0 : i32
    %c0_i32_0 = arith.constant 0 : i32
    %c0_i32_1 = arith.constant 0 : i32
    return %c0_i32, %c0_i32_0 : i32, i32
  }
  func.func @transform_4(%arg0: i32) -> (i32, i32) {
    %c0_i32 = arith.constant 0 : i32
    %c0_i32_0 = arith.constant 0 : i32
    %c0_i32_1 = arith.constant 0 : i32
    return %c0_i32, %c0_i32_0 : i32, i32
  }
  func.func @transform_5(%arg0: i32) -> (i32, i32, i32) {
    %c0_i32 = arith.constant 0 : i32
    %c0_i32_0 = arith.constant 0 : i32
    %c0_i32_1 = arith.constant 0 : i32
    return %c0_i32, %arg0, %c0_i32_0 : i32, i32, i32
  }
}

module attributes {stable_mosaic.version = 14 : i64} {
  func.func @_k1_body(%arg0: i32, %arg1: memref<4x512x128xf32, #tpu.memory_space<vmem>>, %arg2: memref<4x512x128xf32, #tpu.memory_space<vmem>>, %arg3: memref<4x128x1024xf32, #tpu.memory_space<vmem>>, %arg4: memref<1x1024xf32, #tpu.memory_space<vmem>>, %arg5: memref<512x1024xf32, #tpu.memory_space<vmem>>, %arg6: memref<1x1024xf32, #tpu.memory_space<vmem>>, %arg7: memref<1x1024xf32, #tpu.memory_space<vmem>>) attributes {dimension_semantics = [#tpu.dimension_semantics<arbitrary>], iteration_bounds = array<i64: 20>, scalar_prefetch = 0 : i64, scratch_operands = 0 : i64, tpu.core_type = #tpu.core_type<tc>, window_params = [{transform_indices = @transform_0, window_bounds = array<i64: 4, 512, 128>}, {transform_indices = @transform_1, window_bounds = array<i64: 4, 512, 128>}, {pipeline_mode = #tpu.pipeline_mode<synchronous>, transform_indices = @transform_2, window_bounds = array<i64: 4, 128, 1024>}, {pipeline_mode = #tpu.pipeline_mode<synchronous>, transform_indices = @transform_3, window_bounds = array<i64: 1, 1024>}, {transform_indices = @transform_4, window_bounds = array<i64: 512, 1024>}, {pipeline_mode = #tpu.pipeline_mode<synchronous>, transform_indices = @transform_5, window_bounds = array<i64: 1, 1024>}, {pipeline_mode = #tpu.pipeline_mode<synchronous>, transform_indices = @transform_6, window_bounds = array<i64: 1, 1024>}]} {
    %get3A = arith.constant 0 : index
    %get3A_0 = arith.constant 0 : index
    %get3A_1 = arith.constant 0 : index
    %get3A_2 = vector.load %arg1[%get3A, %get3A_0, %get3A_1] : memref<4x512x128xf32, #tpu.memory_space<vmem>>, vector<1x512x128xf32>
    %get3A_3 = vector.shape_cast %get3A_2 : vector<1x512x128xf32> to vector<512x128xf32>
    %get3A_4 = arith.constant 0 : index
    %get3A_5 = arith.constant 0 : index
    %get3A_6 = arith.constant 0 : index
    %get3A_7 = vector.load %arg2[%get3A_4, %get3A_5, %get3A_6] : memref<4x512x128xf32, #tpu.memory_space<vmem>>, vector<1x512x128xf32>
    %get3A_8 = vector.shape_cast %get3A_7 : vector<1x512x128xf32> to vector<512x128xf32>
    %add3A = arith.addf %get3A_3, %get3A_8 : vector<512x128xf32>
    %get3A_9 = arith.constant 0 : index
    %get3A_10 = arith.constant 0 : index
    %get3A_11 = arith.constant 0 : index
    %get3A_12 = vector.load %arg3[%get3A_9, %get3A_10, %get3A_11] : memref<4x128x1024xf32, #tpu.memory_space<vmem>>, vector<1x128x1024xf32>
    %get3A_13 = vector.shape_cast %get3A_12 : vector<1x128x1024xf32> to vector<128x1024xf32>
    %dot_general3A = arith.constant dense<0.000000e+00> : vector<512x1024xf32>
    %dot_general3A_14 = tpu.matmul %add3A, %get3A_13, %dot_general3A {dimension_numbers = #tpu.dot_dimension_numbers<[1], [0], [0], [1], [0, 0, 1, 1], [], []>, transpose_lhs_hint = false} : vector<512x128xf32>, vector<128x1024xf32>, vector<512x1024xf32> -> vector<512x1024xf32>
    %get3A_15 = arith.constant 1 : index
    %get3A_16 = arith.constant 0 : index
    %get3A_17 = arith.constant 0 : index
    %get3A_18 = vector.load %arg1[%get3A_15, %get3A_16, %get3A_17] : memref<4x512x128xf32, #tpu.memory_space<vmem>>, vector<1x512x128xf32>
    %get3A_19 = vector.shape_cast %get3A_18 : vector<1x512x128xf32> to vector<512x128xf32>
    %get3A_20 = arith.constant 1 : index
    %get3A_21 = arith.constant 0 : index
    %get3A_22 = arith.constant 0 : index
    %get3A_23 = vector.load %arg2[%get3A_20, %get3A_21, %get3A_22] : memref<4x512x128xf32, #tpu.memory_space<vmem>>, vector<1x512x128xf32>
    %get3A_24 = vector.shape_cast %get3A_23 : vector<1x512x128xf32> to vector<512x128xf32>
    %add3A_25 = arith.addf %get3A_19, %get3A_24 : vector<512x128xf32>
    %get3A_26 = arith.constant 1 : index
    %get3A_27 = arith.constant 0 : index
    %get3A_28 = arith.constant 0 : index
    %get3A_29 = vector.load %arg3[%get3A_26, %get3A_27, %get3A_28] : memref<4x128x1024xf32, #tpu.memory_space<vmem>>, vector<1x128x1024xf32>
    %get3A_30 = vector.shape_cast %get3A_29 : vector<1x128x1024xf32> to vector<128x1024xf32>
    %dot_general3A_31 = arith.constant dense<0.000000e+00> : vector<512x1024xf32>
    %dot_general3A_32 = tpu.matmul %add3A_25, %get3A_30, %dot_general3A_31 {dimension_numbers = #tpu.dot_dimension_numbers<[1], [0], [0], [1], [0, 0, 1, 1], [], []>, transpose_lhs_hint = false} : vector<512x128xf32>, vector<128x1024xf32>, vector<512x1024xf32> -> vector<512x1024xf32>
    %add3A_33 = arith.addf %dot_general3A_14, %dot_general3A_32 : vector<512x1024xf32>
    %get3A_34 = arith.constant 2 : index
    %get3A_35 = arith.constant 0 : index
    %get3A_36 = arith.constant 0 : index
    %get3A_37 = vector.load %arg1[%get3A_34, %get3A_35, %get3A_36] : memref<4x512x128xf32, #tpu.memory_space<vmem>>, vector<1x512x128xf32>
    %get3A_38 = vector.shape_cast %get3A_37 : vector<1x512x128xf32> to vector<512x128xf32>
    %get3A_39 = arith.constant 2 : index
    %get3A_40 = arith.constant 0 : index
    %get3A_41 = arith.constant 0 : index
    %get3A_42 = vector.load %arg2[%get3A_39, %get3A_40, %get3A_41] : memref<4x512x128xf32, #tpu.memory_space<vmem>>, vector<1x512x128xf32>
    %get3A_43 = vector.shape_cast %get3A_42 : vector<1x512x128xf32> to vector<512x128xf32>
    %add3A_44 = arith.addf %get3A_38, %get3A_43 : vector<512x128xf32>
    %get3A_45 = arith.constant 2 : index
    %get3A_46 = arith.constant 0 : index
    %get3A_47 = arith.constant 0 : index
    %get3A_48 = vector.load %arg3[%get3A_45, %get3A_46, %get3A_47] : memref<4x128x1024xf32, #tpu.memory_space<vmem>>, vector<1x128x1024xf32>
    %get3A_49 = vector.shape_cast %get3A_48 : vector<1x128x1024xf32> to vector<128x1024xf32>
    %dot_general3A_50 = arith.constant dense<0.000000e+00> : vector<512x1024xf32>
    %dot_general3A_51 = tpu.matmul %add3A_44, %get3A_49, %dot_general3A_50 {dimension_numbers = #tpu.dot_dimension_numbers<[1], [0], [0], [1], [0, 0, 1, 1], [], []>, transpose_lhs_hint = false} : vector<512x128xf32>, vector<128x1024xf32>, vector<512x1024xf32> -> vector<512x1024xf32>
    %add3A_52 = arith.addf %add3A_33, %dot_general3A_51 : vector<512x1024xf32>
    %get3A_53 = arith.constant 3 : index
    %get3A_54 = arith.constant 0 : index
    %get3A_55 = arith.constant 0 : index
    %get3A_56 = vector.load %arg1[%get3A_53, %get3A_54, %get3A_55] : memref<4x512x128xf32, #tpu.memory_space<vmem>>, vector<1x512x128xf32>
    %get3A_57 = vector.shape_cast %get3A_56 : vector<1x512x128xf32> to vector<512x128xf32>
    %get3A_58 = arith.constant 3 : index
    %get3A_59 = arith.constant 0 : index
    %get3A_60 = arith.constant 0 : index
    %get3A_61 = vector.load %arg2[%get3A_58, %get3A_59, %get3A_60] : memref<4x512x128xf32, #tpu.memory_space<vmem>>, vector<1x512x128xf32>
    %get3A_62 = vector.shape_cast %get3A_61 : vector<1x512x128xf32> to vector<512x128xf32>
    %add3A_63 = arith.addf %get3A_57, %get3A_62 : vector<512x128xf32>
    %get3A_64 = arith.constant 3 : index
    %get3A_65 = arith.constant 0 : index
    %get3A_66 = arith.constant 0 : index
    %get3A_67 = vector.load %arg3[%get3A_64, %get3A_65, %get3A_66] : memref<4x128x1024xf32, #tpu.memory_space<vmem>>, vector<1x128x1024xf32>
    %get3A_68 = vector.shape_cast %get3A_67 : vector<1x128x1024xf32> to vector<128x1024xf32>
    %dot_general3A_69 = arith.constant dense<0.000000e+00> : vector<512x1024xf32>
    %dot_general3A_70 = tpu.matmul %add3A_63, %get3A_68, %dot_general3A_69 {dimension_numbers = #tpu.dot_dimension_numbers<[1], [0], [0], [1], [0, 0, 1, 1], [], []>, transpose_lhs_hint = false} : vector<512x128xf32>, vector<128x1024xf32>, vector<512x1024xf32> -> vector<512x1024xf32>
    %add3A_71 = arith.addf %add3A_52, %dot_general3A_70 : vector<512x1024xf32>
    %get3A_72 = arith.constant 0 : index
    %get3A_73 = arith.constant 0 : index
    %get3A_74 = vector.load %arg4[%get3A_72, %get3A_73] : memref<1x1024xf32, #tpu.memory_space<vmem>>, vector<1x1024xf32>
    %add3A_75 = vector.broadcast %get3A_74 : vector<1x1024xf32> to vector<512x1024xf32>
    %add3A_76 = arith.addf %add3A_71, %add3A_75 : vector<512x1024xf32>
    %max3A = arith.constant 0.000000e+00 : f32
    %max3A_77 = vector.broadcast %max3A : f32 to vector<512x1024xf32>
    %max3A_78 = arith.maximumf %add3A_76, %max3A_77 : vector<512x1024xf32>
    %iota3A = tpu.iota {dimensions = array<i32: 0>} : vector<512x1xi32>
    %mul3A = arith.constant 512 : i32
    %mul3A_79 = arith.muli %arg0, %mul3A : i32
    %add3A_80 = vector.broadcast %mul3A_79 : i32 to vector<512x1xi32>
    %add3A_81 = arith.addi %iota3A, %add3A_80 : vector<512x1xi32>
    %lt3A = arith.constant 10000 : i32
    %lt3A_82 = vector.broadcast %lt3A : i32 to vector<512x1xi32>
    %lt3A_83 = arith.cmpi slt, %add3A_81, %lt3A_82 : vector<512x1xi32>
    %jit3A = arith.constant 0.000000e+00 : f32
    %broadcast_in_dim3A = vector.shape_cast %lt3A_83 : vector<512x1xi1> to vector<512x1xi1>
    %broadcast_in_dim3A_84 = vector.broadcast %broadcast_in_dim3A : vector<512x1xi1> to vector<512x1024xi1>
    %broadcast_in_dim3A_85 = vector.broadcast %jit3A : f32 to vector<512x1024xf32>
    %select_n3A = arith.select %broadcast_in_dim3A_84, %max3A_78, %broadcast_in_dim3A_85 : vector<512x1024xi1>, vector<512x1024xf32>
    %swap3A = arith.constant 0 : index
    %swap3A_86 = arith.constant 0 : index
    %swap3A_87 = vector.load %arg5[%swap3A, %swap3A_86] : memref<512x1024xf32, #tpu.memory_space<vmem>>, vector<512x1024xf32>
    tpu.vector_store %arg5[%swap3A, %swap3A_86], %select_n3A {strides = array<i32>} : memref<512x1024xf32, #tpu.memory_space<vmem>>, vector<512x1024xf32>,
    %reduce_sum3A = arith.constant dense<0.000000e+00> : vector<1024xf32>
    %reduce_sum3A_88 = vector.multi_reduction <add>, %select_n3A, %reduce_sum3A [0] : vector<512x1024xf32> to vector<1024xf32>
    %broadcast_in_dim3A_89 = vector.shape_cast %reduce_sum3A_88 : vector<1024xf32> to vector<1x1024xf32>
    %mul3A_90 = arith.mulf %select_n3A, %select_n3A : vector<512x1024xf32>
    %reduce_sum3A_91 = arith.constant dense<0.000000e+00> : vector<1024xf32>
    %reduce_sum3A_92 = vector.multi_reduction <add>, %mul3A_90, %reduce_sum3A_91 [0] : vector<512x1024xf32> to vector<1024xf32>
    %broadcast_in_dim3A_93 = vector.shape_cast %reduce_sum3A_92 : vector<1024xf32> to vector<1x1024xf32>
    %eq3A = arith.constant 0 : i32
    %eq3A_94 = arith.cmpi eq, %arg0, %eq3A : i32
    %convert_element_type3A = arith.extui %eq3A_94 : i1 to i32
    %cond3A = arith.constant 0 : i32
    %cond3A_95 = arith.cmpi ne, %convert_element_type3A, %cond3A : i32
    scf.if %cond3A_95 {
      %swap3A_100 = arith.constant 0 : index
      %swap3A_101 = arith.constant 0 : index
      %swap3A_102 = vector.load %arg6[%swap3A_100, %swap3A_101] : memref<1x1024xf32, #tpu.memory_space<vmem>>, vector<1x1024xf32>
      tpu.vector_store %arg6[%swap3A_100, %swap3A_101], %broadcast_in_dim3A_89 {strides = array<i32>} : memref<1x1024xf32, #tpu.memory_space<vmem>>, vector<1x1024xf32>,
      %swap3A_103 = arith.constant 0 : index
      %swap3A_104 = arith.constant 0 : index
      %swap3A_105 = vector.load %arg7[%swap3A_103, %swap3A_104] : memref<1x1024xf32, #tpu.memory_space<vmem>>, vector<1x1024xf32>
      tpu.vector_store %arg7[%swap3A_103, %swap3A_104], %broadcast_in_dim3A_93 {strides = array<i32>} : memref<1x1024xf32, #tpu.memory_space<vmem>>, vector<1x1024xf32>,
    } else {
    }
    %gt3A = arith.constant 0 : i32
    %gt3A_96 = arith.cmpi sgt, %arg0, %gt3A : i32
    %convert_element_type3A_97 = arith.extui %gt3A_96 : i1 to i32
    %cond3A_98 = arith.constant 0 : i32
    %cond3A_99 = arith.cmpi ne, %convert_element_type3A_97, %cond3A_98 : i32
    scf.if %cond3A_99 {
      %get3A_100 = arith.constant 0 : index
      %get3A_101 = arith.constant 0 : index
      %get3A_102 = vector.load %arg6[%get3A_100, %get3A_101] : memref<1x1024xf32, #tpu.memory_space<vmem>>, vector<1x1024xf32>
      %add3A_103 = arith.addf %get3A_102, %broadcast_in_dim3A_89 : vector<1x1024xf32>
      %swap3A_104 = arith.constant 0 : index
      %swap3A_105 = arith.constant 0 : index
      %swap3A_106 = vector.load %arg6[%swap3A_104, %swap3A_105] : memref<1x1024xf32, #tpu.memory_space<vmem>>, vector<1x1024xf32>
      tpu.vector_store %arg6[%swap3A_104, %swap3A_105], %add3A_103 {strides = array<i32>} : memref<1x1024xf32, #tpu.memory_space<vmem>>, vector<1x1024xf32>,
      %get3A_107 = arith.constant 0 : index
      %get3A_108 = arith.constant 0 : index
      %get3A_109 = vector.load %arg7[%get3A_107, %get3A_108] : memref<1x1024xf32, #tpu.memory_space<vmem>>, vector<1x1024xf32>
      %add3A_110 = arith.addf %get3A_109, %broadcast_in_dim3A_93 : vector<1x1024xf32>
      %swap3A_111 = arith.constant 0 : index
      %swap3A_112 = arith.constant 0 : index
      %swap3A_113 = vector.load %arg7[%swap3A_111, %swap3A_112] : memref<1x1024xf32, #tpu.memory_space<vmem>>, vector<1x1024xf32>
      tpu.vector_store %arg7[%swap3A_111, %swap3A_112], %add3A_110 {strides = array<i32>} : memref<1x1024xf32, #tpu.memory_space<vmem>>, vector<1x1024xf32>,
    } else {
    }
    return
  }
  func.func @transform_0(%arg0: i32) -> (i32, i32, i32) {
    %c0_i32 = arith.constant 0 : i32
    %c0_i32_0 = arith.constant 0 : i32
    %c0_i32_1 = arith.constant 0 : i32
    return %c0_i32, %arg0, %c0_i32_0 : i32, i32, i32
  }
  func.func @transform_1(%arg0: i32) -> (i32, i32, i32) {
    %c0_i32 = arith.constant 0 : i32
    %c0_i32_0 = arith.constant 0 : i32
    %c0_i32_1 = arith.constant 0 : i32
    return %c0_i32, %arg0, %c0_i32_0 : i32, i32, i32
  }
  func.func @transform_2(%arg0: i32) -> (i32, i32, i32) {
    %c0_i32 = arith.constant 0 : i32
    %c0_i32_0 = arith.constant 0 : i32
    %c0_i32_1 = arith.constant 0 : i32
    %c0_i32_2 = arith.constant 0 : i32
    return %c0_i32, %c0_i32_0, %c0_i32_1 : i32, i32, i32
  }
  func.func @transform_3(%arg0: i32) -> (i32, i32) {
    %c0_i32 = arith.constant 0 : i32
    %c0_i32_0 = arith.constant 0 : i32
    %c0_i32_1 = arith.constant 0 : i32
    return %c0_i32, %c0_i32_0 : i32, i32
  }
  func.func @transform_4(%arg0: i32) -> (i32, i32) {
    %c0_i32 = arith.constant 0 : i32
    %c0_i32_0 = arith.constant 0 : i32
    return %arg0, %c0_i32 : i32, i32
  }
  func.func @transform_5(%arg0: i32) -> (i32, i32) {
    %c0_i32 = arith.constant 0 : i32
    %c0_i32_0 = arith.constant 0 : i32
    %c0_i32_1 = arith.constant 0 : i32
    return %c0_i32, %c0_i32_0 : i32, i32
  }
  func.func @transform_6(%arg0: i32) -> (i32, i32) {
    %c0_i32 = arith.constant 0 : i32
    %c0_i32_0 = arith.constant 0 : i32
    %c0_i32_1 = arith.constant 0 : i32
    return %c0_i32, %c0_i32_0 : i32, i32
  }
}

module attributes {stable_mosaic.version = 14 : i64} {
  func.func @_k2_body(%arg0: i32, %arg1: memref<512x1024xf32, #tpu.memory_space<vmem>>, %arg2: memref<1x1024xf32, #tpu.memory_space<vmem>>, %arg3: memref<1x1024xf32, #tpu.memory_space<vmem>>, %arg4: memref<1x1024xf32, #tpu.memory_space<vmem>>, %arg5: memref<1x1024xf32, #tpu.memory_space<vmem>>, %arg6: memref<8x512x128xf32, #tpu.memory_space<vmem>>) attributes {dimension_semantics = [#tpu.dimension_semantics<arbitrary>], iteration_bounds = array<i64: 20>, scalar_prefetch = 0 : i64, scratch_operands = 0 : i64, tpu.core_type = #tpu.core_type<tc>, window_params = [{transform_indices = @transform_0, window_bounds = array<i64: 512, 1024>}, {pipeline_mode = #tpu.pipeline_mode<synchronous>, transform_indices = @transform_1, window_bounds = array<i64: 1, 1024>}, {pipeline_mode = #tpu.pipeline_mode<synchronous>, transform_indices = @transform_2, window_bounds = array<i64: 1, 1024>}, {pipeline_mode = #tpu.pipeline_mode<synchronous>, transform_indices = @transform_3, window_bounds = array<i64: 1, 1024>}, {pipeline_mode = #tpu.pipeline_mode<synchronous>, transform_indices = @transform_4, window_bounds = array<i64: 1, 1024>}, {transform_indices = @transform_5, window_bounds = array<i64: 8, 512, 128>}]} {
    %get3A = arith.constant 0 : index
    %get3A_0 = arith.constant 0 : index
    %get3A_1 = vector.load %arg2[%get3A, %get3A_0] : memref<1x1024xf32, #tpu.memory_space<vmem>>, vector<1x1024xf32>
    %div3A = arith.constant 1.000000e+04 : f32
    %div3A_2 = vector.broadcast %div3A : f32 to vector<1x1024xf32>
    %div3A_3 = arith.divf %get3A_1, %div3A_2 : vector<1x1024xf32>
    %get3A_4 = arith.constant 0 : index
    %get3A_5 = arith.constant 0 : index
    %get3A_6 = vector.load %arg3[%get3A_4, %get3A_5] : memref<1x1024xf32, #tpu.memory_space<vmem>>, vector<1x1024xf32>
    %div3A_7 = arith.constant 1.000000e+04 : f32
    %div3A_8 = vector.broadcast %div3A_7 : f32 to vector<1x1024xf32>
    %div3A_9 = arith.divf %get3A_6, %div3A_8 : vector<1x1024xf32>
    %mul3A = arith.mulf %div3A_3, %div3A_3 : vector<1x1024xf32>
    %sub3A = arith.subf %div3A_9, %mul3A : vector<1x1024xf32>
    %add3A = arith.constant 9.99999974E-6 : f32
    %add3A_10 = vector.broadcast %add3A : f32 to vector<1x1024xf32>
    %add3A_11 = arith.addf %sub3A, %add3A_10 : vector<1x1024xf32>
    %rsqrt3A = math.rsqrt %add3A_11 : vector<1x1024xf32>
    %get3A_12 = arith.constant 0 : index
    %get3A_13 = arith.constant 0 : index
    %get3A_14 = vector.load %arg4[%get3A_12, %get3A_13] : memref<1x1024xf32, #tpu.memory_space<vmem>>, vector<1x1024xf32>
    %mul3A_15 = arith.mulf %rsqrt3A, %get3A_14 : vector<1x1024xf32>
    %get3A_16 = arith.constant 0 : index
    %get3A_17 = arith.constant 0 : index
    %get3A_18 = vector.load %arg1[%get3A_16, %get3A_17] : memref<512x1024xf32, #tpu.memory_space<vmem>>, vector<512x1024xf32>
    %sub3A_19 = vector.broadcast %div3A_3 : vector<1x1024xf32> to vector<512x1024xf32>
    %sub3A_20 = arith.subf %get3A_18, %sub3A_19 : vector<512x1024xf32>
    %mul3A_21 = vector.broadcast %mul3A_15 : vector<1x1024xf32> to vector<512x1024xf32>
    %mul3A_22 = arith.mulf %sub3A_20, %mul3A_21 : vector<512x1024xf32>
    %get3A_23 = arith.constant 0 : index
    %get3A_24 = arith.constant 0 : index
    %get3A_25 = vector.load %arg5[%get3A_23, %get3A_24] : memref<1x1024xf32, #tpu.memory_space<vmem>>, vector<1x1024xf32>
    %add3A_26 = vector.broadcast %get3A_25 : vector<1x1024xf32> to vector<512x1024xf32>
    %add3A_27 = arith.addf %mul3A_22, %add3A_26 : vector<512x1024xf32>
    %slice3A = vector.extract_strided_slice %add3A_27 {offsets = [0, 0], sizes = [512, 128], strides = [1, 1]} : vector<512x1024xf32> to vector<512x128xf32>
    %swap3A = arith.constant 0 : index
    %swap3A_28 = arith.constant 0 : index
    %swap3A_29 = arith.constant 0 : index
    %swap3A_30 = vector.load %arg6[%swap3A, %swap3A_28, %swap3A_29] : memref<8x512x128xf32, #tpu.memory_space<vmem>>, vector<1x512x128xf32>
    %swap3A_31 = vector.shape_cast %swap3A_30 : vector<1x512x128xf32> to vector<512x128xf32>
    %swap3A_32 = vector.shape_cast %slice3A : vector<512x128xf32> to vector<1x512x128xf32>
    tpu.vector_store %arg6[%swap3A, %swap3A_28, %swap3A_29], %swap3A_32 {strides = array<i32>} : memref<8x512x128xf32, #tpu.memory_space<vmem>>, vector<1x512x128xf32>,
    %slice3A_33 = vector.extract_strided_slice %add3A_27 {offsets = [0, 128], sizes = [512, 128], strides = [1, 1]} : vector<512x1024xf32> to vector<512x128xf32>
    %swap3A_34 = arith.constant 1 : index
    %swap3A_35 = arith.constant 0 : index
    %swap3A_36 = arith.constant 0 : index
    %swap3A_37 = vector.load %arg6[%swap3A_34, %swap3A_35, %swap3A_36] : memref<8x512x128xf32, #tpu.memory_space<vmem>>, vector<1x512x128xf32>
    %swap3A_38 = vector.shape_cast %swap3A_37 : vector<1x512x128xf32> to vector<512x128xf32>
    %swap3A_39 = vector.shape_cast %slice3A_33 : vector<512x128xf32> to vector<1x512x128xf32>
    tpu.vector_store %arg6[%swap3A_34, %swap3A_35, %swap3A_36], %swap3A_39 {strides = array<i32>} : memref<8x512x128xf32, #tpu.memory_space<vmem>>, vector<1x512x128xf32>,
    %slice3A_40 = vector.extract_strided_slice %add3A_27 {offsets = [0, 256], sizes = [512, 128], strides = [1, 1]} : vector<512x1024xf32> to vector<512x128xf32>
    %swap3A_41 = arith.constant 2 : index
    %swap3A_42 = arith.constant 0 : index
    %swap3A_43 = arith.constant 0 : index
    %swap3A_44 = vector.load %arg6[%swap3A_41, %swap3A_42, %swap3A_43] : memref<8x512x128xf32, #tpu.memory_space<vmem>>, vector<1x512x128xf32>
    %swap3A_45 = vector.shape_cast %swap3A_44 : vector<1x512x128xf32> to vector<512x128xf32>
    %swap3A_46 = vector.shape_cast %slice3A_40 : vector<512x128xf32> to vector<1x512x128xf32>
    tpu.vector_store %arg6[%swap3A_41, %swap3A_42, %swap3A_43], %swap3A_46 {strides = array<i32>} : memref<8x512x128xf32, #tpu.memory_space<vmem>>, vector<1x512x128xf32>,
    %slice3A_47 = vector.extract_strided_slice %add3A_27 {offsets = [0, 384], sizes = [512, 128], strides = [1, 1]} : vector<512x1024xf32> to vector<512x128xf32>
    %swap3A_48 = arith.constant 3 : index
    %swap3A_49 = arith.constant 0 : index
    %swap3A_50 = arith.constant 0 : index
    %swap3A_51 = vector.load %arg6[%swap3A_48, %swap3A_49, %swap3A_50] : memref<8x512x128xf32, #tpu.memory_space<vmem>>, vector<1x512x128xf32>
    %swap3A_52 = vector.shape_cast %swap3A_51 : vector<1x512x128xf32> to vector<512x128xf32>
    %swap3A_53 = vector.shape_cast %slice3A_47 : vector<512x128xf32> to vector<1x512x128xf32>
    tpu.vector_store %arg6[%swap3A_48, %swap3A_49, %swap3A_50], %swap3A_53 {strides = array<i32>} : memref<8x512x128xf32, #tpu.memory_space<vmem>>, vector<1x512x128xf32>,
    %slice3A_54 = vector.extract_strided_slice %add3A_27 {offsets = [0, 512], sizes = [512, 128], strides = [1, 1]} : vector<512x1024xf32> to vector<512x128xf32>
    %swap3A_55 = arith.constant 4 : index
    %swap3A_56 = arith.constant 0 : index
    %swap3A_57 = arith.constant 0 : index
    %swap3A_58 = vector.load %arg6[%swap3A_55, %swap3A_56, %swap3A_57] : memref<8x512x128xf32, #tpu.memory_space<vmem>>, vector<1x512x128xf32>
    %swap3A_59 = vector.shape_cast %swap3A_58 : vector<1x512x128xf32> to vector<512x128xf32>
    %swap3A_60 = vector.shape_cast %slice3A_54 : vector<512x128xf32> to vector<1x512x128xf32>
    tpu.vector_store %arg6[%swap3A_55, %swap3A_56, %swap3A_57], %swap3A_60 {strides = array<i32>} : memref<8x512x128xf32, #tpu.memory_space<vmem>>, vector<1x512x128xf32>,
    %slice3A_61 = vector.extract_strided_slice %add3A_27 {offsets = [0, 640], sizes = [512, 128], strides = [1, 1]} : vector<512x1024xf32> to vector<512x128xf32>
    %swap3A_62 = arith.constant 5 : index
    %swap3A_63 = arith.constant 0 : index
    %swap3A_64 = arith.constant 0 : index
    %swap3A_65 = vector.load %arg6[%swap3A_62, %swap3A_63, %swap3A_64] : memref<8x512x128xf32, #tpu.memory_space<vmem>>, vector<1x512x128xf32>
    %swap3A_66 = vector.shape_cast %swap3A_65 : vector<1x512x128xf32> to vector<512x128xf32>
    %swap3A_67 = vector.shape_cast %slice3A_61 : vector<512x128xf32> to vector<1x512x128xf32>
    tpu.vector_store %arg6[%swap3A_62, %swap3A_63, %swap3A_64], %swap3A_67 {strides = array<i32>} : memref<8x512x128xf32, #tpu.memory_space<vmem>>, vector<1x512x128xf32>,
    %slice3A_68 = vector.extract_strided_slice %add3A_27 {offsets = [0, 768], sizes = [512, 128], strides = [1, 1]} : vector<512x1024xf32> to vector<512x128xf32>
    %swap3A_69 = arith.constant 6 : index
    %swap3A_70 = arith.constant 0 : index
    %swap3A_71 = arith.constant 0 : index
    %swap3A_72 = vector.load %arg6[%swap3A_69, %swap3A_70, %swap3A_71] : memref<8x512x128xf32, #tpu.memory_space<vmem>>, vector<1x512x128xf32>
    %swap3A_73 = vector.shape_cast %swap3A_72 : vector<1x512x128xf32> to vector<512x128xf32>
    %swap3A_74 = vector.shape_cast %slice3A_68 : vector<512x128xf32> to vector<1x512x128xf32>
    tpu.vector_store %arg6[%swap3A_69, %swap3A_70, %swap3A_71], %swap3A_74 {strides = array<i32>} : memref<8x512x128xf32, #tpu.memory_space<vmem>>, vector<1x512x128xf32>,
    %slice3A_75 = vector.extract_strided_slice %add3A_27 {offsets = [0, 896], sizes = [512, 128], strides = [1, 1]} : vector<512x1024xf32> to vector<512x128xf32>
    %swap3A_76 = arith.constant 7 : index
    %swap3A_77 = arith.constant 0 : index
    %swap3A_78 = arith.constant 0 : index
    %swap3A_79 = vector.load %arg6[%swap3A_76, %swap3A_77, %swap3A_78] : memref<8x512x128xf32, #tpu.memory_space<vmem>>, vector<1x512x128xf32>
    %swap3A_80 = vector.shape_cast %swap3A_79 : vector<1x512x128xf32> to vector<512x128xf32>
    %swap3A_81 = vector.shape_cast %slice3A_75 : vector<512x128xf32> to vector<1x512x128xf32>
    tpu.vector_store %arg6[%swap3A_76, %swap3A_77, %swap3A_78], %swap3A_81 {strides = array<i32>} : memref<8x512x128xf32, #tpu.memory_space<vmem>>, vector<1x512x128xf32>,
    return
  }
  func.func @transform_0(%arg0: i32) -> (i32, i32) {
    %c0_i32 = arith.constant 0 : i32
    %c0_i32_0 = arith.constant 0 : i32
    return %arg0, %c0_i32 : i32, i32
  }
  func.func @transform_1(%arg0: i32) -> (i32, i32) {
    %c0_i32 = arith.constant 0 : i32
    %c0_i32_0 = arith.constant 0 : i32
    %c0_i32_1 = arith.constant 0 : i32
    return %c0_i32, %c0_i32_0 : i32, i32
  }
  func.func @transform_2(%arg0: i32) -> (i32, i32) {
    %c0_i32 = arith.constant 0 : i32
    %c0_i32_0 = arith.constant 0 : i32
    %c0_i32_1 = arith.constant 0 : i32
    return %c0_i32, %c0_i32_0 : i32, i32
  }
  func.func @transform_3(%arg0: i32) -> (i32, i32) {
    %c0_i32 = arith.constant 0 : i32
    %c0_i32_0 = arith.constant 0 : i32
    %c0_i32_1 = arith.constant 0 : i32
    return %c0_i32, %c0_i32_0 : i32, i32
  }
  func.func @transform_4(%arg0: i32) -> (i32, i32) {
    %c0_i32 = arith.constant 0 : i32
    %c0_i32_0 = arith.constant 0 : i32
    %c0_i32_1 = arith.constant 0 : i32
    return %c0_i32, %c0_i32_0 : i32, i32
  }
  func.func @transform_5(%arg0: i32) -> (i32, i32, i32) {
    %c0_i32 = arith.constant 0 : i32
    %c0_i32_0 = arith.constant 0 : i32
    %c0_i32_1 = arith.constant 0 : i32
    return %c0_i32, %arg0, %c0_i32_0 : i32, i32, i32
  }
}

module attributes {stable_mosaic.version = 14 : i64} {
  func.func @_k1_body(%arg0: i32, %arg1: memref<8x512x128xf32, #tpu.memory_space<vmem>>, %arg2: memref<8x512x128xf32, #tpu.memory_space<vmem>>, %arg3: memref<8x128x2048xf32, #tpu.memory_space<vmem>>, %arg4: memref<1x2048xf32, #tpu.memory_space<vmem>>, %arg5: memref<512x2048xf32, #tpu.memory_space<vmem>>, %arg6: memref<1x2048xf32, #tpu.memory_space<vmem>>, %arg7: memref<1x2048xf32, #tpu.memory_space<vmem>>) attributes {dimension_semantics = [#tpu.dimension_semantics<arbitrary>], iteration_bounds = array<i64: 20>, scalar_prefetch = 0 : i64, scratch_operands = 0 : i64, tpu.core_type = #tpu.core_type<tc>, window_params = [{transform_indices = @transform_0, window_bounds = array<i64: 8, 512, 128>}, {transform_indices = @transform_1, window_bounds = array<i64: 8, 512, 128>}, {pipeline_mode = #tpu.pipeline_mode<synchronous>, transform_indices = @transform_2, window_bounds = array<i64: 8, 128, 2048>}, {pipeline_mode = #tpu.pipeline_mode<synchronous>, transform_indices = @transform_3, window_bounds = array<i64: 1, 2048>}, {transform_indices = @transform_4, window_bounds = array<i64: 512, 2048>}, {pipeline_mode = #tpu.pipeline_mode<synchronous>, transform_indices = @transform_5, window_bounds = array<i64: 1, 2048>}, {pipeline_mode = #tpu.pipeline_mode<synchronous>, transform_indices = @transform_6, window_bounds = array<i64: 1, 2048>}]} {
    %get3A = arith.constant 0 : index
    %get3A_0 = arith.constant 0 : index
    %get3A_1 = arith.constant 0 : index
    %get3A_2 = vector.load %arg1[%get3A, %get3A_0, %get3A_1] : memref<8x512x128xf32, #tpu.memory_space<vmem>>, vector<1x512x128xf32>
    %get3A_3 = vector.shape_cast %get3A_2 : vector<1x512x128xf32> to vector<512x128xf32>
    %get3A_4 = arith.constant 0 : index
    %get3A_5 = arith.constant 0 : index
    %get3A_6 = arith.constant 0 : index
    %get3A_7 = vector.load %arg2[%get3A_4, %get3A_5, %get3A_6] : memref<8x512x128xf32, #tpu.memory_space<vmem>>, vector<1x512x128xf32>
    %get3A_8 = vector.shape_cast %get3A_7 : vector<1x512x128xf32> to vector<512x128xf32>
    %add3A = arith.addf %get3A_3, %get3A_8 : vector<512x128xf32>
    %get3A_9 = arith.constant 0 : index
    %get3A_10 = arith.constant 0 : index
    %get3A_11 = arith.constant 0 : index
    %get3A_12 = vector.load %arg3[%get3A_9, %get3A_10, %get3A_11] : memref<8x128x2048xf32, #tpu.memory_space<vmem>>, vector<1x128x2048xf32>
    %get3A_13 = vector.shape_cast %get3A_12 : vector<1x128x2048xf32> to vector<128x2048xf32>
    %dot_general3A = arith.constant dense<0.000000e+00> : vector<512x2048xf32>
    %dot_general3A_14 = tpu.matmul %add3A, %get3A_13, %dot_general3A {dimension_numbers = #tpu.dot_dimension_numbers<[1], [0], [0], [1], [0, 0, 1, 1], [], []>, transpose_lhs_hint = false} : vector<512x128xf32>, vector<128x2048xf32>, vector<512x2048xf32> -> vector<512x2048xf32>
    %get3A_15 = arith.constant 1 : index
    %get3A_16 = arith.constant 0 : index
    %get3A_17 = arith.constant 0 : index
    %get3A_18 = vector.load %arg1[%get3A_15, %get3A_16, %get3A_17] : memref<8x512x128xf32, #tpu.memory_space<vmem>>, vector<1x512x128xf32>
    %get3A_19 = vector.shape_cast %get3A_18 : vector<1x512x128xf32> to vector<512x128xf32>
    %get3A_20 = arith.constant 1 : index
    %get3A_21 = arith.constant 0 : index
    %get3A_22 = arith.constant 0 : index
    %get3A_23 = vector.load %arg2[%get3A_20, %get3A_21, %get3A_22] : memref<8x512x128xf32, #tpu.memory_space<vmem>>, vector<1x512x128xf32>
    %get3A_24 = vector.shape_cast %get3A_23 : vector<1x512x128xf32> to vector<512x128xf32>
    %add3A_25 = arith.addf %get3A_19, %get3A_24 : vector<512x128xf32>
    %get3A_26 = arith.constant 1 : index
    %get3A_27 = arith.constant 0 : index
    %get3A_28 = arith.constant 0 : index
    %get3A_29 = vector.load %arg3[%get3A_26, %get3A_27, %get3A_28] : memref<8x128x2048xf32, #tpu.memory_space<vmem>>, vector<1x128x2048xf32>
    %get3A_30 = vector.shape_cast %get3A_29 : vector<1x128x2048xf32> to vector<128x2048xf32>
    %dot_general3A_31 = arith.constant dense<0.000000e+00> : vector<512x2048xf32>
    %dot_general3A_32 = tpu.matmul %add3A_25, %get3A_30, %dot_general3A_31 {dimension_numbers = #tpu.dot_dimension_numbers<[1], [0], [0], [1], [0, 0, 1, 1], [], []>, transpose_lhs_hint = false} : vector<512x128xf32>, vector<128x2048xf32>, vector<512x2048xf32> -> vector<512x2048xf32>
    %add3A_33 = arith.addf %dot_general3A_14, %dot_general3A_32 : vector<512x2048xf32>
    %get3A_34 = arith.constant 2 : index
    %get3A_35 = arith.constant 0 : index
    %get3A_36 = arith.constant 0 : index
    %get3A_37 = vector.load %arg1[%get3A_34, %get3A_35, %get3A_36] : memref<8x512x128xf32, #tpu.memory_space<vmem>>, vector<1x512x128xf32>
    %get3A_38 = vector.shape_cast %get3A_37 : vector<1x512x128xf32> to vector<512x128xf32>
    %get3A_39 = arith.constant 2 : index
    %get3A_40 = arith.constant 0 : index
    %get3A_41 = arith.constant 0 : index
    %get3A_42 = vector.load %arg2[%get3A_39, %get3A_40, %get3A_41] : memref<8x512x128xf32, #tpu.memory_space<vmem>>, vector<1x512x128xf32>
    %get3A_43 = vector.shape_cast %get3A_42 : vector<1x512x128xf32> to vector<512x128xf32>
    %add3A_44 = arith.addf %get3A_38, %get3A_43 : vector<512x128xf32>
    %get3A_45 = arith.constant 2 : index
    %get3A_46 = arith.constant 0 : index
    %get3A_47 = arith.constant 0 : index
    %get3A_48 = vector.load %arg3[%get3A_45, %get3A_46, %get3A_47] : memref<8x128x2048xf32, #tpu.memory_space<vmem>>, vector<1x128x2048xf32>
    %get3A_49 = vector.shape_cast %get3A_48 : vector<1x128x2048xf32> to vector<128x2048xf32>
    %dot_general3A_50 = arith.constant dense<0.000000e+00> : vector<512x2048xf32>
    %dot_general3A_51 = tpu.matmul %add3A_44, %get3A_49, %dot_general3A_50 {dimension_numbers = #tpu.dot_dimension_numbers<[1], [0], [0], [1], [0, 0, 1, 1], [], []>, transpose_lhs_hint = false} : vector<512x128xf32>, vector<128x2048xf32>, vector<512x2048xf32> -> vector<512x2048xf32>
    %add3A_52 = arith.addf %add3A_33, %dot_general3A_51 : vector<512x2048xf32>
    %get3A_53 = arith.constant 3 : index
    %get3A_54 = arith.constant 0 : index
    %get3A_55 = arith.constant 0 : index
    %get3A_56 = vector.load %arg1[%get3A_53, %get3A_54, %get3A_55] : memref<8x512x128xf32, #tpu.memory_space<vmem>>, vector<1x512x128xf32>
    %get3A_57 = vector.shape_cast %get3A_56 : vector<1x512x128xf32> to vector<512x128xf32>
    %get3A_58 = arith.constant 3 : index
    %get3A_59 = arith.constant 0 : index
    %get3A_60 = arith.constant 0 : index
    %get3A_61 = vector.load %arg2[%get3A_58, %get3A_59, %get3A_60] : memref<8x512x128xf32, #tpu.memory_space<vmem>>, vector<1x512x128xf32>
    %get3A_62 = vector.shape_cast %get3A_61 : vector<1x512x128xf32> to vector<512x128xf32>
    %add3A_63 = arith.addf %get3A_57, %get3A_62 : vector<512x128xf32>
    %get3A_64 = arith.constant 3 : index
    %get3A_65 = arith.constant 0 : index
    %get3A_66 = arith.constant 0 : index
    %get3A_67 = vector.load %arg3[%get3A_64, %get3A_65, %get3A_66] : memref<8x128x2048xf32, #tpu.memory_space<vmem>>, vector<1x128x2048xf32>
    %get3A_68 = vector.shape_cast %get3A_67 : vector<1x128x2048xf32> to vector<128x2048xf32>
    %dot_general3A_69 = arith.constant dense<0.000000e+00> : vector<512x2048xf32>
    %dot_general3A_70 = tpu.matmul %add3A_63, %get3A_68, %dot_general3A_69 {dimension_numbers = #tpu.dot_dimension_numbers<[1], [0], [0], [1], [0, 0, 1, 1], [], []>, transpose_lhs_hint = false} : vector<512x128xf32>, vector<128x2048xf32>, vector<512x2048xf32> -> vector<512x2048xf32>
    %add3A_71 = arith.addf %add3A_52, %dot_general3A_70 : vector<512x2048xf32>
    %get3A_72 = arith.constant 4 : index
    %get3A_73 = arith.constant 0 : index
    %get3A_74 = arith.constant 0 : index
    %get3A_75 = vector.load %arg1[%get3A_72, %get3A_73, %get3A_74] : memref<8x512x128xf32, #tpu.memory_space<vmem>>, vector<1x512x128xf32>
    %get3A_76 = vector.shape_cast %get3A_75 : vector<1x512x128xf32> to vector<512x128xf32>
    %get3A_77 = arith.constant 4 : index
    %get3A_78 = arith.constant 0 : index
    %get3A_79 = arith.constant 0 : index
    %get3A_80 = vector.load %arg2[%get3A_77, %get3A_78, %get3A_79] : memref<8x512x128xf32, #tpu.memory_space<vmem>>, vector<1x512x128xf32>
    %get3A_81 = vector.shape_cast %get3A_80 : vector<1x512x128xf32> to vector<512x128xf32>
    %add3A_82 = arith.addf %get3A_76, %get3A_81 : vector<512x128xf32>
    %get3A_83 = arith.constant 4 : index
    %get3A_84 = arith.constant 0 : index
    %get3A_85 = arith.constant 0 : index
    %get3A_86 = vector.load %arg3[%get3A_83, %get3A_84, %get3A_85] : memref<8x128x2048xf32, #tpu.memory_space<vmem>>, vector<1x128x2048xf32>
    %get3A_87 = vector.shape_cast %get3A_86 : vector<1x128x2048xf32> to vector<128x2048xf32>
    %dot_general3A_88 = arith.constant dense<0.000000e+00> : vector<512x2048xf32>
    %dot_general3A_89 = tpu.matmul %add3A_82, %get3A_87, %dot_general3A_88 {dimension_numbers = #tpu.dot_dimension_numbers<[1], [0], [0], [1], [0, 0, 1, 1], [], []>, transpose_lhs_hint = false} : vector<512x128xf32>, vector<128x2048xf32>, vector<512x2048xf32> -> vector<512x2048xf32>
    %add3A_90 = arith.addf %add3A_71, %dot_general3A_89 : vector<512x2048xf32>
    %get3A_91 = arith.constant 5 : index
    %get3A_92 = arith.constant 0 : index
    %get3A_93 = arith.constant 0 : index
    %get3A_94 = vector.load %arg1[%get3A_91, %get3A_92, %get3A_93] : memref<8x512x128xf32, #tpu.memory_space<vmem>>, vector<1x512x128xf32>
    %get3A_95 = vector.shape_cast %get3A_94 : vector<1x512x128xf32> to vector<512x128xf32>
    %get3A_96 = arith.constant 5 : index
    %get3A_97 = arith.constant 0 : index
    %get3A_98 = arith.constant 0 : index
    %get3A_99 = vector.load %arg2[%get3A_96, %get3A_97, %get3A_98] : memref<8x512x128xf32, #tpu.memory_space<vmem>>, vector<1x512x128xf32>
    %get3A_100 = vector.shape_cast %get3A_99 : vector<1x512x128xf32> to vector<512x128xf32>
    %add3A_101 = arith.addf %get3A_95, %get3A_100 : vector<512x128xf32>
    %get3A_102 = arith.constant 5 : index
    %get3A_103 = arith.constant 0 : index
    %get3A_104 = arith.constant 0 : index
    %get3A_105 = vector.load %arg3[%get3A_102, %get3A_103, %get3A_104] : memref<8x128x2048xf32, #tpu.memory_space<vmem>>, vector<1x128x2048xf32>
    %get3A_106 = vector.shape_cast %get3A_105 : vector<1x128x2048xf32> to vector<128x2048xf32>
    %dot_general3A_107 = arith.constant dense<0.000000e+00> : vector<512x2048xf32>
    %dot_general3A_108 = tpu.matmul %add3A_101, %get3A_106, %dot_general3A_107 {dimension_numbers = #tpu.dot_dimension_numbers<[1], [0], [0], [1], [0, 0, 1, 1], [], []>, transpose_lhs_hint = false} : vector<512x128xf32>, vector<128x2048xf32>, vector<512x2048xf32> -> vector<512x2048xf32>
    %add3A_109 = arith.addf %add3A_90, %dot_general3A_108 : vector<512x2048xf32>
    %get3A_110 = arith.constant 6 : index
    %get3A_111 = arith.constant 0 : index
    %get3A_112 = arith.constant 0 : index
    %get3A_113 = vector.load %arg1[%get3A_110, %get3A_111, %get3A_112] : memref<8x512x128xf32, #tpu.memory_space<vmem>>, vector<1x512x128xf32>
    %get3A_114 = vector.shape_cast %get3A_113 : vector<1x512x128xf32> to vector<512x128xf32>
    %get3A_115 = arith.constant 6 : index
    %get3A_116 = arith.constant 0 : index
    %get3A_117 = arith.constant 0 : index
    %get3A_118 = vector.load %arg2[%get3A_115, %get3A_116, %get3A_117] : memref<8x512x128xf32, #tpu.memory_space<vmem>>, vector<1x512x128xf32>
    %get3A_119 = vector.shape_cast %get3A_118 : vector<1x512x128xf32> to vector<512x128xf32>
    %add3A_120 = arith.addf %get3A_114, %get3A_119 : vector<512x128xf32>
    %get3A_121 = arith.constant 6 : index
    %get3A_122 = arith.constant 0 : index
    %get3A_123 = arith.constant 0 : index
    %get3A_124 = vector.load %arg3[%get3A_121, %get3A_122, %get3A_123] : memref<8x128x2048xf32, #tpu.memory_space<vmem>>, vector<1x128x2048xf32>
    %get3A_125 = vector.shape_cast %get3A_124 : vector<1x128x2048xf32> to vector<128x2048xf32>
    %dot_general3A_126 = arith.constant dense<0.000000e+00> : vector<512x2048xf32>
    %dot_general3A_127 = tpu.matmul %add3A_120, %get3A_125, %dot_general3A_126 {dimension_numbers = #tpu.dot_dimension_numbers<[1], [0], [0], [1], [0, 0, 1, 1], [], []>, transpose_lhs_hint = false} : vector<512x128xf32>, vector<128x2048xf32>, vector<512x2048xf32> -> vector<512x2048xf32>
    %add3A_128 = arith.addf %add3A_109, %dot_general3A_127 : vector<512x2048xf32>
    %get3A_129 = arith.constant 7 : index
    %get3A_130 = arith.constant 0 : index
    %get3A_131 = arith.constant 0 : index
    %get3A_132 = vector.load %arg1[%get3A_129, %get3A_130, %get3A_131] : memref<8x512x128xf32, #tpu.memory_space<vmem>>, vector<1x512x128xf32>
    %get3A_133 = vector.shape_cast %get3A_132 : vector<1x512x128xf32> to vector<512x128xf32>
    %get3A_134 = arith.constant 7 : index
    %get3A_135 = arith.constant 0 : index
    %get3A_136 = arith.constant 0 : index
    %get3A_137 = vector.load %arg2[%get3A_134, %get3A_135, %get3A_136] : memref<8x512x128xf32, #tpu.memory_space<vmem>>, vector<1x512x128xf32>
    %get3A_138 = vector.shape_cast %get3A_137 : vector<1x512x128xf32> to vector<512x128xf32>
    %add3A_139 = arith.addf %get3A_133, %get3A_138 : vector<512x128xf32>
    %get3A_140 = arith.constant 7 : index
    %get3A_141 = arith.constant 0 : index
    %get3A_142 = arith.constant 0 : index
    %get3A_143 = vector.load %arg3[%get3A_140, %get3A_141, %get3A_142] : memref<8x128x2048xf32, #tpu.memory_space<vmem>>, vector<1x128x2048xf32>
    %get3A_144 = vector.shape_cast %get3A_143 : vector<1x128x2048xf32> to vector<128x2048xf32>
    %dot_general3A_145 = arith.constant dense<0.000000e+00> : vector<512x2048xf32>
    %dot_general3A_146 = tpu.matmul %add3A_139, %get3A_144, %dot_general3A_145 {dimension_numbers = #tpu.dot_dimension_numbers<[1], [0], [0], [1], [0, 0, 1, 1], [], []>, transpose_lhs_hint = false} : vector<512x128xf32>, vector<128x2048xf32>, vector<512x2048xf32> -> vector<512x2048xf32>
    %add3A_147 = arith.addf %add3A_128, %dot_general3A_146 : vector<512x2048xf32>
    %get3A_148 = arith.constant 0 : index
    %get3A_149 = arith.constant 0 : index
    %get3A_150 = vector.load %arg4[%get3A_148, %get3A_149] : memref<1x2048xf32, #tpu.memory_space<vmem>>, vector<1x2048xf32>
    %add3A_151 = vector.broadcast %get3A_150 : vector<1x2048xf32> to vector<512x2048xf32>
    %add3A_152 = arith.addf %add3A_147, %add3A_151 : vector<512x2048xf32>
    %max3A = arith.constant 0.000000e+00 : f32
    %max3A_153 = vector.broadcast %max3A : f32 to vector<512x2048xf32>
    %max3A_154 = arith.maximumf %add3A_152, %max3A_153 : vector<512x2048xf32>
    %iota3A = tpu.iota {dimensions = array<i32: 0>} : vector<512x1xi32>
    %mul3A = arith.constant 512 : i32
    %mul3A_155 = arith.muli %arg0, %mul3A : i32
    %add3A_156 = vector.broadcast %mul3A_155 : i32 to vector<512x1xi32>
    %add3A_157 = arith.addi %iota3A, %add3A_156 : vector<512x1xi32>
    %lt3A = arith.constant 10000 : i32
    %lt3A_158 = vector.broadcast %lt3A : i32 to vector<512x1xi32>
    %lt3A_159 = arith.cmpi slt, %add3A_157, %lt3A_158 : vector<512x1xi32>
    %jit3A = arith.constant 0.000000e+00 : f32
    %broadcast_in_dim3A = vector.shape_cast %lt3A_159 : vector<512x1xi1> to vector<512x1xi1>
    %broadcast_in_dim3A_160 = vector.broadcast %broadcast_in_dim3A : vector<512x1xi1> to vector<512x2048xi1>
    %broadcast_in_dim3A_161 = vector.broadcast %jit3A : f32 to vector<512x2048xf32>
    %select_n3A = arith.select %broadcast_in_dim3A_160, %max3A_154, %broadcast_in_dim3A_161 : vector<512x2048xi1>, vector<512x2048xf32>
    %swap3A = arith.constant 0 : index
    %swap3A_162 = arith.constant 0 : index
    %swap3A_163 = vector.load %arg5[%swap3A, %swap3A_162] : memref<512x2048xf32, #tpu.memory_space<vmem>>, vector<512x2048xf32>
    tpu.vector_store %arg5[%swap3A, %swap3A_162], %select_n3A {strides = array<i32>} : memref<512x2048xf32, #tpu.memory_space<vmem>>, vector<512x2048xf32>,
    %reduce_sum3A = arith.constant dense<0.000000e+00> : vector<2048xf32>
    %reduce_sum3A_164 = vector.multi_reduction <add>, %select_n3A, %reduce_sum3A [0] : vector<512x2048xf32> to vector<2048xf32>
    %broadcast_in_dim3A_165 = vector.shape_cast %reduce_sum3A_164 : vector<2048xf32> to vector<1x2048xf32>
    %mul3A_166 = arith.mulf %select_n3A, %select_n3A : vector<512x2048xf32>
    %reduce_sum3A_167 = arith.constant dense<0.000000e+00> : vector<2048xf32>
    %reduce_sum3A_168 = vector.multi_reduction <add>, %mul3A_166, %reduce_sum3A_167 [0] : vector<512x2048xf32> to vector<2048xf32>
    %broadcast_in_dim3A_169 = vector.shape_cast %reduce_sum3A_168 : vector<2048xf32> to vector<1x2048xf32>
    %eq3A = arith.constant 0 : i32
    %eq3A_170 = arith.cmpi eq, %arg0, %eq3A : i32
    %convert_element_type3A = arith.extui %eq3A_170 : i1 to i32
    %cond3A = arith.constant 0 : i32
    %cond3A_171 = arith.cmpi ne, %convert_element_type3A, %cond3A : i32
    scf.if %cond3A_171 {
      %swap3A_176 = arith.constant 0 : index
      %swap3A_177 = arith.constant 0 : index
      %swap3A_178 = vector.load %arg6[%swap3A_176, %swap3A_177] : memref<1x2048xf32, #tpu.memory_space<vmem>>, vector<1x2048xf32>
      tpu.vector_store %arg6[%swap3A_176, %swap3A_177], %broadcast_in_dim3A_165 {strides = array<i32>} : memref<1x2048xf32, #tpu.memory_space<vmem>>, vector<1x2048xf32>,
      %swap3A_179 = arith.constant 0 : index
      %swap3A_180 = arith.constant 0 : index
      %swap3A_181 = vector.load %arg7[%swap3A_179, %swap3A_180] : memref<1x2048xf32, #tpu.memory_space<vmem>>, vector<1x2048xf32>
      tpu.vector_store %arg7[%swap3A_179, %swap3A_180], %broadcast_in_dim3A_169 {strides = array<i32>} : memref<1x2048xf32, #tpu.memory_space<vmem>>, vector<1x2048xf32>,
    } else {
    }
    %gt3A = arith.constant 0 : i32
    %gt3A_172 = arith.cmpi sgt, %arg0, %gt3A : i32
    %convert_element_type3A_173 = arith.extui %gt3A_172 : i1 to i32
    %cond3A_174 = arith.constant 0 : i32
    %cond3A_175 = arith.cmpi ne, %convert_element_type3A_173, %cond3A_174 : i32
    scf.if %cond3A_175 {
      %get3A_176 = arith.constant 0 : index
      %get3A_177 = arith.constant 0 : index
      %get3A_178 = vector.load %arg6[%get3A_176, %get3A_177] : memref<1x2048xf32, #tpu.memory_space<vmem>>, vector<1x2048xf32>
      %add3A_179 = arith.addf %get3A_178, %broadcast_in_dim3A_165 : vector<1x2048xf32>
      %swap3A_180 = arith.constant 0 : index
      %swap3A_181 = arith.constant 0 : index
      %swap3A_182 = vector.load %arg6[%swap3A_180, %swap3A_181] : memref<1x2048xf32, #tpu.memory_space<vmem>>, vector<1x2048xf32>
      tpu.vector_store %arg6[%swap3A_180, %swap3A_181], %add3A_179 {strides = array<i32>} : memref<1x2048xf32, #tpu.memory_space<vmem>>, vector<1x2048xf32>,
      %get3A_183 = arith.constant 0 : index
      %get3A_184 = arith.constant 0 : index
      %get3A_185 = vector.load %arg7[%get3A_183, %get3A_184] : memref<1x2048xf32, #tpu.memory_space<vmem>>, vector<1x2048xf32>
      %add3A_186 = arith.addf %get3A_185, %broadcast_in_dim3A_169 : vector<1x2048xf32>
      %swap3A_187 = arith.constant 0 : index
      %swap3A_188 = arith.constant 0 : index
      %swap3A_189 = vector.load %arg7[%swap3A_187, %swap3A_188] : memref<1x2048xf32, #tpu.memory_space<vmem>>, vector<1x2048xf32>
      tpu.vector_store %arg7[%swap3A_187, %swap3A_188], %add3A_186 {strides = array<i32>} : memref<1x2048xf32, #tpu.memory_space<vmem>>, vector<1x2048xf32>,
    } else {
    }
    return
  }
  func.func @transform_0(%arg0: i32) -> (i32, i32, i32) {
    %c0_i32 = arith.constant 0 : i32
    %c0_i32_0 = arith.constant 0 : i32
    %c0_i32_1 = arith.constant 0 : i32
    return %c0_i32, %arg0, %c0_i32_0 : i32, i32, i32
  }
  func.func @transform_1(%arg0: i32) -> (i32, i32, i32) {
    %c0_i32 = arith.constant 0 : i32
    %c0_i32_0 = arith.constant 0 : i32
    %c0_i32_1 = arith.constant 0 : i32
    return %c0_i32, %arg0, %c0_i32_0 : i32, i32, i32
  }
  func.func @transform_2(%arg0: i32) -> (i32, i32, i32) {
    %c0_i32 = arith.constant 0 : i32
    %c0_i32_0 = arith.constant 0 : i32
    %c0_i32_1 = arith.constant 0 : i32
    %c0_i32_2 = arith.constant 0 : i32
    return %c0_i32, %c0_i32_0, %c0_i32_1 : i32, i32, i32
  }
  func.func @transform_3(%arg0: i32) -> (i32, i32) {
    %c0_i32 = arith.constant 0 : i32
    %c0_i32_0 = arith.constant 0 : i32
    %c0_i32_1 = arith.constant 0 : i32
    return %c0_i32, %c0_i32_0 : i32, i32
  }
  func.func @transform_4(%arg0: i32) -> (i32, i32) {
    %c0_i32 = arith.constant 0 : i32
    %c0_i32_0 = arith.constant 0 : i32
    return %arg0, %c0_i32 : i32, i32
  }
  func.func @transform_5(%arg0: i32) -> (i32, i32) {
    %c0_i32 = arith.constant 0 : i32
    %c0_i32_0 = arith.constant 0 : i32
    %c0_i32_1 = arith.constant 0 : i32
    return %c0_i32, %c0_i32_0 : i32, i32
  }
  func.func @transform_6(%arg0: i32) -> (i32, i32) {
    %c0_i32 = arith.constant 0 : i32
    %c0_i32_0 = arith.constant 0 : i32
    %c0_i32_1 = arith.constant 0 : i32
    return %c0_i32, %c0_i32_0 : i32, i32
  }
}

module attributes {stable_mosaic.version = 14 : i64} {
  func.func @_k2_body(%arg0: i32, %arg1: memref<512x2048xf32, #tpu.memory_space<vmem>>, %arg2: memref<1x2048xf32, #tpu.memory_space<vmem>>, %arg3: memref<1x2048xf32, #tpu.memory_space<vmem>>, %arg4: memref<1x2048xf32, #tpu.memory_space<vmem>>, %arg5: memref<1x2048xf32, #tpu.memory_space<vmem>>, %arg6: memref<512x2048xf32, #tpu.memory_space<vmem>>) attributes {dimension_semantics = [#tpu.dimension_semantics<arbitrary>], iteration_bounds = array<i64: 20>, scalar_prefetch = 0 : i64, scratch_operands = 0 : i64, tpu.core_type = #tpu.core_type<tc>, window_params = [{transform_indices = @transform_0, window_bounds = array<i64: 512, 2048>}, {pipeline_mode = #tpu.pipeline_mode<synchronous>, transform_indices = @transform_1, window_bounds = array<i64: 1, 2048>}, {pipeline_mode = #tpu.pipeline_mode<synchronous>, transform_indices = @transform_2, window_bounds = array<i64: 1, 2048>}, {pipeline_mode = #tpu.pipeline_mode<synchronous>, transform_indices = @transform_3, window_bounds = array<i64: 1, 2048>}, {pipeline_mode = #tpu.pipeline_mode<synchronous>, transform_indices = @transform_4, window_bounds = array<i64: 1, 2048>}, {transform_indices = @transform_5, window_bounds = array<i64: 512, 2048>}]} {
    %get3A = arith.constant 0 : index
    %get3A_0 = arith.constant 0 : index
    %get3A_1 = vector.load %arg2[%get3A, %get3A_0] : memref<1x2048xf32, #tpu.memory_space<vmem>>, vector<1x2048xf32>
    %div3A = arith.constant 1.000000e+04 : f32
    %div3A_2 = vector.broadcast %div3A : f32 to vector<1x2048xf32>
    %div3A_3 = arith.divf %get3A_1, %div3A_2 : vector<1x2048xf32>
    %get3A_4 = arith.constant 0 : index
    %get3A_5 = arith.constant 0 : index
    %get3A_6 = vector.load %arg3[%get3A_4, %get3A_5] : memref<1x2048xf32, #tpu.memory_space<vmem>>, vector<1x2048xf32>
    %div3A_7 = arith.constant 1.000000e+04 : f32
    %div3A_8 = vector.broadcast %div3A_7 : f32 to vector<1x2048xf32>
    %div3A_9 = arith.divf %get3A_6, %div3A_8 : vector<1x2048xf32>
    %mul3A = arith.mulf %div3A_3, %div3A_3 : vector<1x2048xf32>
    %sub3A = arith.subf %div3A_9, %mul3A : vector<1x2048xf32>
    %add3A = arith.constant 9.99999974E-6 : f32
    %add3A_10 = vector.broadcast %add3A : f32 to vector<1x2048xf32>
    %add3A_11 = arith.addf %sub3A, %add3A_10 : vector<1x2048xf32>
    %rsqrt3A = math.rsqrt %add3A_11 : vector<1x2048xf32>
    %get3A_12 = arith.constant 0 : index
    %get3A_13 = arith.constant 0 : index
    %get3A_14 = vector.load %arg4[%get3A_12, %get3A_13] : memref<1x2048xf32, #tpu.memory_space<vmem>>, vector<1x2048xf32>
    %mul3A_15 = arith.mulf %rsqrt3A, %get3A_14 : vector<1x2048xf32>
    %get3A_16 = arith.constant 0 : index
    %get3A_17 = arith.constant 0 : index
    %get3A_18 = vector.load %arg1[%get3A_16, %get3A_17] : memref<512x2048xf32, #tpu.memory_space<vmem>>, vector<512x2048xf32>
    %sub3A_19 = vector.broadcast %div3A_3 : vector<1x2048xf32> to vector<512x2048xf32>
    %sub3A_20 = arith.subf %get3A_18, %sub3A_19 : vector<512x2048xf32>
    %mul3A_21 = vector.broadcast %mul3A_15 : vector<1x2048xf32> to vector<512x2048xf32>
    %mul3A_22 = arith.mulf %sub3A_20, %mul3A_21 : vector<512x2048xf32>
    %get3A_23 = arith.constant 0 : index
    %get3A_24 = arith.constant 0 : index
    %get3A_25 = vector.load %arg5[%get3A_23, %get3A_24] : memref<1x2048xf32, #tpu.memory_space<vmem>>, vector<1x2048xf32>
    %add3A_26 = vector.broadcast %get3A_25 : vector<1x2048xf32> to vector<512x2048xf32>
    %add3A_27 = arith.addf %mul3A_22, %add3A_26 : vector<512x2048xf32>
    %swap3A = arith.constant 0 : index
    %swap3A_28 = arith.constant 0 : index
    %swap3A_29 = vector.load %arg6[%swap3A, %swap3A_28] : memref<512x2048xf32, #tpu.memory_space<vmem>>, vector<512x2048xf32>
    tpu.vector_store %arg6[%swap3A, %swap3A_28], %add3A_27 {strides = array<i32>} : memref<512x2048xf32, #tpu.memory_space<vmem>>, vector<512x2048xf32>,
    return
  }
  func.func @transform_0(%arg0: i32) -> (i32, i32) {
    %c0_i32 = arith.constant 0 : i32
    %c0_i32_0 = arith.constant 0 : i32
    return %arg0, %c0_i32 : i32, i32
  }
  func.func @transform_1(%arg0: i32) -> (i32, i32) {
    %c0_i32 = arith.constant 0 : i32
    %c0_i32_0 = arith.constant 0 : i32
    %c0_i32_1 = arith.constant 0 : i32
    return %c0_i32, %c0_i32_0 : i32, i32
  }
  func.func @transform_2(%arg0: i32) -> (i32, i32) {
    %c0_i32 = arith.constant 0 : i32
    %c0_i32_0 = arith.constant 0 : i32
    %c0_i32_1 = arith.constant 0 : i32
    return %c0_i32, %c0_i32_0 : i32, i32
  }
  func.func @transform_3(%arg0: i32) -> (i32, i32) {
    %c0_i32 = arith.constant 0 : i32
    %c0_i32_0 = arith.constant 0 : i32
    %c0_i32_1 = arith.constant 0 : i32
    return %c0_i32, %c0_i32_0 : i32, i32
  }
  func.func @transform_4(%arg0: i32) -> (i32, i32) {
    %c0_i32 = arith.constant 0 : i32
    %c0_i32_0 = arith.constant 0 : i32
    %c0_i32_1 = arith.constant 0 : i32
    return %c0_i32, %c0_i32_0 : i32, i32
  }
  func.func @transform_5(%arg0: i32) -> (i32, i32) {
    %c0_i32 = arith.constant 0 : i32
    %c0_i32_0 = arith.constant 0 : i32
    return %arg0, %c0_i32 : i32, i32
  }
}

module attributes {stable_mosaic.version = 14 : i64} {
  func.func @_pool_body(%arg0: i32, %arg1: memref<512x2048xf32, #tpu.memory_space<vmem>>, %arg2: memref<1x1x512xi32, #tpu.memory_space<vmem>>, %arg3: memref<2048x1024xf32, #tpu.memory_space<vmem>>, %arg4: memref<1x1024xf32, #tpu.memory_space<vmem>>, %arg5: memref<1024x512xf32, #tpu.memory_space<vmem>>, %arg6: memref<1x512xf32, #tpu.memory_space<vmem>>, %arg7: memref<512x128xf32, #tpu.memory_space<vmem>>, %arg8: memref<1x128xf32, #tpu.memory_space<vmem>>, %arg9: memref<64x128xf32, #tpu.memory_space<vmem>>, %arg10: memref<64x2048xf32, #tpu.memory_space<vmem>>, %arg11: memref<64x128xf32, #tpu.memory_space<vmem>>) attributes {dimension_semantics = [#tpu.dimension_semantics<arbitrary>], iteration_bounds = array<i64: 20>, scalar_prefetch = 0 : i64, scratch_operands = 2 : i64, tpu.core_type = #tpu.core_type<tc>, window_params = [{transform_indices = @transform_0, window_bounds = array<i64: 512, 2048>}, {transform_indices = @transform_1, window_bounds = array<i64: 1, 1, 512>}, {pipeline_mode = #tpu.pipeline_mode<synchronous>, transform_indices = @transform_2, window_bounds = array<i64: 2048, 1024>}, {pipeline_mode = #tpu.pipeline_mode<synchronous>, transform_indices = @transform_3, window_bounds = array<i64: 1, 1024>}, {pipeline_mode = #tpu.pipeline_mode<synchronous>, transform_indices = @transform_4, window_bounds = array<i64: 1024, 512>}, {pipeline_mode = #tpu.pipeline_mode<synchronous>, transform_indices = @transform_5, window_bounds = array<i64: 1, 512>}, {pipeline_mode = #tpu.pipeline_mode<synchronous>, transform_indices = @transform_6, window_bounds = array<i64: 512, 128>}, {pipeline_mode = #tpu.pipeline_mode<synchronous>, transform_indices = @transform_7, window_bounds = array<i64: 1, 128>}, {pipeline_mode = #tpu.pipeline_mode<synchronous>, transform_indices = @transform_8, window_bounds = array<i64: 64, 128>}]} {
    %eq3A = arith.constant 0 : i32
    %eq3A_0 = arith.cmpi eq, %arg0, %eq3A : i32
    %convert_element_type3A = arith.extui %eq3A_0 : i1 to i32
    %cond3A = arith.constant 0 : i32
    %cond3A_1 = arith.cmpi ne, %convert_element_type3A, %cond3A : i32
    scf.if %cond3A_1 {
      %broadcast_in_dim3A_35 = arith.constant 0.000000e+00 : f32
      %broadcast_in_dim3A_36 = vector.broadcast %broadcast_in_dim3A_35 : f32 to vector<64x2048xf32>
      %swap3A_37 = arith.constant 0 : index
      %swap3A_38 = arith.constant 0 : index
      %swap3A_39 = vector.load %arg10[%swap3A_37, %swap3A_38] : memref<64x2048xf32, #tpu.memory_space<vmem>>, vector<64x2048xf32>
      tpu.vector_store %arg10[%swap3A_37, %swap3A_38], %broadcast_in_dim3A_36 {strides = array<i32>} : memref<64x2048xf32, #tpu.memory_space<vmem>>, vector<64x2048xf32>,
      %broadcast_in_dim3A_40 = arith.constant 0.000000e+00 : f32
      %broadcast_in_dim3A_41 = vector.broadcast %broadcast_in_dim3A_40 : f32 to vector<64x128xf32>
      %swap3A_42 = arith.constant 0 : index
      %swap3A_43 = arith.constant 0 : index
      %swap3A_44 = vector.load %arg11[%swap3A_42, %swap3A_43] : memref<64x128xf32, #tpu.memory_space<vmem>>, vector<64x128xf32>
      tpu.vector_store %arg11[%swap3A_42, %swap3A_43], %broadcast_in_dim3A_41 {strides = array<i32>} : memref<64x128xf32, #tpu.memory_space<vmem>>, vector<64x128xf32>,
    } else {
    }
    %iota3A = tpu.iota {dimensions = array<i32: 0>} : vector<64x512xi32>
    %get3A = arith.constant 0 : index
    %get3A_2 = arith.constant 0 : index
    %get3A_3 = arith.constant 0 : index
    %get3A_4 = vector.load %arg2[%get3A, %get3A_2, %get3A_3] : memref<1x1x512xi32, #tpu.memory_space<vmem>>, vector<1x1x512xi32>
    %get3A_5 = vector.shape_cast %get3A_4 : vector<1x1x512xi32> to vector<1x512xi32>
    %eq3A_6 = vector.broadcast %get3A_5 : vector<1x512xi32> to vector<64x512xi32>
    %eq3A_7 = arith.cmpi eq, %iota3A, %eq3A_6 : vector<64x512xi32>
    %jit3A = arith.constant 1.000000e+00 : f32
    %jit3A_8 = arith.constant 0.000000e+00 : f32
    %broadcast_in_dim3A = vector.broadcast %jit3A : f32 to vector<64x512xf32>
    %broadcast_in_dim3A_9 = vector.broadcast %jit3A_8 : f32 to vector<64x512xf32>
    %select_n3A = arith.select %eq3A_7, %broadcast_in_dim3A, %broadcast_in_dim3A_9 : vector<64x512xi1>, vector<64x512xf32>
    %get3A_10 = arith.constant 0 : index
    %get3A_11 = arith.constant 0 : index
    %get3A_12 = vector.load %arg10[%get3A_10, %get3A_11] : memref<64x2048xf32, #tpu.memory_space<vmem>>, vector<64x2048xf32>
    %get3A_13 = arith.constant 0 : index
    %get3A_14 = arith.constant 0 : index
    %get3A_15 = vector.load %arg1[%get3A_13, %get3A_14] : memref<512x2048xf32, #tpu.memory_space<vmem>>, vector<512x2048xf32>
    %dot_general3A = arith.constant dense<0.000000e+00> : vector<64x2048xf32>
    %dot_general3A_16 = tpu.matmul %select_n3A, %get3A_15, %dot_general3A {dimension_numbers = #tpu.dot_dimension_numbers<[1], [0], [0], [1], [0, 0, 1, 1], [], []>, transpose_lhs_hint = false} : vector<64x512xf32>, vector<512x2048xf32>, vector<64x2048xf32> -> vector<64x2048xf32>
    %add3A = arith.addf %get3A_12, %dot_general3A_16 : vector<64x2048xf32>
    %swap3A = arith.constant 0 : index
    %swap3A_17 = arith.constant 0 : index
    %swap3A_18 = vector.load %arg10[%swap3A, %swap3A_17] : memref<64x2048xf32, #tpu.memory_space<vmem>>, vector<64x2048xf32>
    tpu.vector_store %arg10[%swap3A, %swap3A_17], %add3A {strides = array<i32>} : memref<64x2048xf32, #tpu.memory_space<vmem>>, vector<64x2048xf32>,
    %reduce_sum3A = arith.constant dense<0.000000e+00> : vector<64xf32>
    %reduce_sum3A_19 = vector.multi_reduction <add>, %select_n3A, %reduce_sum3A [1] : vector<64x512xf32> to vector<64xf32>
    %broadcast_in_dim3A_20 = vector.shape_cast %reduce_sum3A_19 : vector<64xf32> to vector<64x1xf32>
    %get3A_21 = arith.constant 0 : index
    %get3A_22 = arith.constant 0 : index
    %get3A_23 = vector.load %arg11[%get3A_21, %get3A_22] : memref<64x128xf32, #tpu.memory_space<vmem>>, vector<64x128xf32>
    %broadcast_in_dim3A_24 = vector.shape_cast %broadcast_in_dim3A_20 : vector<64x1xf32> to vector<64x1xf32>
    %broadcast_in_dim3A_25 = vector.broadcast %broadcast_in_dim3A_24 : vector<64x1xf32> to vector<64x128xf32>
    %add3A_26 = arith.addf %get3A_23, %broadcast_in_dim3A_25 : vector<64x128xf32>
    %swap3A_27 = arith.constant 0 : index
    %swap3A_28 = arith.constant 0 : index
    %swap3A_29 = vector.load %arg11[%swap3A_27, %swap3A_28] : memref<64x128xf32, #tpu.memory_space<vmem>>, vector<64x128xf32>
    tpu.vector_store %arg11[%swap3A_27, %swap3A_28], %add3A_26 {strides = array<i32>} : memref<64x128xf32, #tpu.memory_space<vmem>>, vector<64x128xf32>,
    %eq3A_30 = arith.constant 19 : i32
    %eq3A_31 = arith.cmpi eq, %arg0, %eq3A_30 : i32
    %convert_element_type3A_32 = arith.extui %eq3A_31 : i1 to i32
    %cond3A_33 = arith.constant 0 : i32
    %cond3A_34 = arith.cmpi ne, %convert_element_type3A_32, %cond3A_33 : i32
    scf.if %cond3A_34 {
      %get3A_35 = arith.constant 0 : index
      %get3A_36 = arith.constant 0 : index
      %get3A_37 = vector.load %arg11[%get3A_35, %get3A_36] : memref<64x128xf32, #tpu.memory_space<vmem>>, vector<64x1xf32>
      %max3A = arith.constant 1.000000e+00 : f32
      %max3A_38 = vector.broadcast %max3A : f32 to vector<64x1xf32>
      %max3A_39 = arith.maximumf %get3A_37, %max3A_38 : vector<64x1xf32>
      %get3A_40 = arith.constant 0 : index
      %get3A_41 = arith.constant 0 : index
      %get3A_42 = vector.load %arg10[%get3A_40, %get3A_41] : memref<64x2048xf32, #tpu.memory_space<vmem>>, vector<64x2048xf32>
      %div3A = vector.broadcast %max3A_39 : vector<64x1xf32> to vector<64x2048xf32>
      %div3A_43 = arith.divf %get3A_42, %div3A : vector<64x2048xf32>
      %get3A_44 = arith.constant 0 : index
      %get3A_45 = arith.constant 0 : index
      %get3A_46 = vector.load %arg3[%get3A_44, %get3A_45] : memref<2048x1024xf32, #tpu.memory_space<vmem>>, vector<2048x1024xf32>
      %dot_general3A_47 = arith.constant dense<0.000000e+00> : vector<64x1024xf32>
      %dot_general3A_48 = tpu.matmul %div3A_43, %get3A_46, %dot_general3A_47 {dimension_numbers = #tpu.dot_dimension_numbers<[1], [0], [0], [1], [0, 0, 1, 1], [], []>, transpose_lhs_hint = false} : vector<64x2048xf32>, vector<2048x1024xf32>, vector<64x1024xf32> -> vector<64x1024xf32>
      %get3A_49 = arith.constant 0 : index
      %get3A_50 = arith.constant 0 : index
      %get3A_51 = vector.load %arg4[%get3A_49, %get3A_50] : memref<1x1024xf32, #tpu.memory_space<vmem>>, vector<1x1024xf32>
      %add3A_52 = vector.broadcast %get3A_51 : vector<1x1024xf32> to vector<64x1024xf32>
      %add3A_53 = arith.addf %dot_general3A_48, %add3A_52 : vector<64x1024xf32>
      %max3A_54 = arith.constant 0.000000e+00 : f32
      %max3A_55 = vector.broadcast %max3A_54 : f32 to vector<64x1024xf32>
      %max3A_56 = arith.maximumf %add3A_53, %max3A_55 : vector<64x1024xf32>
      %get3A_57 = arith.constant 0 : index
      %get3A_58 = arith.constant 0 : index
      %get3A_59 = vector.load %arg5[%get3A_57, %get3A_58] : memref<1024x512xf32, #tpu.memory_space<vmem>>, vector<1024x512xf32>
      %dot_general3A_60 = arith.constant dense<0.000000e+00> : vector<64x512xf32>
      %dot_general3A_61 = tpu.matmul %max3A_56, %get3A_59, %dot_general3A_60 {dimension_numbers = #tpu.dot_dimension_numbers<[1], [0], [0], [1], [0, 0, 1, 1], [], []>, transpose_lhs_hint = false} : vector<64x1024xf32>, vector<1024x512xf32>, vector<64x512xf32> -> vector<64x512xf32>
      %get3A_62 = arith.constant 0 : index
      %get3A_63 = arith.constant 0 : index
      %get3A_64 = vector.load %arg6[%get3A_62, %get3A_63] : memref<1x512xf32, #tpu.memory_space<vmem>>, vector<1x512xf32>
      %add3A_65 = vector.broadcast %get3A_64 : vector<1x512xf32> to vector<64x512xf32>
      %add3A_66 = arith.addf %dot_general3A_61, %add3A_65 : vector<64x512xf32>
      %max3A_67 = arith.constant 0.000000e+00 : f32
      %max3A_68 = vector.broadcast %max3A_67 : f32 to vector<64x512xf32>
      %max3A_69 = arith.maximumf %add3A_66, %max3A_68 : vector<64x512xf32>
      %get3A_70 = arith.constant 0 : index
      %get3A_71 = arith.constant 0 : index
      %get3A_72 = vector.load %arg7[%get3A_70, %get3A_71] : memref<512x128xf32, #tpu.memory_space<vmem>>, vector<512x128xf32>
      %dot_general3A_73 = arith.constant dense<0.000000e+00> : vector<64x128xf32>
      %dot_general3A_74 = tpu.matmul %max3A_69, %get3A_72, %dot_general3A_73 {dimension_numbers = #tpu.dot_dimension_numbers<[1], [0], [0], [1], [0, 0, 1, 1], [], []>, transpose_lhs_hint = false} : vector<64x512xf32>, vector<512x128xf32>, vector<64x128xf32> -> vector<64x128xf32>
      %get3A_75 = arith.constant 0 : index
      %get3A_76 = arith.constant 0 : index
      %get3A_77 = vector.load %arg8[%get3A_75, %get3A_76] : memref<1x128xf32, #tpu.memory_space<vmem>>, vector<1x128xf32>
      %add3A_78 = vector.broadcast %get3A_77 : vector<1x128xf32> to vector<64x128xf32>
      %add3A_79 = arith.addf %dot_general3A_74, %add3A_78 : vector<64x128xf32>
      %swap3A_80 = arith.constant 0 : index
      %swap3A_81 = arith.constant 0 : index
      %swap3A_82 = vector.load %arg9[%swap3A_80, %swap3A_81] : memref<64x128xf32, #tpu.memory_space<vmem>>, vector<64x128xf32>
      tpu.vector_store %arg9[%swap3A_80, %swap3A_81], %add3A_79 {strides = array<i32>} : memref<64x128xf32, #tpu.memory_space<vmem>>, vector<64x128xf32>,
    } else {
    }
    return
  }
  func.func @transform_0(%arg0: i32) -> (i32, i32) {
    %c0_i32 = arith.constant 0 : i32
    %c0_i32_0 = arith.constant 0 : i32
    return %arg0, %c0_i32 : i32, i32
  }
  func.func @transform_1(%arg0: i32) -> (i32, i32, i32) {
    %c0_i32 = arith.constant 0 : i32
    %c0_i32_0 = arith.constant 0 : i32
    %c0_i32_1 = arith.constant 0 : i32
    return %arg0, %c0_i32, %c0_i32_0 : i32, i32, i32
  }
  func.func @transform_2(%arg0: i32) -> (i32, i32) {
    %c0_i32 = arith.constant 0 : i32
    %c0_i32_0 = arith.constant 0 : i32
    %c0_i32_1 = arith.constant 0 : i32
    return %c0_i32, %c0_i32_0 : i32, i32
  }
  func.func @transform_3(%arg0: i32) -> (i32, i32) {
    %c0_i32 = arith.constant 0 : i32
    %c0_i32_0 = arith.constant 0 : i32
    %c0_i32_1 = arith.constant 0 : i32
    return %c0_i32, %c0_i32_0 : i32, i32
  }
  func.func @transform_4(%arg0: i32) -> (i32, i32) {
    %c0_i32 = arith.constant 0 : i32
    %c0_i32_0 = arith.constant 0 : i32
    %c0_i32_1 = arith.constant 0 : i32
    return %c0_i32, %c0_i32_0 : i32, i32
  }
  func.func @transform_5(%arg0: i32) -> (i32, i32) {
    %c0_i32 = arith.constant 0 : i32
    %c0_i32_0 = arith.constant 0 : i32
    %c0_i32_1 = arith.constant 0 : i32
    return %c0_i32, %c0_i32_0 : i32, i32
  }
  func.func @transform_6(%arg0: i32) -> (i32, i32) {
    %c0_i32 = arith.constant 0 : i32
    %c0_i32_0 = arith.constant 0 : i32
    %c0_i32_1 = arith.constant 0 : i32
    return %c0_i32, %c0_i32_0 : i32, i32
  }
  func.func @transform_7(%arg0: i32) -> (i32, i32) {
    %c0_i32 = arith.constant 0 : i32
    %c0_i32_0 = arith.constant 0 : i32
    %c0_i32_1 = arith.constant 0 : i32
    return %c0_i32, %c0_i32_0 : i32, i32
  }
  func.func @transform_8(%arg0: i32) -> (i32, i32) {
    %c0_i32 = arith.constant 0 : i32
    %c0_i32_0 = arith.constant 0 : i32
    %c0_i32_1 = arith.constant 0 : i32
    return %c0_i32, %c0_i32_0 : i32, i32
  }
}

</mosaic_0001>

<sc_bundles>
// kernel: kernel.13.cloned.1.call-start
scs
__scs_entry_jumppad:
0x0: {  	(pc) =	sbr.rel $0x88, $3  }
0x1: {  	(tag) =	ssettag $0x0;
	lr =	simm.s32 $0x1  }
0x2: {  	[smem:$0x3F81] =	sst lr;
	_ =	strace $0xD0000000  }
0x3: {  	_ = 	snop  }
0x4: {  	_ = 	snop  }
0x5: {  	_ = 	snop  }
0x6: {  	_ = 	snop  }
0x7: {  	_ = 	snop  }
__scs_overlays_trampoline_lowered:
0x8: {  	[smem:$0x3F90] =	sst s0  }
0x9: {  	[smem:$0x3F91] =	sst s1  }
0xa: {  	[smem:$0x3F92] =	sst s2  }
0xb: {  	[smem:$0x3F93] =	sst s3  }
0xc: {  	[smem:$0x3F94] =	sst s4  }
0xd: {  	[smem:$0x3F95] =	sst s5  }
0xe: {  	[smem:$0x3F96] =	sst s6  }
0xf: {  	[smem:$0x3F97] =	sst s7  }
0x10: {  	[smem:$0x3F98] =	sst s8  }
0x11: {  	[smem:$0x3F99] =	sst s9;
	s0 =	simm.s32 @!p0 $0x0  }
0x12: {  	s1 =	sld [smem:$0x3F7F];
	s0 =	simm.s32 @p0 $0x1  }
0x13: {  	[smem:$0x3F9A] =	sst s0;
	s0 =	simm.s32 @!p1 $0x0  }
0x14: {  	s2 =	sld [smem:$0x3F7E];
	s0 =	simm.s32 @p1 $0x1  }
0x15: {  	[smem:$0x3F9B] =	sst s0;
	s0 =	simm.s32 @!p2 $0x0  }
0x16: {  	s3 =	sld [smem:$0x3FDB];
	s0 =	simm.s32 @p2 $0x1  }
0x17: {  	s4 =	simm.s32 $0x1BF5;
	[smem:$0x3F9D] =	sst s0  }
0x18: {  	s0 =	sld [smem:$0x3F80];
	_ =	swait.ge [sflag:s4], $0x0  }
0x19: {  	s7 =	sld [smem:$0x3F81]  }
0x1a: {  	s8 =	sadd.s32 $0xFFFFE003, lr  }
0x1b: {  	s9 =	sadd.s32 $0xFFFFFEF7, lr;
	s5 =	simm.s32 $0xFFFFFFFF;
	p2 =	slt.u32 s8, $0xFFFFF086  }
0x1c: {  	p1 =	slt.u32 s9, $0xF7A;
	s5 =	simm.s32 @!p2 $0x0  }
0x1d: {  	s5 =	simm.s32 @p1 $0x1;
	p0 =	seq.s32 s7, s2  }
0x1e: {  	s7 =	smul.u32 @!p0 $0xF7A, s2;
	p2 =	seq.s32 @!p0 s5, $0x0  }
0x1f: {  	s9 =	smul.u32 $0xF7A, s1;
	s8 =	simm.s32 @!p0 $0x1BF5;
	p2 =	por !p2, p0  }
0x20: {  	[sflag:s8] =	ssyncset.s32 @!p0 $0xFFFFF086;
	s6 =	sadd.s32 @!p0 s3, s7;
	s7 =	simm.s32 @!p0 $0x108  }
0x21: {  	s3 =	sadd.s32 s3, s9;
	s6 =	sadd.s32 @!p0 $0x88, s6;
	s7 =	simm.s32 @p2 $0x1082  }
0x22: {  	[simem:s7], [sflag:s8] =	dma.local @!p0 [hbm:s6], $0xF7A  }
0x23: {  	s9 =	sor.u32 $0xD0000000, s2;
	s6 =	simm.s32 $0x108;
	_ =	swait.ge @!p0 [sflag:s8], $0x0  }
0x24: {  	s3 =	sadd.s32 $0x88, s3;
	s6 =	simm.s32 @!p1 $0x1082;
	[sflag:s4] =	ssyncset.s32 $0xFFFFF086  }
0x25: {  	[simem:s6], [sflag:s4] =	dma.local [hbm:s3], $0xF7A  }
0x26: {  	[smem:$0x3F81] =	sst s1;
	(tag) =	ssettag s2;
	_ =	strace s9  }
0x27: {  	s1 =	sld [smem:$0x3F91]  }
0x28: {  	s2 =	sld [smem:$0x3F92]  }
0x29: {  	s4 =	sld [smem:$0x3F94]  }
0x2a: {  	p0 =	seq.s32 s5, $0x0;
	s5 =	sld [smem:$0x3F95]  }
0x2b: {  	s6 =	sld [smem:$0x3F96]  }
0x2c: {  	s7 =	sld [smem:$0x3F97]  }
0x2d: {  	s3 =	simm.s32 $0x108;
	s8 =	sld [smem:$0x3F98]  }
0x2e: {  	s3 =	simm.s32 @!p0 $0x1082;
	s9 =	sld [smem:$0x3F99]  }
0x2f: {  	lr =	sadd.s32 s0, s3;
	s0 =	sld [smem:$0x3F90]  }
0x30: {  	s3 =	sld [smem:$0x3F93]  }
0x31: {  	[smem:$0x3F9C] =	sst s10  }
0x32: {  	s10 =	sld [smem:$0x3F9A];
	_ =	sdelay $0x3  }
0x33: {  	p0 =	seq.s32 s10, $0x1;
	s10 =	sld [smem:$0x3F9C];
	_ =	sdelay $0x3  }
0x34: {  	[smem:$0x3F9C] =	sst s10  }
0x35: {  	s10 =	sld [smem:$0x3F9B];
	_ =	sdelay $0x3  }
0x36: {  	p1 =	seq.s32 s10, $0x1;
	s10 =	sld [smem:$0x3F9C];
	_ =	sdelay $0x3  }
0x37: {  	[smem:$0x3F9C] =	sst s10  }
0x38: {  	s10 =	sld [smem:$0x3F9D]  }
0x39: {  	_ = 	snop;
	(pc) =	sbr.ind lr, $3  }
0x3a: {  	_ = 	snop  }
0x3b: {  	_ = 	snop  }
0x3c: {  	p2 =	seq.s32 s10, $0x1;
	s10 =	sld [smem:$0x3F9C]  }
0x3d: {  	_ =	shalt  }
0x3e: {  	_ =	shalt  }
0x3f: {  	_ =	shalt  }
0x40: {  	_ =	shalt  }
0x41: {  	_ =	shalt  }
0x42: {  	_ =	shalt  }
0x43: {  	_ =	shalt  }
0x44: {  	_ =	shalt  }
0x45: {  	_ =	shalt  }
0x46: {  	_ =	shalt  }
0x47: {  	_ =	shalt  }
0x48: {  	_ =	shalt  }
0x49: {  	_ =	shalt  }
0x4a: {  	_ =	shalt  }
0x4b: {  	_ =	shalt  }
0x4c: {  	_ =	shalt  }
0x4d: {  	_ =	shalt  }
0x4e: {  	_ =	shalt  }
0x4f: {  	_ =	shalt  }
0x50: {  	_ =	shalt  }
0x51: {  	_ =	shalt  }
0x52: {  	_ =	shalt  }
0x53: {  	_ =	shalt  }
0x54: {  	_ =	shalt  }
0x55: {  	_ =	shalt  }
0x56: {  	_ =	shalt  }
0x57: {  	_ =	shalt  }
0x58: {  	_ =	shalt  }
0x59: {  	_ =	shalt  }
0x5a: {  	_ =	shalt  }
0x5b: {  	_ =	shalt  }
0x5c: {  	_ =	shalt  }
0x5d: {  	_ =	shalt  }
0x5e: {  	_ =	shalt  }
0x5f: {  	_ =	shalt  }
0x60: {  	_ =	shalt  }
0x61: {  	_ =	shalt  }
0x62: {  	_ =	shalt  }
0x63: {  	_ =	shalt  }
0x64: {  	_ =	shalt  }
0x65: {  	_ =	shalt  }
0x66: {  	_ =	shalt  }
0x67: {  	_ =	shalt  }
0x68: {  	_ =	shalt  }
0x69: {  	_ =	shalt  }
0x6a: {  	_ =	shalt  }
0x6b: {  	_ =	shalt  }
0x6c: {  	_ =	shalt  }
0x6d: {  	_ =	shalt  }
0x6e: {  	_ =	shalt  }
0x6f: {  	_ =	shalt  }
0x70: {  	_ =	shalt  }
0x71: {  	_ =	shalt  }
0x72: {  	_ =	shalt  }
0x73: {  	_ =	shalt  }
0x74: {  	_ =	shalt  }
0x75: {  	_ =	shalt  }
0x76: {  	_ =	shalt  }
0x77: {  	_ =	shalt  }
0x78: {  	_ =	shalt  }
0x79: {  	_ =	shalt  }
0x7a: {  	_ =	shalt  }
0x7b: {  	_ =	shalt  }
0x7c: {  	_ =	shalt  }
0x7d: {  	_ =	shalt  }
0x7e: {  	_ =	shalt  }
0x7f: {  	_ =	shalt  }
0x80: {  	_ =	shalt  }
0x81: {  	_ =	shalt  }
0x82: {  	_ =	shalt  }
0x83: {  	_ =	shalt  }
0x84: {  	_ =	shalt  }
0x85: {  	_ =	shalt  }
0x86: {  	_ =	shalt  }
0x87: {  	_ =	shalt  }
.Lfunc_end0:
.L_simem_size_0:
called_computation_lowered:
.L_overlay_start_0:
0x88: {  	s2 =	sld [smem:$0x3FD9]  }
0x89: {  	s3 =	sld [smem:$0x3FFE];
	_ =	sdelay $0x1  }
0x8a: {  	s1 =	srdreg.scid  }
0x8b: {  	s0 =	sand.u32 $0x1, s1  }
0x8c: {  	s16 =	sshll.u32 s0, $0xA;
	s2 =	sadd.s32 s3, s2  }
0x8d: {  	s2 =	sadd.s32 s2, s16  }
0x8e: {  	[smem:$0x3FA8] =	sst s2  }
0x8f: {  	_ = 	snop  }
0x90: {  	(tm) =	ssettm $0x1  }
0x91: {  	s17 =	sld [smem:$0x3FFB];
	_ =	sdelay $0x3  }
0x92: {  	_ =	strace s17  }
0x93: {  	s2 =	sld [smem:$0x3FFC];
	_ =	sdelay $0x3  }
0x94: {  	_ =	strace s2  }
0x95: {  	s2 =	sld [smem:$0x3FFD];
	_ =	sdelay $0x3  }
0x96: {  	_ =	strace s2  }
0x97: {  	_ =	strace $0x8FFFFFFF  }
0x98: {  	s18 =	sld [smem:$0x3FDB];
	_ =	sdelay $0x1  }
0x99: {  	s19 =	simm.s32 $_scs_section_size  }
0x9a: {  	s4 =	simm.s32 $_size__tile_overlayer_lowered;
	s5 =	simm.s32 $_tile_overlayer_lowered  }
0x9b: {  	s22 =	simm.s32 $0x1BFF;
	s21 =	sshll.u32 s5, $0x1;
	s2 =	sadd.s32 s19, s18  }
0x9c: {  	s6 =	simm.s32 $0x0;
	s20 =	sshll.u32 s4, $0x1;
	s4 =	sadd.s32 s21, s2  }
0x9d: {  	[timem:s6], [sflag:s22] =	dma.local [hbm:s4], s20  }
0x9e: {  	_ =	swait.ge [sflag:s22], s20  }
0x9f: {  	s3 =	ssub.s32 $0x0, s20;
	[sflag:s22] =	ssyncset.done $0x0  }
0xa0: {  	[sflag:s22] =	ssyncadd.s32 s3;
	_ =	sdelay $0x1  }
0xa1: {  	s23 =	simm.s32 $0x1B8B  }
0xa2: {  	_ =	swait.ge [sflag:s23], $0x1  }
0xa3: {  	[sflag:s23] =	ssyncset.done $0x0  }
0xa4: {  	s25 =	simm.s32 $0x1B8E;
	s24 =	sld [smem:$0x3FFE];
	[sflag:s23] =	ssyncadd.s32 $0xFFFFFFFF  }
0xa5: {  	s26 =	simm.s32 $execute0_lowered;
	[smem:$0x3FD2] =	sst s25  }
0xa6: {  	s4 =	sshll.u32 s26, $0x1;
	_ =	strace $0x80000046;
	[dreg:$0x1] =	wrdreg $0xFFFFFFFF  }
0xa7: {  	s28 =	simm.s32 $_size_execute0_lowered;
	s2 =	sadd.s32 s2, s4;
	[dreg:$0x0] =	wrdreg $0x0  }
0xa8: {  	s4 =	sshll.u32 s28, $0x1;
	[dreg:$0x2] =	wrdreg s2  }
0xa9: {  	[dreg:$0x3] =	wrdreg s4  }
0xaa: {  	[dreg:$0x4] =	wrdreg $0xC0  }
0xab: {  	_ =	task [dreg:s6], $0x5FFFF  }
0xac: {  	[dreg:$0x1] =	wrdreg $0xFFFFFFFF  }
0xad: {  	[dreg:$0x0] =	wrdreg $0x60  }
0xae: {  	[dreg:$0x2] =	wrdreg s24  }
0xaf: {  	[dreg:$0x3] =	wrdreg $0xA8000  }
0xb0: {  	[dreg:$0x4] =	wrdreg $0x9  }
0xb1: {  	_ =	task.clear_ibuf [dreg:s6], $0x5FFFF;
	_ =	strace $0x90000046  }
0xb2: {  	s29 =	simm.s32 $0x9;
	_ =	strace $0x80000048  }
0xb3: {  	_ =	swait.ge [sflag:s29], $0x1  }
0xb4: {  	[sflag:s29] =	ssyncadd.s32 $0xFFFFFFFF  }
0xb5: {  	_ =	strace $0x90000048  }
0xb6: {  	_ =	sfence  }
0xb7: {  	s30 =	sld [smem:$0x0];
	_ =	sdelay $0x2  }
0xb8: {  	s31 =	sshll.u32 s1, $0xD;
	s1 =	sshrl.u32 s1, $0x2  }
0xb9: {  	s3 =	sand.u32 $0x4000, s31;
	s1 =	sadd.s32 s1, s30  }
0xba: {  	s0 =	sor.u32 s3, s0;
	s1 =	sshll.u32 s1, $0x11  }
0xbb: {  	s0 =	sor.u32 s1, s0  }
0xbc: {  	s0 =	sadd.s32 $0x8F2B, s0  }
0xbd: {  	[sflag:s0] =	ssyncadd.remote.s32 $0x1  }
0xbe: {  	_ =	sfence.sel $0xFFFF  }
0xbf: {  	[dreg:$0x0] =	wrdreg $0xFFFFFFFF;
	(pc) =	sbr.abs _section_cstart, $3  }
0xc0: {  	[dreg:$0x1] =	wrdreg $0xFFFFFFFF  }
0xc1: {  	_ =	task.clear_ibuf [dreg:s6], $0x2FFFF;
	_ =	strace $0x9FFFFFFF  }
0xc2: {  	(tm) =	ssettm $0x7FFFFFFF  }
0xc3: {  	_ =	shalt  }
tec
execute0_lowered:
.L_overlay_start_1:
0x0: {  	(tag) =	ssettag $0x1  }
0x1: {  	s6 =	rddreg [dreg:$0x0]  }
0x2: {  	s1 =	rddreg [dreg:$0x1]  }
0x3: {  	s2 =	srdreg.scid;
	s0 =	rddreg [dreg:$0x2]  }
0x4: {  	s3 =	simm.s32 $0x0;
	s16 =	simm.s32 $0x80;
	s17 =	simm.s32 $0x2800  }
0x5: {  	s18 =	simm.s32 $0x6800;
	s19 =	simm.s32 $0x1;
	s20 =	simm.s32 $0x2  }
0x6: {  	s21 =	simm.s32 $0x0;
	s9 =	sand.u32 $0x1, s2;
	s2 =	stileid.u32  }
0x7: {  	[smem:$0x7FF] =	sst s3;
	s5 =	sadd.s32 $0x4F6600, s6;
	s4 =	sshll.u32 s9, $0x4  }
0x8: {  	_ =	strace $0x80000047;
	s10 =	smul.u32 $0x2800, s2;
	s11 =	ssub.s32 $0x2, s9  }
0x9: {  	s13 =	smul.u32 $0x50000, s2;
	p0 =	seq.s32 s9, $0x1;
	s31 =	sshll.u32 s2, $0x6  }
0xa: {  	s7 =	sor.u32 s2, s4;
	s4 =	sadd.s32 $0xA600, s6;
	s12 =	sshrl.u32 s11, $0x1  }
0xb: {  	s8 =	smul.u32 $0x280, s7;
	s14 =	sadd.s32 s10, s6;
	s29 =	ssub.s32 s11, s12  }
0xc: {  	s30 =	sshrl.u32 s13, $0x2;
	s11 =	simm.s32 $0x87600;
	s12 =	simm.s32 $0x3  }
0xd: {  	s13 =	simm.s32 $0x1400;
	s15 =	sadd.s32 s30, s1;
	s9 =	sadd.s32 $0x37600, s14  }
0xe: {  	s10 =	smax.u32 s29, $0x1;
	s11 =	simm.s32 @!p0 $0x5F600;
	s8 =	sadd.s32 s8, s6  }
0xf: {  	s6 =	smul.u32 $0x28, s7;
	s11 =	sadd.s32 s11, s14;
	s14 =	sor.u32 $0x1C03, s31  }
0x10: {  	s15 =	sshrl.u32 s15, $0x3;
	s7 =	sadd.s32 $0x32600, s8;
	s8 =	sadd.s32 $0x5600, s8  }
.LBB2_1:
0x11: {  	[tilespmem:s3], [sflag:$0x3] =	stream.linear.gather [hbm4b:s7+s3], $0x1400, $0x38;
	[tilespmem:$0x1E800] =	vst v63  }
0x12: {  	_ =	swait.ge [sflag:s12], $0x1400  }
0x13: {  	[sflag:s12] =	ssyncset.done $0x0  }
0x14: {  	[sflag:s12] =	ssyncadd.s32 $0xFFFFEC00  }
0x15: {  	[tilespmem:s13], [sflag:$0x3] =	stream.linear.gather [hbm4b:s8+s3], $0x1400, $0x38;
	[tilespmem:$0x1E800] =	vst v63  }
0x16: {  	_ =	swait.ge [sflag:s12], $0x1400  }
0x17: {  	[sflag:s12] =	ssyncset.done $0x0  }
0x18: {  	[sflag:s12] =	ssyncadd.s32 $0xFFFFEC00  }
0x19: {  	[spmem:s15], [sflag:s14] =	dma.local [hbm:s9], $0x2800  }
0x1a: {  	_ =	swait.ge [sflag:s12], $0x2800  }
0x1b: {  	[sflag:s12] =	ssyncset.done $0x0  }
0x1c: {  	[sflag:s12] =	ssyncadd.s32 $0xFFFFD800  }
0x1d: {  	s22 =	simm.s32 $0x0;
	[bflag:$0x0] =	sbarrier.arrive $0xFFFF  }
.LBB2_2:
0x1e: {  	s23 =	sshll.u32 s22, $0x9;
	s24 =	sadd.s32 s6, s22  }
0x1f: {  	s23 =	sshrl.u32 s23, $0x2;
	s24 =	sshll.u32 s24, $0xB  }
0x20: {  	[tilespmem:s17], [sflag:$0x1] =	stream.indirect.gather [hbm4b:s4+s16], $0x80, s23, s16, $0xb8;
	[tilespmem:$0x1E800] =	vst v63  }
0x21: {  	s25 =	simm.s32 $0x0;
	s24 =	sadd.s32 s5, s24  }
0x22: {  	[tilespmem:s18], [sflag:$0x2] =	stream.linear.gather [hbm4b:s24+s25], $0x4000, $0x38;
	[tilespmem:$0x1E800] =	vst v63  }
0x23: {  	_ =	swait.ge [sflag:s19], $0x4000  }
0x24: {  	[sflag:s19] =	ssyncset.done $0x0  }
0x25: {  	[sflag:s19] =	ssyncadd.s32 $0xFFFFC000  }
0x26: {  	_ =	swait.ge [sflag:s20], $0x4000  }
0x27: {  	[sflag:s20] =	ssyncset.done $0x0  }
0x28: {  	s24 =	simm.s32 $0x0;
	[sflag:s20] =	ssyncadd.s32 $0xFFFFC000  }
0x29: {  	v6 =	vld [tilespmem:s24+$0x6800]  }
0x2a: {  	v11 =	vld [tilespmem:s24+$0x6810]  }
0x2b: {  	v5 =	vld [tilespmem:s24+$0x6820]  }
0x2c: {  	v4 =	vld [tilespmem:s24+$0x6830]  }
0x2d: {  	v3 =	vld [tilespmem:s24+$0x6840]  }
0x2e: {  	v2 =	vld [tilespmem:s24+$0x6850]  }
0x2f: {  	v1 =	vld [tilespmem:s24+$0x6860]  }
0x30: {  	v0 =	vld [tilespmem:s24+$0x6870]  }
0x31: {  	v12 =	vld [tilespmem:s24+$0x2800]  }
0x32: {  	v13 =	vld [tilespmem:s24+$0x2810]  }
0x33: {  	v10 =	vld [tilespmem:s24+$0x2820]  }
0x34: {  	v9 =	vld [tilespmem:s24+$0x2830]  }
0x35: {  	v8 =	vld [tilespmem:s24+$0x2840]  }
0x36: {  	v7 =	vld [tilespmem:s24+$0x2850];
	v12 =	vadd.f32 v6, v12  }
0x37: {  	s25 =	simm.s32 $0x200;
	v11 =	vadd.f32 v11, v13;
	v6 =	vld [tilespmem:s24+$0x2860]  }
.LBB2_3:
0x38: {  	s26 =	sshra.s32 s25, $0x2;
	p0 =	sne.s32 s25, $0xFE00;
	v12 =	vmax.f32 v12, $0.0e+00;
	v5 =	vadd.f32 v5, v10;
	v10 =	vld [tilespmem:s24+$0x2870]  }
0x39: {  	v13 =	vld [tilespmem:s26+$0x6800];
	[tilespmem:s24+$0x2800] =	vst v12;
	v11 =	vmax.f32 v11, $0.0e+00;
	v4 =	vadd.f32 v4, v9  }
0x3a: {  	v14 =	vld [tilespmem:s26+$0x6810];
	[tilespmem:s24+$0x2810] =	vst v11;
	v9 =	vmax.f32 v5, $0.0e+00;
	v3 =	vadd.f32 v3, v8  }
0x3b: {  	v5 =	vld [tilespmem:s26+$0x6820];
	[tilespmem:s24+$0x2820] =	vst v9;
	v8 =	vmax.f32 v4, $0.0e+00;
	v2 =	vadd.f32 v2, v7  }
0x3c: {  	v4 =	vld [tilespmem:s26+$0x6830];
	[tilespmem:s24+$0x2830] =	vst v8;
	v7 =	vmax.f32 v3, $0.0e+00;
	v1 =	vadd.f32 v1, v6  }
0x3d: {  	v3 =	vld [tilespmem:s26+$0x6840];
	[tilespmem:s24+$0x2840] =	vst v7;
	v6 =	vmax.f32 v2, $0.0e+00;
	v0 =	vadd.f32 v0, v10  }
0x3e: {  	v2 =	vld [tilespmem:s26+$0x6850];
	[tilespmem:s24+$0x2850] =	vst v6;
	v6 =	vmax.f32 v1, $0.0e+00  }
0x3f: {  	v1 =	vld [tilespmem:s26+$0x6860];
	[tilespmem:s24+$0x2860] =	vst v6;
	v6 =	vmax.f32 v0, $0.0e+00  }
0x40: {  	v0 =	vld [tilespmem:s26+$0x6870];
	[tilespmem:s24+$0x2870] =	vst v6;
	s24 =	smov.u32 s26  }
0x41: {  	v6 =	vld [tilespmem:s24+$0x2800]  }
0x42: {  	v11 =	vld [tilespmem:s24+$0x2810]  }
.Ltmp0:
0x43: {  	v10 =	vld [tilespmem:s24+$0x2820];
	(pc) =	sbr.rel @p0 .LBB2_3-.Ltmp0, $4  }
0x44: {  	v9 =	vld [tilespmem:s24+$0x2830]  }
0x45: {  	v8 =	vld [tilespmem:s24+$0x2840]  }
0x46: {  	v12 =	vadd.f32 v13, v6;
	v7 =	vld [tilespmem:s24+$0x2850]  }
0x47: {  	s25 =	sadd.s32 $0x200, s25;
	v11 =	vadd.f32 v14, v11;
	v6 =	vld [tilespmem:s24+$0x2860]  }
0x48: {  	v12 =	vmax.f32 v12, $0.0e+00;
	v5 =	vadd.f32 v5, v10;
	v63 =	vld [tilespmem:s24+$0x2870]  }
0x49: {  	[tilespmem:s24+$0x2800] =	vst v12;
	v11 =	vmax.f32 v11, $0.0e+00;
	v4 =	vadd.f32 v4, v9  }
0x4a: {  	[tilespmem:s24+$0x2810] =	vst v11;
	v5 =	vmax.f32 v5, $0.0e+00;
	v3 =	vadd.f32 v3, v8  }
0x4b: {  	[tilespmem:s24+$0x2820] =	vst v5;
	v4 =	vmax.f32 v4, $0.0e+00;
	v2 =	vadd.f32 v2, v7  }
0x4c: {  	[tilespmem:s24+$0x2830] =	vst v4;
	v3 =	vmax.f32 v3, $0.0e+00;
	v1 =	vadd.f32 v1, v6  }
0x4d: {  	[tilespmem:s24+$0x2840] =	vst v3;
	v2 =	vmax.f32 v2, $0.0e+00;
	v0 =	vadd.f32 v0, v63  }
0x4e: {  	s22 =	sadd.s32 $0x1, s22;
	[tilespmem:s24+$0x2850] =	vst v2;
	v1 =	vmax.f32 v1, $0.0e+00  }
0x4f: {  	p0 =	sne.s32 s22, $0x28;
	[tilespmem:s24+$0x2860] =	vst v1;
	v0 =	vmax.f32 v0, $0.0e+00  }
.Ltmp1:
0x50: {  	s23 =	sadd.s32 $0x1400, s23;
	[tilespmem:s24+$0x2870] =	vst v0;
	(pc) =	sbr.rel @p0 .LBB2_2-.Ltmp1, $4  }
0x51: {  	[spmem:s1] =	stream.indirect.scatter.add.f32 [tilespmem:s17], [sflag:$0x3], $0x80, s23, s16, $0xb8;
	[tilespmem:$0x1E800] =	vst v63  }
0x52: {  	_ =	swait.ge [sflag:s12], $0x4000  }
0x53: {  	[sflag:s12] =	ssyncset.done $0x0  }
0x54: {  	[sflag:s12] =	ssyncadd.s32 $0xFFFFC000  }
0x55: {  	[bflag:$0x0] =	sbarrier.arrive $0xFFFF;
	s21 =	sadd.s32 $0x1, s21  }
0x56: {  	[hbm:s11], [sflag:s14] =	dma.local [spmem:s15], $0x2800  }
0x57: {  	p0 =	sne.s32 s21, s10  }
.Ltmp2:
0x58: {  	_ =	swait.ge [sflag:s12], $0x2800;
	(pc) =	sbr.rel @p0 .LBB2_1-.Ltmp2, $3  }
0x59: {  	[sflag:s12] =	ssyncset.done $0x0  }
0x5a: {  	[sflag:s12] =	ssyncadd.s32 $0xFFFFD800  }
0x5b: {  	[bflag:$0x0] =	sbarrier.arrive $0xFFFF;
	_ =	sdelay $0x1  }
0x5c: {  	_ =	sfence.sel $0x180000  }
0x5d: {  	[bflag:$0x0] =	sbarrier.arrive $0xFFFF  }
0x5e: {  	p0 =	sne.s32 s2, $0x0;
	_ =	strace $0x90000047  }
0x5f: {  	s0 =	sadd.s32 @!p0 $0x100000, s0;
	[bflag:$0x2] =	sbarrier.arrive $0xFFFF  }
0x60: {  	[sflag:s0] =	ssyncadd.tile.s32 @!p0 $0x1;
	_ =	shalt  }
.Lfunc_end2:
_tile_overlayer_lowered:
.L_overlay_start_2:
0x61: {  	(tag) =	ssettag $0x2  }
0x62: {  	s0 =	rddreg [dreg:$0x0];
	s2 =	stileid.u32  }
0x63: {  	s1 =	rddreg [dreg:$0x1];
	p0 =	sne.s32 s2, $0x0  }
0x64: {  	s3 =	rddreg [dreg:$0x2];
	[bflag:$0x3] =	sbarrier.arrive $0xFFFF;
	s2 =	simm.s32 @!p0 $0x1C03  }
0x65: {  	[timem:s3], [sflag:s2] =	dma.local @!p0 [hbm:s0], s1  }
0x66: {  	s0 =	simm.s32 @!p0 $0x3  }
0x67: {  	_ =	swait.ge @!p0 [sflag:s0], s1  }
0x68: {  	s1 =	ssub.s32 @!p0 $0x0, s1;
	[sflag:s0] =	ssyncset.done @!p0 $0x0  }
0x69: {  	[sflag:s0] =	ssyncadd.s32 @!p0 s1  }
0x6a: {  	[bflag:$0x3] =	sbarrier.arrive $0xFFFF  }
0x6b: {  	_ =	shalt  }

// kernel: kernel.16.cloned.1.call-start
scs
__scs_entry_jumppad:
0x0: {  	(pc) =	sbr.rel $0x88, $3  }
0x1: {  	(tag) =	ssettag $0x0;
	lr =	simm.s32 $0x1  }
0x2: {  	[smem:$0x3F81] =	sst lr;
	_ =	strace $0xD0000000  }
0x3: {  	_ = 	snop  }
0x4: {  	_ = 	snop  }
0x5: {  	_ = 	snop  }
0x6: {  	_ = 	snop  }
0x7: {  	_ = 	snop  }
__scs_overlays_trampoline_lowered:
0x8: {  	[smem:$0x3F90] =	sst s0  }
0x9: {  	[smem:$0x3F91] =	sst s1  }
0xa: {  	[smem:$0x3F92] =	sst s2  }
0xb: {  	[smem:$0x3F93] =	sst s3  }
0xc: {  	[smem:$0x3F94] =	sst s4  }
0xd: {  	[smem:$0x3F95] =	sst s5  }
0xe: {  	[smem:$0x3F96] =	sst s6  }
0xf: {  	[smem:$0x3F97] =	sst s7  }
0x10: {  	[smem:$0x3F98] =	sst s8  }
0x11: {  	[smem:$0x3F99] =	sst s9;
	s0 =	simm.s32 @!p0 $0x0  }
0x12: {  	s1 =	sld [smem:$0x3F7F];
	s0 =	simm.s32 @p0 $0x1  }
0x13: {  	[smem:$0x3F9A] =	sst s0;
	s0 =	simm.s32 @!p1 $0x0  }
0x14: {  	s2 =	sld [smem:$0x3F7E];
	s0 =	simm.s32 @p1 $0x1  }
0x15: {  	[smem:$0x3F9B] =	sst s0;
	s0 =	simm.s32 @!p2 $0x0  }
0x16: {  	s3 =	sld [smem:$0x3FDB];
	s0 =	simm.s32 @p2 $0x1  }
0x17: {  	s4 =	simm.s32 $0x1BF5;
	[smem:$0x3F9D] =	sst s0  }
0x18: {  	s0 =	sld [smem:$0x3F80];
	_ =	swait.ge [sflag:s4], $0x0  }
0x19: {  	s7 =	sld [smem:$0x3F81]  }
0x1a: {  	s8 =	sadd.s32 $0xFFFFE003, lr  }
0x1b: {  	s9 =	sadd.s32 $0xFFFFFEF7, lr;
	s5 =	simm.s32 $0xFFFFFFFF;
	p2 =	slt.u32 s8, $0xFFFFF086  }
0x1c: {  	p1 =	slt.u32 s9, $0xF7A;
	s5 =	simm.s32 @!p2 $0x0  }
0x1d: {  	s5 =	simm.s32 @p1 $0x1;
	p0 =	seq.s32 s7, s2  }
0x1e: {  	s7 =	smul.u32 @!p0 $0xF7A, s2;
	p2 =	seq.s32 @!p0 s5, $0x0  }
0x1f: {  	s9 =	smul.u32 $0xF7A, s1;
	s8 =	simm.s32 @!p0 $0x1BF5;
	p2 =	por !p2, p0  }
0x20: {  	[sflag:s8] =	ssyncset.s32 @!p0 $0xFFFFF086;
	s6 =	sadd.s32 @!p0 s3, s7;
	s7 =	simm.s32 @!p0 $0x108  }
0x21: {  	s3 =	sadd.s32 s3, s9;
	s6 =	sadd.s32 @!p0 $0x88, s6;
	s7 =	simm.s32 @p2 $0x1082  }
0x22: {  	[simem:s7], [sflag:s8] =	dma.local @!p0 [hbm:s6], $0xF7A  }
0x23: {  	s9 =	sor.u32 $0xD0000000, s2;
	s6 =	simm.s32 $0x108;
	_ =	swait.ge @!p0 [sflag:s8], $0x0  }
0x24: {  	s3 =	sadd.s32 $0x88, s3;
	s6 =	simm.s32 @!p1 $0x1082;
	[sflag:s4] =	ssyncset.s32 $0xFFFFF086  }
0x25: {  	[simem:s6], [sflag:s4] =	dma.local [hbm:s3], $0xF7A  }
0x26: {  	[smem:$0x3F81] =	sst s1;
	(tag) =	ssettag s2;
	_ =	strace s9  }
0x27: {  	s1 =	sld [smem:$0x3F91]  }
0x28: {  	s2 =	sld [smem:$0x3F92]  }
0x29: {  	s4 =	sld [smem:$0x3F94]  }
0x2a: {  	p0 =	seq.s32 s5, $0x0;
	s5 =	sld [smem:$0x3F95]  }
0x2b: {  	s6 =	sld [smem:$0x3F96]  }
0x2c: {  	s7 =	sld [smem:$0x3F97]  }
0x2d: {  	s3 =	simm.s32 $0x108;
	s8 =	sld [smem:$0x3F98]  }
0x2e: {  	s3 =	simm.s32 @!p0 $0x1082;
	s9 =	sld [smem:$0x3F99]  }
0x2f: {  	lr =	sadd.s32 s0, s3;
	s0 =	sld [smem:$0x3F90]  }
0x30: {  	s3 =	sld [smem:$0x3F93]  }
0x31: {  	[smem:$0x3F9C] =	sst s10  }
0x32: {  	s10 =	sld [smem:$0x3F9A];
	_ =	sdelay $0x3  }
0x33: {  	p0 =	seq.s32 s10, $0x1;
	s10 =	sld [smem:$0x3F9C];
	_ =	sdelay $0x3  }
0x34: {  	[smem:$0x3F9C] =	sst s10  }
0x35: {  	s10 =	sld [smem:$0x3F9B];
	_ =	sdelay $0x3  }
0x36: {  	p1 =	seq.s32 s10, $0x1;
	s10 =	sld [smem:$0x3F9C];
	_ =	sdelay $0x3  }
0x37: {  	[smem:$0x3F9C] =	sst s10  }
0x38: {  	s10 =	sld [smem:$0x3F9D]  }
0x39: {  	_ = 	snop;
	(pc) =	sbr.ind lr, $3  }
0x3a: {  	_ = 	snop  }
0x3b: {  	_ = 	snop  }
0x3c: {  	p2 =	seq.s32 s10, $0x1;
	s10 =	sld [smem:$0x3F9C]  }
0x3d: {  	_ =	shalt  }
0x3e: {  	_ =	shalt  }
0x3f: {  	_ =	shalt  }
0x40: {  	_ =	shalt  }
0x41: {  	_ =	shalt  }
0x42: {  	_ =	shalt  }
0x43: {  	_ =	shalt  }
0x44: {  	_ =	shalt  }
0x45: {  	_ =	shalt  }
0x46: {  	_ =	shalt  }
0x47: {  	_ =	shalt  }
0x48: {  	_ =	shalt  }
0x49: {  	_ =	shalt  }
0x4a: {  	_ =	shalt  }
0x4b: {  	_ =	shalt  }
0x4c: {  	_ =	shalt  }
0x4d: {  	_ =	shalt  }
0x4e: {  	_ =	shalt  }
0x4f: {  	_ =	shalt  }
0x50: {  	_ =	shalt  }
0x51: {  	_ =	shalt  }
0x52: {  	_ =	shalt  }
0x53: {  	_ =	shalt  }
0x54: {  	_ =	shalt  }
0x55: {  	_ =	shalt  }
0x56: {  	_ =	shalt  }
0x57: {  	_ =	shalt  }
0x58: {  	_ =	shalt  }
0x59: {  	_ =	shalt  }
0x5a: {  	_ =	shalt  }
0x5b: {  	_ =	shalt  }
0x5c: {  	_ =	shalt  }
0x5d: {  	_ =	shalt  }
0x5e: {  	_ =	shalt  }
0x5f: {  	_ =	shalt  }
0x60: {  	_ =	shalt  }
0x61: {  	_ =	shalt  }
0x62: {  	_ =	shalt  }
0x63: {  	_ =	shalt  }
0x64: {  	_ =	shalt  }
0x65: {  	_ =	shalt  }
0x66: {  	_ =	shalt  }
0x67: {  	_ =	shalt  }
0x68: {  	_ =	shalt  }
0x69: {  	_ =	shalt  }
0x6a: {  	_ =	shalt  }
0x6b: {  	_ =	shalt  }
0x6c: {  	_ =	shalt  }
0x6d: {  	_ =	shalt  }
0x6e: {  	_ =	shalt  }
0x6f: {  	_ =	shalt  }
0x70: {  	_ =	shalt  }
0x71: {  	_ =	shalt  }
0x72: {  	_ =	shalt  }
0x73: {  	_ =	shalt  }
0x74: {  	_ =	shalt  }
0x75: {  	_ =	shalt  }
0x76: {  	_ =	shalt  }
0x77: {  	_ =	shalt  }
0x78: {  	_ =	shalt  }
0x79: {  	_ =	shalt  }
0x7a: {  	_ =	shalt  }
0x7b: {  	_ =	shalt  }
0x7c: {  	_ =	shalt  }
0x7d: {  	_ =	shalt  }
0x7e: {  	_ =	shalt  }
0x7f: {  	_ =	shalt  }
0x80: {  	_ =	shalt  }
0x81: {  	_ =	shalt  }
0x82: {  	_ =	shalt  }
0x83: {  	_ =	shalt  }
0x84: {  	_ =	shalt  }
0x85: {  	_ =	shalt  }
0x86: {  	_ =	shalt  }
0x87: {  	_ =	shalt  }
.Lfunc_end0:
.L_simem_size_0:
called_computation.1_lowered:
.L_overlay_start_0:
0x88: {  	s2 =	sld [smem:$0x3FD9]  }
0x89: {  	s3 =	sld [smem:$0x3FFE];
	_ =	sdelay $0x1  }
0x8a: {  	s1 =	srdreg.scid  }
0x8b: {  	s0 =	sand.u32 $0x1, s1  }
0x8c: {  	s16 =	sshll.u32 s0, $0xA;
	s2 =	sadd.s32 s3, s2  }
0x8d: {  	s2 =	sadd.s32 s2, s16  }
0x8e: {  	[smem:$0x3FA8] =	sst s2  }
0x8f: {  	_ = 	snop  }
0x90: {  	(tm) =	ssettm $0x1  }
0x91: {  	s17 =	sld [smem:$0x3FFB];
	_ =	sdelay $0x3  }
0x92: {  	_ =	strace s17  }
0x93: {  	s2 =	sld [smem:$0x3FFC];
	_ =	sdelay $0x3  }
0x94: {  	_ =	strace s2  }
0x95: {  	s2 =	sld [smem:$0x3FFD];
	_ =	sdelay $0x3  }
0x96: {  	_ =	strace s2  }
0x97: {  	_ =	strace $0x8FFFFFFF  }
0x98: {  	s18 =	sld [smem:$0x3FDB];
	_ =	sdelay $0x1  }
0x99: {  	s19 =	simm.s32 $_scs_section_size  }
0x9a: {  	s4 =	simm.s32 $_size__tile_overlayer_lowered;
	s5 =	simm.s32 $_tile_overlayer_lowered  }
0x9b: {  	s22 =	simm.s32 $0x1BFF;
	s21 =	sshll.u32 s5, $0x1;
	s2 =	sadd.s32 s19, s18  }
0x9c: {  	s6 =	simm.s32 $0x0;
	s20 =	sshll.u32 s4, $0x1;
	s4 =	sadd.s32 s21, s2  }
0x9d: {  	[timem:s6], [sflag:s22] =	dma.local [hbm:s4], s20  }
0x9e: {  	_ =	swait.ge [sflag:s22], s20  }
0x9f: {  	s3 =	ssub.s32 $0x0, s20;
	[sflag:s22] =	ssyncset.done $0x0  }
0xa0: {  	[sflag:s22] =	ssyncadd.s32 s3;
	_ =	sdelay $0x1  }
0xa1: {  	s23 =	simm.s32 $0x1B8B  }
0xa2: {  	_ =	swait.ge [sflag:s23], $0x1  }
0xa3: {  	[sflag:s23] =	ssyncset.done $0x0  }
0xa4: {  	s25 =	simm.s32 $0x1B8E;
	s24 =	sld [smem:$0x3FFE];
	[sflag:s23] =	ssyncadd.s32 $0xFFFFFFFF  }
0xa5: {  	s26 =	simm.s32 $execute0_lowered;
	[smem:$0x3FD2] =	sst s25  }
0xa6: {  	s4 =	sshll.u32 s26, $0x1;
	_ =	strace $0x80000049;
	[dreg:$0x1] =	wrdreg $0xFFFFFFFF  }
0xa7: {  	s28 =	simm.s32 $_size_execute0_lowered;
	s2 =	sadd.s32 s2, s4;
	[dreg:$0x0] =	wrdreg $0x0  }
0xa8: {  	s4 =	sshll.u32 s28, $0x1;
	[dreg:$0x2] =	wrdreg s2  }
0xa9: {  	[dreg:$0x3] =	wrdreg s4  }
0xaa: {  	[dreg:$0x4] =	wrdreg $0xC0  }
0xab: {  	_ =	task [dreg:s6], $0x5FFFF  }
0xac: {  	[dreg:$0x1] =	wrdreg $0xFFFFFFFF  }
0xad: {  	[dreg:$0x0] =	wrdreg $0x60  }
0xae: {  	[dreg:$0x2] =	wrdreg s24  }
0xaf: {  	[dreg:$0x3] =	wrdreg $0xA8000  }
0xb0: {  	[dreg:$0x4] =	wrdreg $0x9  }
0xb1: {  	_ =	task.clear_ibuf [dreg:s6], $0x5FFFF;
	_ =	strace $0x90000049  }
0xb2: {  	s29 =	simm.s32 $0x9;
	_ =	strace $0x8000004B  }
0xb3: {  	_ =	swait.ge [sflag:s29], $0x1  }
0xb4: {  	[sflag:s29] =	ssyncadd.s32 $0xFFFFFFFF  }
0xb5: {  	_ =	strace $0x9000004B  }
0xb6: {  	_ =	sfence  }
0xb7: {  	s30 =	sld [smem:$0x0];
	_ =	sdelay $0x2  }
0xb8: {  	s31 =	sshll.u32 s1, $0xD;
	s1 =	sshrl.u32 s1, $0x2  }
0xb9: {  	s3 =	sand.u32 $0x4000, s31;
	s1 =	sadd.s32 s1, s30  }
0xba: {  	s0 =	sor.u32 s3, s0;
	s1 =	sshll.u32 s1, $0x11  }
0xbb: {  	s0 =	sor.u32 s1, s0  }
0xbc: {  	s0 =	sadd.s32 $0x8F2B, s0  }
0xbd: {  	[sflag:s0] =	ssyncadd.remote.s32 $0x1  }
0xbe: {  	_ =	sfence.sel $0xFFFF  }
0xbf: {  	[dreg:$0x0] =	wrdreg $0xFFFFFFFF;
	(pc) =	sbr.abs _section_cstart, $3  }
0xc0: {  	[dreg:$0x1] =	wrdreg $0xFFFFFFFF  }
0xc1: {  	_ =	task.clear_ibuf [dreg:s6], $0x2FFFF;
	_ =	strace $0x9FFFFFFF  }
0xc2: {  	(tm) =	ssettm $0x7FFFFFFF  }
0xc3: {  	_ =	shalt  }
tec
execute0_lowered:
.L_overlay_start_1:
0x0: {  	(tag) =	ssettag $0x1  }
0x1: {  	s12 =	rddreg [dreg:$0x0]  }
0x2: {  	s1 =	rddreg [dreg:$0x1]  }
0x3: {  	s2 =	srdreg.scid;
	s0 =	rddreg [dreg:$0x2]  }
0x4: {  	s3 =	simm.s32 $0x0;
	s17 =	simm.s32 $0x80;
	s18 =	simm.s32 $0x2800  }
0x5: {  	s19 =	simm.s32 $0x6800;
	s20 =	simm.s32 $0x1;
	s21 =	simm.s32 $0x2  }
0x6: {  	s10 =	sand.u32 $0x1, s2;
	s2 =	stileid.u32;
	[smem:$0x7FF] =	sst s3  }
0x7: {  	s5 =	sadd.s32 $0x776600, s12;
	s4 =	sshll.u32 s10, $0x4;
	s8 =	smul.u32 $0x2800, s2  }
0x8: {  	_ =	strace $0x8000004A;
	s9 =	ssub.s32 $0x2, s10;
	s15 =	smul.u32 $0x50000, s2  }
0x9: {  	p0 =	seq.s32 s10, $0x1;
	s31 =	sshll.u32 s2, $0x6;
	s7 =	sor.u32 s2, s4  }
0xa: {  	s4 =	sadd.s32 $0x5F600, s12;
	s13 =	sshrl.u32 s9, $0x1;
	s6 =	smul.u32 $0x280, s7  }
0xb: {  	s14 =	sadd.s32 s8, s12;
	s13 =	ssub.s32 s9, s13;
	s30 =	sshrl.u32 s15, $0x2  }
0xc: {  	s7 =	smul.u32 $0x28, s7;
	s15 =	simm.s32 $0x19F600;
	s16 =	sadd.s32 s30, s1  }
0xd: {  	s10 =	sadd.s32 $0x37600, s14;
	s15 =	simm.s32 @!p0 $0xFF600;
	s14 =	simm.s32 $0x1400  }
0xe: {  	s11 =	sadd.s32 s6, s12;
	s6 =	smul.u32 $0x280, s2;
	s12 =	sadd.s32 s15, s12  }
0xf: {  	s15 =	sor.u32 $0x1C03, s31;
	s16 =	sshrl.u32 s16, $0x3;
	s8 =	sadd.s32 $0x32600, s11  }
0x10: {  	s9 =	sadd.s32 $0x5600, s11;
	s11 =	smax.u32 s13, $0x1;
	s13 =	simm.s32 $0x3  }
.LBB2_1:
0x11: {  	s22 =	simm.s32 $0x0  }
.LBB2_2:
0x12: {  	s23 =	simm.s32 $0x0  }
0x13: {  	[tilespmem:s23], [sflag:$0x3] =	stream.linear.gather [hbm4b:s8+s23], $0x1400, $0x38;
	[tilespmem:$0x1E800] =	vst v63  }
0x14: {  	_ =	swait.ge [sflag:s13], $0x1400  }
0x15: {  	[sflag:s13] =	ssyncset.done $0x0  }
0x16: {  	[sflag:s13] =	ssyncadd.s32 $0xFFFFEC00  }
0x17: {  	[tilespmem:s14], [sflag:$0x3] =	stream.linear.gather [hbm4b:s9+s23], $0x1400, $0x38;
	[tilespmem:$0x1E800] =	vst v63  }
0x18: {  	s23 =	smul.u32 $0x2800, s22;
	_ =	swait.ge [sflag:s13], $0x1400  }
0x19: {  	[sflag:s13] =	ssyncset.done $0x0  }
0x1a: {  	s24 =	simm.s32 $0x0;
	s25 =	simm.s32 $0x40;
	v0 =	vmov s23;
	[sflag:s13] =	ssyncadd.s32 $0xFFFFEC00  }
.LBB2_3:
0x1b: {  	p0 =	sne.s32 s25, $0x4FC0;
	v1 =	vld [tilespmem:s24+$0x0];
	_ =	sdelay $0x1  }
.Ltmp0:
0x1c: {  	(pc) =	sbr.rel @p0 .LBB2_3-.Ltmp0, $3  }
0x1d: {  	_ =	sdelay $0x1  }
0x1e: {  	v1 =	vadd.s32 v0, v1  }
0x1f: {  	[tilespmem:s24+$0x0] =	vst v1;
	s24 =	sshra.s32 s25, $0x2;
	s25 =	sadd.s32 $0x40, s25  }
0x20: {  	v1 =	vld [tilespmem:s24+$0x0];
	_ =	sdelay $0x4  }
0x21: {  	v0 =	vadd.s32 v0, v1  }
0x22: {  	[tilespmem:s24+$0x0] =	vst v0  }
0x23: {  	[spmem:s16], [sflag:s15] =	dma.local [hbm:s10], $0x2800  }
0x24: {  	_ =	swait.ge [sflag:s13], $0x2800  }
0x25: {  	[sflag:s13] =	ssyncset.done $0x0  }
0x26: {  	s25 =	simm.s32 $0x0;
	[sflag:s13] =	ssyncadd.s32 $0xFFFFD800  }
0x27: {  	s26 =	simm.s32 $0x0;
	s24 =	smul.u32 $0x1400000, s22;
	[bflag:$0x0] =	sbarrier.arrive $0xFFFF  }
.LBB2_5:
0x28: {  	s28 =	sshll.u32 s26, $0x9;
	s29 =	sadd.s32 s7, s26  }
0x29: {  	s28 =	sshrl.u32 s28, $0x2;
	s29 =	sshll.u32 s29, $0xE  }
0x2a: {  	[tilespmem:s18], [sflag:$0x1] =	stream.indirect.gather [hbm4b:s4+s17], $0x80, s28, s17, $0xb8;
	[tilespmem:$0x1E800] =	vst v63  }
0x2b: {  	s29 =	sadd.s32 s24, s29  }
0x2c: {  	s29 =	sshrl.u32 s29, $0x3  }
0x2d: {  	s29 =	sadd.s32 s5, s29  }
0x2e: {  	[tilespmem:s19], [sflag:$0x2] =	stream.linear.gather [hbm4b:s29+s25], $0x4000, $0x38;
	[tilespmem:$0x1E800] =	vst v63  }
0x2f: {  	_ =	swait.ge [sflag:s20], $0x4000  }
0x30: {  	[sflag:s20] =	ssyncset.done $0x0  }
0x31: {  	[sflag:s20] =	ssyncadd.s32 $0xFFFFC000  }
0x32: {  	_ =	swait.ge [sflag:s21], $0x4000  }
0x33: {  	[sflag:s21] =	ssyncset.done $0x0  }
0x34: {  	s29 =	simm.s32 $0x0;
	[sflag:s21] =	ssyncadd.s32 $0xFFFFC000  }
0x35: {  	v6 =	vld [tilespmem:s29+$0x6800]  }
0x36: {  	v11 =	vld [tilespmem:s29+$0x6810]  }
0x37: {  	v5 =	vld [tilespmem:s29+$0x6820]  }
0x38: {  	v4 =	vld [tilespmem:s29+$0x6830]  }
0x39: {  	v3 =	vld [tilespmem:s29+$0x6840]  }
0x3a: {  	v2 =	vld [tilespmem:s29+$0x6850]  }
0x3b: {  	v1 =	vld [tilespmem:s29+$0x6860]  }
0x3c: {  	v0 =	vld [tilespmem:s29+$0x6870]  }
0x3d: {  	v12 =	vld [tilespmem:s29+$0x2800]  }
0x3e: {  	v13 =	vld [tilespmem:s29+$0x2810]  }
0x3f: {  	v10 =	vld [tilespmem:s29+$0x2820]  }
0x40: {  	v9 =	vld [tilespmem:s29+$0x2830]  }
0x41: {  	v8 =	vld [tilespmem:s29+$0x2840]  }
0x42: {  	v7 =	vld [tilespmem:s29+$0x2850];
	v12 =	vadd.f32 v6, v12  }
0x43: {  	s30 =	simm.s32 $0x200;
	v11 =	vadd.f32 v11, v13;
	v6 =	vld [tilespmem:s29+$0x2860]  }
.LBB2_6:
0x44: {  	s31 =	sshra.s32 s30, $0x2;
	p0 =	sne.s32 s30, $0xFE00;
	v12 =	vmax.f32 v12, $0.0e+00;
	v5 =	vadd.f32 v5, v10;
	v10 =	vld [tilespmem:s29+$0x2870]  }
0x45: {  	v13 =	vld [tilespmem:s31+$0x6800];
	[tilespmem:s29+$0x2800] =	vst v12;
	v11 =	vmax.f32 v11, $0.0e+00;
	v4 =	vadd.f32 v4, v9  }
0x46: {  	v14 =	vld [tilespmem:s31+$0x6810];
	[tilespmem:s29+$0x2810] =	vst v11;
	v9 =	vmax.f32 v5, $0.0e+00;
	v3 =	vadd.f32 v3, v8  }
0x47: {  	v5 =	vld [tilespmem:s31+$0x6820];
	[tilespmem:s29+$0x2820] =	vst v9;
	v8 =	vmax.f32 v4, $0.0e+00;
	v2 =	vadd.f32 v2, v7  }
0x48: {  	v4 =	vld [tilespmem:s31+$0x6830];
	[tilespmem:s29+$0x2830] =	vst v8;
	v7 =	vmax.f32 v3, $0.0e+00;
	v1 =	vadd.f32 v1, v6  }
0x49: {  	v3 =	vld [tilespmem:s31+$0x6840];
	[tilespmem:s29+$0x2840] =	vst v7;
	v6 =	vmax.f32 v2, $0.0e+00;
	v0 =	vadd.f32 v0, v10  }
0x4a: {  	v2 =	vld [tilespmem:s31+$0x6850];
	[tilespmem:s29+$0x2850] =	vst v6;
	v6 =	vmax.f32 v1, $0.0e+00  }
0x4b: {  	v1 =	vld [tilespmem:s31+$0x6860];
	[tilespmem:s29+$0x2860] =	vst v6;
	v6 =	vmax.f32 v0, $0.0e+00  }
0x4c: {  	v0 =	vld [tilespmem:s31+$0x6870];
	[tilespmem:s29+$0x2870] =	vst v6;
	s29 =	smov.u32 s31  }
0x4d: {  	v6 =	vld [tilespmem:s29+$0x2800]  }
0x4e: {  	v11 =	vld [tilespmem:s29+$0x2810]  }
.Ltmp1:
0x4f: {  	v10 =	vld [tilespmem:s29+$0x2820];
	(pc) =	sbr.rel @p0 .LBB2_6-.Ltmp1, $4  }
0x50: {  	v9 =	vld [tilespmem:s29+$0x2830]  }
0x51: {  	v8 =	vld [tilespmem:s29+$0x2840]  }
0x52: {  	v12 =	vadd.f32 v13, v6;
	v7 =	vld [tilespmem:s29+$0x2850]  }
0x53: {  	s30 =	sadd.s32 $0x200, s30;
	v11 =	vadd.f32 v14, v11;
	v6 =	vld [tilespmem:s29+$0x2860]  }
0x54: {  	v12 =	vmax.f32 v12, $0.0e+00;
	v5 =	vadd.f32 v5, v10;
	v63 =	vld [tilespmem:s29+$0x2870]  }
0x55: {  	[tilespmem:s29+$0x2800] =	vst v12;
	v11 =	vmax.f32 v11, $0.0e+00;
	v4 =	vadd.f32 v4, v9  }
0x56: {  	[tilespmem:s29+$0x2810] =	vst v11;
	v5 =	vmax.f32 v5, $0.0e+00;
	v3 =	vadd.f32 v3, v8  }
0x57: {  	[tilespmem:s29+$0x2820] =	vst v5;
	v4 =	vmax.f32 v4, $0.0e+00;
	v2 =	vadd.f32 v2, v7  }
0x58: {  	[tilespmem:s29+$0x2830] =	vst v4;
	v3 =	vmax.f32 v3, $0.0e+00;
	v1 =	vadd.f32 v1, v6  }
0x59: {  	[tilespmem:s29+$0x2840] =	vst v3;
	v2 =	vmax.f32 v2, $0.0e+00;
	v0 =	vadd.f32 v0, v63  }
0x5a: {  	s26 =	sadd.s32 $0x1, s26;
	[tilespmem:s29+$0x2850] =	vst v2;
	v1 =	vmax.f32 v1, $0.0e+00  }
0x5b: {  	p0 =	sne.s32 s26, $0x28;
	[tilespmem:s29+$0x2860] =	vst v1;
	v0 =	vmax.f32 v0, $0.0e+00  }
.Ltmp2:
0x5c: {  	s28 =	sadd.s32 $0x1400, s28;
	[tilespmem:s29+$0x2870] =	vst v0;
	(pc) =	sbr.rel @p0 .LBB2_5-.Ltmp2, $4  }
0x5d: {  	[spmem:s1] =	stream.indirect.scatter.add.f32 [tilespmem:s18], [sflag:$0x3], $0x80, s28, s17, $0xb8;
	[tilespmem:$0x1E800] =	vst v63  }
0x5e: {  	_ =	swait.ge [sflag:s13], $0x4000  }
0x5f: {  	[sflag:s13] =	ssyncset.done $0x0  }
0x60: {  	[sflag:s13] =	ssyncadd.s32 $0xFFFFC000  }
0x61: {  	s23 =	sadd.s32 s6, s23  }
0x62: {  	s22 =	sadd.s32 $0x1, s22;
	s23 =	sshll.u32 s23, $0x4  }
0x63: {  	[bflag:$0x0] =	sbarrier.arrive $0xFFFF;
	p0 =	sne.s32 s22, $0x4;
	s23 =	sadd.s32 s12, s23  }
0x64: {  	[hbm:s23], [sflag:s15] =	dma.local [spmem:s16], $0x2800  }
.Ltmp3:
0x65: {  	_ =	swait.ge [sflag:s13], $0x2800;
	(pc) =	sbr.rel @p0 .LBB2_2-.Ltmp3, $3  }
0x66: {  	[sflag:s13] =	ssyncset.done $0x0  }
0x67: {  	[sflag:s13] =	ssyncadd.s32 $0xFFFFD800  }
0x68: {  	[bflag:$0x0] =	sbarrier.arrive $0xFFFF;
	_ =	sdelay $0x1  }
0x69: {  	s3 =	sadd.s32 $0x1, s3  }
0x6a: {  	p0 =	sne.s32 s3, s11  }
.Ltmp4:
0x6b: {  	_ = 	snop;
	(pc) =	sbr.rel @p0 .LBB2_1-.Ltmp4, $1  }
0x6c: {  	_ =	sdelay $0x3  }
0x6d: {  	_ =	sfence.sel $0x180000  }
0x6e: {  	[bflag:$0x0] =	sbarrier.arrive $0xFFFF  }
0x6f: {  	p0 =	sne.s32 s2, $0x0;
	_ =	strace $0x9000004A  }
0x70: {  	s0 =	sadd.s32 @!p0 $0x100000, s0;
	[bflag:$0x2] =	sbarrier.arrive $0xFFFF  }
0x71: {  	[sflag:s0] =	ssyncadd.tile.s32 @!p0 $0x1;
	_ =	shalt  }
.Lfunc_end2:
_tile_overlayer_lowered:
.L_overlay_start_2:
0x72: {  	(tag) =	ssettag $0x2  }
0x73: {  	s0 =	rddreg [dreg:$0x0];
	s2 =	stileid.u32  }
0x74: {  	s1 =	rddreg [dreg:$0x1];
	p0 =	sne.s32 s2, $0x0  }
0x75: {  	s3 =	rddreg [dreg:$0x2];
	[bflag:$0x3] =	sbarrier.arrive $0xFFFF;
	s2 =	simm.s32 @!p0 $0x1C03  }
0x76: {  	[timem:s3], [sflag:s2] =	dma.local @!p0 [hbm:s0], s1  }
0x77: {  	s0 =	simm.s32 @!p0 $0x3  }
0x78: {  	_ =	swait.ge @!p0 [sflag:s0], s1  }
0x79: {  	s1 =	ssub.s32 @!p0 $0x0, s1;
	[sflag:s0] =	ssyncset.done @!p0 $0x0  }
0x7a: {  	[sflag:s0] =	ssyncadd.s32 @!p0 s1  }
0x7b: {  	[bflag:$0x3] =	sbarrier.arrive $0xFFFF  }
0x7c: {  	_ =	shalt  }

// kernel: kernel.19.cloned.1.call-start
scs
__scs_entry_jumppad:
0x0: {  	(pc) =	sbr.rel $0x88, $3  }
0x1: {  	(tag) =	ssettag $0x0;
	lr =	simm.s32 $0x1  }
0x2: {  	[smem:$0x3F81] =	sst lr;
	_ =	strace $0xD0000000  }
0x3: {  	_ = 	snop  }
0x4: {  	_ = 	snop  }
0x5: {  	_ = 	snop  }
0x6: {  	_ = 	snop  }
0x7: {  	_ = 	snop  }
__scs_overlays_trampoline_lowered:
0x8: {  	[smem:$0x3F90] =	sst s0  }
0x9: {  	[smem:$0x3F91] =	sst s1  }
0xa: {  	[smem:$0x3F92] =	sst s2  }
0xb: {  	[smem:$0x3F93] =	sst s3  }
0xc: {  	[smem:$0x3F94] =	sst s4  }
0xd: {  	[smem:$0x3F95] =	sst s5  }
0xe: {  	[smem:$0x3F96] =	sst s6  }
0xf: {  	[smem:$0x3F97] =	sst s7  }
0x10: {  	[smem:$0x3F98] =	sst s8  }
0x11: {  	[smem:$0x3F99] =	sst s9;
	s0 =	simm.s32 @!p0 $0x0  }
0x12: {  	s1 =	sld [smem:$0x3F7F];
	s0 =	simm.s32 @p0 $0x1  }
0x13: {  	[smem:$0x3F9A] =	sst s0;
	s0 =	simm.s32 @!p1 $0x0  }
0x14: {  	s2 =	sld [smem:$0x3F7E];
	s0 =	simm.s32 @p1 $0x1  }
0x15: {  	[smem:$0x3F9B] =	sst s0;
	s0 =	simm.s32 @!p2 $0x0  }
0x16: {  	s3 =	sld [smem:$0x3FDB];
	s0 =	simm.s32 @p2 $0x1  }
0x17: {  	s4 =	simm.s32 $0x1BF5;
	[smem:$0x3F9D] =	sst s0  }
0x18: {  	s0 =	sld [smem:$0x3F80];
	_ =	swait.ge [sflag:s4], $0x0  }
0x19: {  	s7 =	sld [smem:$0x3F81]  }
0x1a: {  	s8 =	sadd.s32 $0xFFFFE003, lr  }
0x1b: {  	s9 =	sadd.s32 $0xFFFFFEF7, lr;
	s5 =	simm.s32 $0xFFFFFFFF;
	p2 =	slt.u32 s8, $0xFFFFF086  }
0x1c: {  	p1 =	slt.u32 s9, $0xF7A;
	s5 =	simm.s32 @!p2 $0x0  }
0x1d: {  	s5 =	simm.s32 @p1 $0x1;
	p0 =	seq.s32 s7, s2  }
0x1e: {  	s7 =	smul.u32 @!p0 $0xF7A, s2;
	p2 =	seq.s32 @!p0 s5, $0x0  }
0x1f: {  	s9 =	smul.u32 $0xF7A, s1;
	s8 =	simm.s32 @!p0 $0x1BF5;
	p2 =	por !p2, p0  }
0x20: {  	[sflag:s8] =	ssyncset.s32 @!p0 $0xFFFFF086;
	s6 =	sadd.s32 @!p0 s3, s7;
	s7 =	simm.s32 @!p0 $0x108  }
0x21: {  	s3 =	sadd.s32 s3, s9;
	s6 =	sadd.s32 @!p0 $0x88, s6;
	s7 =	simm.s32 @p2 $0x1082  }
0x22: {  	[simem:s7], [sflag:s8] =	dma.local @!p0 [hbm:s6], $0xF7A  }
0x23: {  	s9 =	sor.u32 $0xD0000000, s2;
	s6 =	simm.s32 $0x108;
	_ =	swait.ge @!p0 [sflag:s8], $0x0  }
0x24: {  	s3 =	sadd.s32 $0x88, s3;
	s6 =	simm.s32 @!p1 $0x1082;
	[sflag:s4] =	ssyncset.s32 $0xFFFFF086  }
0x25: {  	[simem:s6], [sflag:s4] =	dma.local [hbm:s3], $0xF7A  }
0x26: {  	[smem:$0x3F81] =	sst s1;
	(tag) =	ssettag s2;
	_ =	strace s9  }
0x27: {  	s1 =	sld [smem:$0x3F91]  }
0x28: {  	s2 =	sld [smem:$0x3F92]  }
0x29: {  	s4 =	sld [smem:$0x3F94]  }
0x2a: {  	p0 =	seq.s32 s5, $0x0;
	s5 =	sld [smem:$0x3F95]  }
0x2b: {  	s6 =	sld [smem:$0x3F96]  }
0x2c: {  	s7 =	sld [smem:$0x3F97]  }
0x2d: {  	s3 =	simm.s32 $0x108;
	s8 =	sld [smem:$0x3F98]  }
0x2e: {  	s3 =	simm.s32 @!p0 $0x1082;
	s9 =	sld [smem:$0x3F99]  }
0x2f: {  	lr =	sadd.s32 s0, s3;
	s0 =	sld [smem:$0x3F90]  }
0x30: {  	s3 =	sld [smem:$0x3F93]  }
0x31: {  	[smem:$0x3F9C] =	sst s10  }
0x32: {  	s10 =	sld [smem:$0x3F9A];
	_ =	sdelay $0x3  }
0x33: {  	p0 =	seq.s32 s10, $0x1;
	s10 =	sld [smem:$0x3F9C];
	_ =	sdelay $0x3  }
0x34: {  	[smem:$0x3F9C] =	sst s10  }
0x35: {  	s10 =	sld [smem:$0x3F9B];
	_ =	sdelay $0x3  }
0x36: {  	p1 =	seq.s32 s10, $0x1;
	s10 =	sld [smem:$0x3F9C];
	_ =	sdelay $0x3  }
0x37: {  	[smem:$0x3F9C] =	sst s10  }
0x38: {  	s10 =	sld [smem:$0x3F9D]  }
0x39: {  	_ = 	snop;
	(pc) =	sbr.ind lr, $3  }
0x3a: {  	_ = 	snop  }
0x3b: {  	_ = 	snop  }
0x3c: {  	p2 =	seq.s32 s10, $0x1;
	s10 =	sld [smem:$0x3F9C]  }
0x3d: {  	_ =	shalt  }
0x3e: {  	_ =	shalt  }
0x3f: {  	_ =	shalt  }
0x40: {  	_ =	shalt  }
0x41: {  	_ =	shalt  }
0x42: {  	_ =	shalt  }
0x43: {  	_ =	shalt  }
0x44: {  	_ =	shalt  }
0x45: {  	_ =	shalt  }
0x46: {  	_ =	shalt  }
0x47: {  	_ =	shalt  }
0x48: {  	_ =	shalt  }
0x49: {  	_ =	shalt  }
0x4a: {  	_ =	shalt  }
0x4b: {  	_ =	shalt  }
0x4c: {  	_ =	shalt  }
0x4d: {  	_ =	shalt  }
0x4e: {  	_ =	shalt  }
0x4f: {  	_ =	shalt  }
0x50: {  	_ =	shalt  }
0x51: {  	_ =	shalt  }
0x52: {  	_ =	shalt  }
0x53: {  	_ =	shalt  }
0x54: {  	_ =	shalt  }
0x55: {  	_ =	shalt  }
0x56: {  	_ =	shalt  }
0x57: {  	_ =	shalt  }
0x58: {  	_ =	shalt  }
0x59: {  	_ =	shalt  }
0x5a: {  	_ =	shalt  }
0x5b: {  	_ =	shalt  }
0x5c: {  	_ =	shalt  }
0x5d: {  	_ =	shalt  }
0x5e: {  	_ =	shalt  }
0x5f: {  	_ =	shalt  }
0x60: {  	_ =	shalt  }
0x61: {  	_ =	shalt  }
0x62: {  	_ =	shalt  }
0x63: {  	_ =	shalt  }
0x64: {  	_ =	shalt  }
0x65: {  	_ =	shalt  }
0x66: {  	_ =	shalt  }
0x67: {  	_ =	shalt  }
0x68: {  	_ =	shalt  }
0x69: {  	_ =	shalt  }
0x6a: {  	_ =	shalt  }
0x6b: {  	_ =	shalt  }
0x6c: {  	_ =	shalt  }
0x6d: {  	_ =	shalt  }
0x6e: {  	_ =	shalt  }
0x6f: {  	_ =	shalt  }
0x70: {  	_ =	shalt  }
0x71: {  	_ =	shalt  }
0x72: {  	_ =	shalt  }
0x73: {  	_ =	shalt  }
0x74: {  	_ =	shalt  }
0x75: {  	_ =	shalt  }
0x76: {  	_ =	shalt  }
0x77: {  	_ =	shalt  }
0x78: {  	_ =	shalt  }
0x79: {  	_ =	shalt  }
0x7a: {  	_ =	shalt  }
0x7b: {  	_ =	shalt  }
0x7c: {  	_ =	shalt  }
0x7d: {  	_ =	shalt  }
0x7e: {  	_ =	shalt  }
0x7f: {  	_ =	shalt  }
0x80: {  	_ =	shalt  }
0x81: {  	_ =	shalt  }
0x82: {  	_ =	shalt  }
0x83: {  	_ =	shalt  }
0x84: {  	_ =	shalt  }
0x85: {  	_ =	shalt  }
0x86: {  	_ =	shalt  }
0x87: {  	_ =	shalt  }
.Lfunc_end0:
.L_simem_size_0:
called_computation.2_lowered:
.L_overlay_start_0:
0x88: {  	s2 =	sld [smem:$0x3FD9]  }
0x89: {  	s3 =	sld [smem:$0x3FFE];
	_ =	sdelay $0x1  }
0x8a: {  	s1 =	srdreg.scid  }
0x8b: {  	s0 =	sand.u32 $0x1, s1  }
0x8c: {  	s16 =	sshll.u32 s0, $0xA;
	s2 =	sadd.s32 s3, s2  }
0x8d: {  	s2 =	sadd.s32 s2, s16  }
0x8e: {  	[smem:$0x3FA8] =	sst s2  }
0x8f: {  	_ = 	snop  }
0x90: {  	(tm) =	ssettm $0x1  }
0x91: {  	s17 =	sld [smem:$0x3FFB];
	_ =	sdelay $0x3  }
0x92: {  	_ =	strace s17  }
0x93: {  	s2 =	sld [smem:$0x3FFC];
	_ =	sdelay $0x3  }
0x94: {  	_ =	strace s2  }
0x95: {  	s2 =	sld [smem:$0x3FFD];
	_ =	sdelay $0x3  }
0x96: {  	_ =	strace s2  }
0x97: {  	_ =	strace $0x8FFFFFFF  }
0x98: {  	s18 =	sld [smem:$0x3FDB];
	_ =	sdelay $0x1  }
0x99: {  	s19 =	simm.s32 $_scs_section_size  }
0x9a: {  	s4 =	simm.s32 $_size__tile_overlayer_lowered;
	s5 =	simm.s32 $_tile_overlayer_lowered  }
0x9b: {  	s22 =	simm.s32 $0x1BFF;
	s21 =	sshll.u32 s5, $0x1;
	s2 =	sadd.s32 s19, s18  }
0x9c: {  	s6 =	simm.s32 $0x0;
	s20 =	sshll.u32 s4, $0x1;
	s4 =	sadd.s32 s21, s2  }
0x9d: {  	[timem:s6], [sflag:s22] =	dma.local [hbm:s4], s20  }
0x9e: {  	_ =	swait.ge [sflag:s22], s20  }
0x9f: {  	s3 =	ssub.s32 $0x0, s20;
	[sflag:s22] =	ssyncset.done $0x0  }
0xa0: {  	[sflag:s22] =	ssyncadd.s32 s3;
	_ =	sdelay $0x1  }
0xa1: {  	s23 =	simm.s32 $0x1B8B  }
0xa2: {  	_ =	swait.ge [sflag:s23], $0x1  }
0xa3: {  	[sflag:s23] =	ssyncset.done $0x0  }
0xa4: {  	s25 =	simm.s32 $0x1B8E;
	s24 =	sld [smem:$0x3FFE];
	[sflag:s23] =	ssyncadd.s32 $0xFFFFFFFF  }
0xa5: {  	s26 =	simm.s32 $execute0_lowered;
	[smem:$0x3FD2] =	sst s25  }
0xa6: {  	s4 =	sshll.u32 s26, $0x1;
	_ =	strace $0x8000004C;
	[dreg:$0x1] =	wrdreg $0xFFFFFFFF  }
0xa7: {  	s28 =	simm.s32 $_size_execute0_lowered;
	s2 =	sadd.s32 s2, s4;
	[dreg:$0x0] =	wrdreg $0x0  }
0xa8: {  	s4 =	sshll.u32 s28, $0x1;
	[dreg:$0x2] =	wrdreg s2  }
0xa9: {  	[dreg:$0x3] =	wrdreg s4  }
0xaa: {  	[dreg:$0x4] =	wrdreg $0xC0  }
0xab: {  	_ =	task [dreg:s6], $0x5FFFF  }
0xac: {  	[dreg:$0x1] =	wrdreg $0xFFFFFFFF  }
0xad: {  	[dreg:$0x0] =	wrdreg $0x60  }
0xae: {  	[dreg:$0x2] =	wrdreg s24  }
0xaf: {  	[dreg:$0x3] =	wrdreg $0xA8000  }
0xb0: {  	[dreg:$0x4] =	wrdreg $0x9  }
0xb1: {  	_ =	task.clear_ibuf [dreg:s6], $0x5FFFF;
	_ =	strace $0x9000004C  }
0xb2: {  	s29 =	simm.s32 $0x9;
	_ =	strace $0x8000004E  }
0xb3: {  	_ =	swait.ge [sflag:s29], $0x1  }
0xb4: {  	[sflag:s29] =	ssyncadd.s32 $0xFFFFFFFF  }
0xb5: {  	_ =	strace $0x9000004E  }
0xb6: {  	_ =	sfence  }
0xb7: {  	s30 =	sld [smem:$0x0];
	_ =	sdelay $0x2  }
0xb8: {  	s31 =	sshll.u32 s1, $0xD;
	s1 =	sshrl.u32 s1, $0x2  }
0xb9: {  	s3 =	sand.u32 $0x4000, s31;
	s1 =	sadd.s32 s1, s30  }
0xba: {  	s0 =	sor.u32 s3, s0;
	s1 =	sshll.u32 s1, $0x11  }
0xbb: {  	s0 =	sor.u32 s1, s0  }
0xbc: {  	s0 =	sadd.s32 $0x8F2B, s0  }
0xbd: {  	[sflag:s0] =	ssyncadd.remote.s32 $0x1  }
0xbe: {  	_ =	sfence.sel $0xFFFF  }
0xbf: {  	[dreg:$0x0] =	wrdreg $0xFFFFFFFF;
	(pc) =	sbr.abs _section_cstart, $3  }
0xc0: {  	[dreg:$0x1] =	wrdreg $0xFFFFFFFF  }
0xc1: {  	_ =	task.clear_ibuf [dreg:s6], $0x2FFFF;
	_ =	strace $0x9FFFFFFF  }
0xc2: {  	(tm) =	ssettm $0x7FFFFFFF  }
0xc3: {  	_ =	shalt  }
tec
execute0_lowered:
.L_overlay_start_1:
0x0: {  	(tag) =	ssettag $0x1  }
0x1: {  	s12 =	rddreg [dreg:$0x0]  }
0x2: {  	s1 =	rddreg [dreg:$0x1]  }
0x3: {  	s2 =	srdreg.scid;
	s0 =	rddreg [dreg:$0x2]  }
0x4: {  	s3 =	simm.s32 $0x0;
	s17 =	simm.s32 $0x80;
	s18 =	simm.s32 $0x2800  }
0x5: {  	s19 =	simm.s32 $0x6800;
	s20 =	simm.s32 $0x1;
	s21 =	simm.s32 $0x2  }
0x6: {  	s10 =	sand.u32 $0x1, s2;
	[smem:$0x7FF] =	sst s3;
	s2 =	stileid.u32  }
0x7: {  	s5 =	sadd.s32 $0x1176600, s12;
	s4 =	sshll.u32 s10, $0x4;
	s8 =	smul.u32 $0x2800, s2  }
0x8: {  	_ =	strace $0x8000004D;
	s9 =	ssub.s32 $0x2, s10;
	s15 =	smul.u32 $0x50000, s2  }
0x9: {  	p0 =	seq.s32 s10, $0x1;
	s31 =	sshll.u32 s2, $0x6;
	s7 =	sor.u32 s2, s4  }
0xa: {  	s4 =	sadd.s32 $0x23F600, s12;
	s13 =	sshrl.u32 s9, $0x1;
	s6 =	smul.u32 $0x280, s7  }
0xb: {  	s14 =	sadd.s32 s8, s12;
	s13 =	ssub.s32 s9, s13;
	s30 =	sshrl.u32 s15, $0x2  }
0xc: {  	s7 =	smul.u32 $0x28, s7;
	s15 =	simm.s32 $0x37F600;
	s16 =	sadd.s32 s30, s1  }
0xd: {  	s10 =	sadd.s32 $0x37600, s14;
	s15 =	simm.s32 @!p0 $0x5F600;
	s14 =	simm.s32 $0x1400  }
0xe: {  	s11 =	sadd.s32 s6, s12;
	s6 =	smul.u32 $0x280, s2;
	s12 =	sadd.s32 s15, s12  }
0xf: {  	s15 =	sor.u32 $0x1C03, s31;
	s16 =	sshrl.u32 s16, $0x3;
	s8 =	sadd.s32 $0x32600, s11  }
0x10: {  	s9 =	sadd.s32 $0x5600, s11;
	s11 =	smax.u32 s13, $0x1;
	s13 =	simm.s32 $0x3  }
.LBB2_1:
0x11: {  	s22 =	simm.s32 $0x0  }
.LBB2_2:
0x12: {  	s23 =	simm.s32 $0x0  }
0x13: {  	[tilespmem:s23], [sflag:$0x3] =	stream.linear.gather [hbm4b:s8+s23], $0x1400, $0x38;
	[tilespmem:$0x1E800] =	vst v63  }
0x14: {  	_ =	swait.ge [sflag:s13], $0x1400  }
0x15: {  	[sflag:s13] =	ssyncset.done $0x0  }
0x16: {  	[sflag:s13] =	ssyncadd.s32 $0xFFFFEC00  }
0x17: {  	[tilespmem:s14], [sflag:$0x3] =	stream.linear.gather [hbm4b:s9+s23], $0x1400, $0x38;
	[tilespmem:$0x1E800] =	vst v63  }
0x18: {  	s23 =	smul.u32 $0x2800, s22;
	_ =	swait.ge [sflag:s13], $0x1400  }
0x19: {  	[sflag:s13] =	ssyncset.done $0x0  }
0x1a: {  	s24 =	simm.s32 $0x0;
	s25 =	simm.s32 $0x40;
	v0 =	vmov s23;
	[sflag:s13] =	ssyncadd.s32 $0xFFFFEC00  }
.LBB2_3:
0x1b: {  	p0 =	sne.s32 s25, $0x4FC0;
	v1 =	vld [tilespmem:s24+$0x0];
	_ =	sdelay $0x1  }
.Ltmp0:
0x1c: {  	(pc) =	sbr.rel @p0 .LBB2_3-.Ltmp0, $3  }
0x1d: {  	_ =	sdelay $0x1  }
0x1e: {  	v1 =	vadd.s32 v0, v1  }
0x1f: {  	[tilespmem:s24+$0x0] =	vst v1;
	s24 =	sshra.s32 s25, $0x2;
	s25 =	sadd.s32 $0x40, s25  }
0x20: {  	v1 =	vld [tilespmem:s24+$0x0];
	_ =	sdelay $0x4  }
0x21: {  	v0 =	vadd.s32 v0, v1  }
0x22: {  	[tilespmem:s24+$0x0] =	vst v0  }
0x23: {  	[spmem:s16], [sflag:s15] =	dma.local [hbm:s10], $0x2800  }
0x24: {  	_ =	swait.ge [sflag:s13], $0x2800  }
0x25: {  	[sflag:s13] =	ssyncset.done $0x0  }
0x26: {  	s25 =	simm.s32 $0x0;
	[sflag:s13] =	ssyncadd.s32 $0xFFFFD800  }
0x27: {  	s26 =	simm.s32 $0x0;
	s24 =	smul.u32 $0x1400000, s22;
	[bflag:$0x0] =	sbarrier.arrive $0xFFFF  }
.LBB2_5:
0x28: {  	s28 =	sshll.u32 s26, $0x9;
	s29 =	sadd.s32 s7, s26  }
0x29: {  	s28 =	sshrl.u32 s28, $0x2;
	s29 =	sshll.u32 s29, $0xE  }
0x2a: {  	[tilespmem:s18], [sflag:$0x1] =	stream.indirect.gather [hbm4b:s4+s17], $0x80, s28, s17, $0xb8;
	[tilespmem:$0x1E800] =	vst v63  }
0x2b: {  	s29 =	sadd.s32 s24, s29  }
0x2c: {  	s29 =	sshrl.u32 s29, $0x3  }
0x2d: {  	s29 =	sadd.s32 s5, s29  }
0x2e: {  	[tilespmem:s19], [sflag:$0x2] =	stream.linear.gather [hbm4b:s29+s25], $0x4000, $0x38;
	[tilespmem:$0x1E800] =	vst v63  }
0x2f: {  	_ =	swait.ge [sflag:s20], $0x4000  }
0x30: {  	[sflag:s20] =	ssyncset.done $0x0  }
0x31: {  	[sflag:s20] =	ssyncadd.s32 $0xFFFFC000  }
0x32: {  	_ =	swait.ge [sflag:s21], $0x4000  }
0x33: {  	[sflag:s21] =	ssyncset.done $0x0  }
0x34: {  	s29 =	simm.s32 $0x0;
	[sflag:s21] =	ssyncadd.s32 $0xFFFFC000  }
0x35: {  	v6 =	vld [tilespmem:s29+$0x6800]  }
0x36: {  	v11 =	vld [tilespmem:s29+$0x6810]  }
0x37: {  	v5 =	vld [tilespmem:s29+$0x6820]  }
0x38: {  	v4 =	vld [tilespmem:s29+$0x6830]  }
0x39: {  	v3 =	vld [tilespmem:s29+$0x6840]  }
0x3a: {  	v2 =	vld [tilespmem:s29+$0x6850]  }
0x3b: {  	v1 =	vld [tilespmem:s29+$0x6860]  }
0x3c: {  	v0 =	vld [tilespmem:s29+$0x6870]  }
0x3d: {  	v12 =	vld [tilespmem:s29+$0x2800]  }
0x3e: {  	v13 =	vld [tilespmem:s29+$0x2810]  }
0x3f: {  	v10 =	vld [tilespmem:s29+$0x2820]  }
0x40: {  	v9 =	vld [tilespmem:s29+$0x2830]  }
0x41: {  	v8 =	vld [tilespmem:s29+$0x2840]  }
0x42: {  	v7 =	vld [tilespmem:s29+$0x2850];
	v12 =	vadd.f32 v6, v12  }
0x43: {  	s30 =	simm.s32 $0x200;
	v11 =	vadd.f32 v11, v13;
	v6 =	vld [tilespmem:s29+$0x2860]  }
.LBB2_6:
0x44: {  	s31 =	sshra.s32 s30, $0x2;
	p0 =	sne.s32 s30, $0xFE00;
	v12 =	vmax.f32 v12, $0.0e+00;
	v5 =	vadd.f32 v5, v10;
	v10 =	vld [tilespmem:s29+$0x2870]  }
0x45: {  	v13 =	vld [tilespmem:s31+$0x6800];
	[tilespmem:s29+$0x2800] =	vst v12;
	v11 =	vmax.f32 v11, $0.0e+00;
	v4 =	vadd.f32 v4, v9  }
0x46: {  	v14 =	vld [tilespmem:s31+$0x6810];
	[tilespmem:s29+$0x2810] =	vst v11;
	v9 =	vmax.f32 v5, $0.0e+00;
	v3 =	vadd.f32 v3, v8  }
0x47: {  	v5 =	vld [tilespmem:s31+$0x6820];
	[tilespmem:s29+$0x2820] =	vst v9;
	v8 =	vmax.f32 v4, $0.0e+00;
	v2 =	vadd.f32 v2, v7  }
0x48: {  	v4 =	vld [tilespmem:s31+$0x6830];
	[tilespmem:s29+$0x2830] =	vst v8;
	v7 =	vmax.f32 v3, $0.0e+00;
	v1 =	vadd.f32 v1, v6  }
0x49: {  	v3 =	vld [tilespmem:s31+$0x6840];
	[tilespmem:s29+$0x2840] =	vst v7;
	v6 =	vmax.f32 v2, $0.0e+00;
	v0 =	vadd.f32 v0, v10  }
0x4a: {  	v2 =	vld [tilespmem:s31+$0x6850];
	[tilespmem:s29+$0x2850] =	vst v6;
	v6 =	vmax.f32 v1, $0.0e+00  }
0x4b: {  	v1 =	vld [tilespmem:s31+$0x6860];
	[tilespmem:s29+$0x2860] =	vst v6;
	v6 =	vmax.f32 v0, $0.0e+00  }
0x4c: {  	v0 =	vld [tilespmem:s31+$0x6870];
	[tilespmem:s29+$0x2870] =	vst v6;
	s29 =	smov.u32 s31  }
0x4d: {  	v6 =	vld [tilespmem:s29+$0x2800]  }
0x4e: {  	v11 =	vld [tilespmem:s29+$0x2810]  }
.Ltmp1:
0x4f: {  	v10 =	vld [tilespmem:s29+$0x2820];
	(pc) =	sbr.rel @p0 .LBB2_6-.Ltmp1, $4  }
0x50: {  	v9 =	vld [tilespmem:s29+$0x2830]  }
0x51: {  	v8 =	vld [tilespmem:s29+$0x2840]  }
0x52: {  	v12 =	vadd.f32 v13, v6;
	v7 =	vld [tilespmem:s29+$0x2850]  }
0x53: {  	s30 =	sadd.s32 $0x200, s30;
	v11 =	vadd.f32 v14, v11;
	v6 =	vld [tilespmem:s29+$0x2860]  }
0x54: {  	v12 =	vmax.f32 v12, $0.0e+00;
	v5 =	vadd.f32 v5, v10;
	v63 =	vld [tilespmem:s29+$0x2870]  }
0x55: {  	[tilespmem:s29+$0x2800] =	vst v12;
	v11 =	vmax.f32 v11, $0.0e+00;
	v4 =	vadd.f32 v4, v9  }
0x56: {  	[tilespmem:s29+$0x2810] =	vst v11;
	v5 =	vmax.f32 v5, $0.0e+00;
	v3 =	vadd.f32 v3, v8  }
0x57: {  	[tilespmem:s29+$0x2820] =	vst v5;
	v4 =	vmax.f32 v4, $0.0e+00;
	v2 =	vadd.f32 v2, v7  }
0x58: {  	[tilespmem:s29+$0x2830] =	vst v4;
	v3 =	vmax.f32 v3, $0.0e+00;
	v1 =	vadd.f32 v1, v6  }
0x59: {  	[tilespmem:s29+$0x2840] =	vst v3;
	v2 =	vmax.f32 v2, $0.0e+00;
	v0 =	vadd.f32 v0, v63  }
0x5a: {  	s26 =	sadd.s32 $0x1, s26;
	[tilespmem:s29+$0x2850] =	vst v2;
	v1 =	vmax.f32 v1, $0.0e+00  }
0x5b: {  	p0 =	sne.s32 s26, $0x28;
	[tilespmem:s29+$0x2860] =	vst v1;
	v0 =	vmax.f32 v0, $0.0e+00  }
.Ltmp2:
0x5c: {  	s28 =	sadd.s32 $0x1400, s28;
	[tilespmem:s29+$0x2870] =	vst v0;
	(pc) =	sbr.rel @p0 .LBB2_5-.Ltmp2, $4  }
0x5d: {  	[spmem:s1] =	stream.indirect.scatter.add.f32 [tilespmem:s18], [sflag:$0x3], $0x80, s28, s17, $0xb8;
	[tilespmem:$0x1E800] =	vst v63  }
0x5e: {  	_ =	swait.ge [sflag:s13], $0x4000  }
0x5f: {  	[sflag:s13] =	ssyncset.done $0x0  }
0x60: {  	[sflag:s13] =	ssyncadd.s32 $0xFFFFC000  }
0x61: {  	s23 =	sadd.s32 s6, s23  }
0x62: {  	s22 =	sadd.s32 $0x1, s22;
	s23 =	sshll.u32 s23, $0x4  }
0x63: {  	[bflag:$0x0] =	sbarrier.arrive $0xFFFF;
	p0 =	sne.s32 s22, $0x8;
	s23 =	sadd.s32 s12, s23  }
0x64: {  	[hbm:s23], [sflag:s15] =	dma.local [spmem:s16], $0x2800  }
.Ltmp3:
0x65: {  	_ =	swait.ge [sflag:s13], $0x2800;
	(pc) =	sbr.rel @p0 .LBB2_2-.Ltmp3, $3  }
0x66: {  	[sflag:s13] =	ssyncset.done $0x0  }
0x67: {  	[sflag:s13] =	ssyncadd.s32 $0xFFFFD800  }
0x68: {  	[bflag:$0x0] =	sbarrier.arrive $0xFFFF;
	_ =	sdelay $0x1  }
0x69: {  	s3 =	sadd.s32 $0x1, s3  }
0x6a: {  	p0 =	sne.s32 s3, s11  }
.Ltmp4:
0x6b: {  	_ = 	snop;
	(pc) =	sbr.rel @p0 .LBB2_1-.Ltmp4, $1  }
0x6c: {  	_ =	sdelay $0x3  }
0x6d: {  	_ =	sfence.sel $0x180000  }
0x6e: {  	[bflag:$0x0] =	sbarrier.arrive $0xFFFF  }
0x6f: {  	p0 =	sne.s32 s2, $0x0;
	_ =	strace $0x9000004D  }
0x70: {  	s0 =	sadd.s32 @!p0 $0x100000, s0;
	[bflag:$0x2] =	sbarrier.arrive $0xFFFF  }
0x71: {  	[sflag:s0] =	ssyncadd.tile.s32 @!p0 $0x1;
	_ =	shalt  }
.Lfunc_end2:
_tile_overlayer_lowered:
.L_overlay_start_2:
0x72: {  	(tag) =	ssettag $0x2  }
0x73: {  	s0 =	rddreg [dreg:$0x0];
	s2 =	stileid.u32  }
0x74: {  	s1 =	rddreg [dreg:$0x1];
	p0 =	sne.s32 s2, $0x0  }
0x75: {  	s3 =	rddreg [dreg:$0x2];
	[bflag:$0x3] =	sbarrier.arrive $0xFFFF;
	s2 =	simm.s32 @!p0 $0x1C03  }
0x76: {  	[timem:s3], [sflag:s2] =	dma.local @!p0 [hbm:s0], s1  }
0x77: {  	s0 =	simm.s32 @!p0 $0x3  }
0x78: {  	_ =	swait.ge @!p0 [sflag:s0], s1  }
0x79: {  	s1 =	ssub.s32 @!p0 $0x0, s1;
	[sflag:s0] =	ssyncset.done @!p0 $0x0  }
0x7a: {  	[sflag:s0] =	ssyncadd.s32 @!p0 s1  }
0x7b: {  	[bflag:$0x3] =	sbarrier.arrive $0xFFFF  }
0x7c: {  	_ =	shalt  }

</sc_bundles>
